<compile_context>
chip_gen: v7x
topology: tpu7x:2x2x1
jax: 0.10.2.dev20260603
libtpu: 0.0.44.dev20260713+nightly
codegen_flags: <defaults>
</compile_context>

<pallas_src>
import functools

import jax
import jax.numpy as jnp
from jax import lax
from jax.experimental import pallas as pl
from jax.experimental.pallas import tpu as pltpu
from jax.experimental.pallas import tpu_sc as plsc

N = 10000
E = 320000
F = 128

NC = 2
NS = 16
NW = NC * NS
EPT = E // NW
C = 80
NCHUNK = EPT // C
NPAD = 10240
RPT = NPAD // NS
ZROWS = 32
NBUF = 4
NIB = 5
CPT = NPAD // NS


def _make_sc_agg(with_counts: bool):
    mesh = plsc.VectorSubcoreMesh(core_axis_name="c", subcore_axis_name="s")
    out_type = [jax.ShapeDtypeStruct((NC, N, F), jnp.float32)]
    if with_counts:
        out_type.append(jax.ShapeDtypeStruct((NC, NPAD), jnp.float32))

    scratch = [
        pltpu.VMEM_SHARED((NPAD, F), jnp.float32),
        pltpu.VMEM_SHARED((NPAD,), jnp.float32),
        pltpu.VMEM((ZROWS, F), jnp.float32),
        pltpu.VMEM((CPT,), jnp.float32),
        pltpu.VMEM((NIB, C), jnp.int32),
        pltpu.VMEM((NIB, C), jnp.int32),
        pltpu.VMEM((NBUF, C, F), jnp.float32),
        pltpu.VMEM((C,), jnp.float32),
        pltpu.SemaphoreType.DMA,
        pltpu.SemaphoreType.DMA,
        pltpu.SemaphoreType.DMA,
    ]

    @functools.partial(
        pl.kernel, mesh=mesh, out_type=tuple(out_type),
        scratch_types=tuple(scratch),
    )
    def sc_agg(x_hbm, edge_hbm, *rest):
        if with_counts:
            sums_hbm, cnt_hbm = rest[0], rest[1]
            rest = rest[2:]
        else:
            sums_hbm, cnt_hbm = rest[0], None
            rest = rest[1:]
        (acc_sh, cnt_sh, zb, zc, sbuf, dbuf, rows, ones_v,
         isem, gsem, zsem) = rest

        cid = lax.axis_index("c")
        sid = lax.axis_index("s")
        wid = sid * NC + cid

        ebase = wid * EPT

        def fire_idx(g):
            base = ebase + g * C
            b = g % NIB
            pltpu.async_copy(edge_hbm.at[pl.ds(base, C)], sbuf.at[b], isem)
            pltpu.async_copy(edge_hbm.at[pl.ds(E + base, C)], dbuf.at[b],
                             isem)

        def wait_idx():
            pltpu.make_async_copy(edge_hbm.at[pl.ds(0, C)], sbuf.at[0],
                                  isem).wait()
            pltpu.make_async_copy(edge_hbm.at[pl.ds(0, C)], dbuf.at[0],
                                  isem).wait()

        fire_idx(0)
        fire_idx(1)
        fire_idx(2)

        z16 = jnp.zeros((16,), jnp.float32)

        def zb_body(i, _):
            zb[i // (F // 16), pl.ds((i % (F // 16)) * 16, 16)] = z16
            return 0
        lax.fori_loop(0, ZROWS * (F // 16), zb_body, 0)

        if with_counts:
            def zc_body(i, _):
                zc[pl.ds(i * 16, 16)] = z16
                return 0
            lax.fori_loop(0, CPT // 16, zc_body, 0)

            def ones_body(i, _):
                ones_v[pl.ds(i * 16, 16)] = jnp.ones((16,), jnp.float32)
                return 0
            lax.fori_loop(0, C // 16, ones_body, 0)

        r0 = sid * RPT
        for r in range(RPT // ZROWS):
            pltpu.async_copy(zb, acc_sh.at[pl.ds(r0 + r * ZROWS, ZROWS)],
                             zsem)
        c0 = sid * CPT
        if with_counts:
            pltpu.async_copy(zc, cnt_sh.at[pl.ds(c0, CPT)], zsem)
        for r in range(RPT // ZROWS):
            pltpu.make_async_copy(zb, acc_sh.at[pl.ds(r0, ZROWS)],
                                  zsem).wait()
        if with_counts:
            pltpu.make_async_copy(zc, cnt_sh.at[pl.ds(c0, CPT)], zsem).wait()

        plsc.subcore_barrier()

        def fire_gather(g):
            pltpu.async_copy(x_hbm.at[sbuf.at[g % NIB]], rows.at[g % NBUF],
                             gsem)

        def wait_gather(g):
            pltpu.make_async_copy(x_hbm.at[sbuf.at[g % NIB]],
                                  rows.at[g % NBUF], gsem).wait()

        def scat(g):
            pltpu.sync_copy(rows.at[g % NBUF], acc_sh.at[dbuf.at[g % NIB]],
                            add=True)
            if with_counts:
                pltpu.sync_copy(ones_v, cnt_sh.at[dbuf.at[g % NIB]],
                                add=True)

        wait_idx()
        fire_gather(0)
        wait_idx()
        fire_gather(1)

        def chunk_body(g, _):
            wait_gather(g)

            @pl.when(g + 3 < NCHUNK)
            def _():
                fire_idx(g + 3)

            @pl.when(g + 2 < NCHUNK)
            def _():
                wait_idx()
                fire_gather(g + 2)

            scat(g)
            return 0
        lax.fori_loop(0, NCHUNK, chunk_body, 0)

        plsc.subcore_barrier()

        if with_counts:
            pltpu.sync_copy(cnt_sh.at[pl.ds(c0, CPT)],
                            cnt_hbm.at[cid, pl.ds(c0, CPT)])

        @pl.when(sid < NS - 1)
        def _():
            pltpu.sync_copy(acc_sh.at[pl.ds(r0, RPT)],
                            sums_hbm.at[cid, pl.ds(r0, RPT)])

        @pl.when(sid == NS - 1)
        def _():
            tail = N - (NS - 1) * RPT
            pltpu.sync_copy(acc_sh.at[pl.ds((NS - 1) * RPT, tail)],
                            sums_hbm.at[cid, pl.ds((NS - 1) * RPT, tail)])

    return sc_agg


_sc_agg_counts = _make_sc_agg(True)
_sc_agg_nocounts = _make_sc_agg(False)


def _make_tc_mm(relu: bool):
    R = 1000
    grid = (N // R,)

    def mm_body(s0_ref, s1_ref, x_ref, c0_ref, c1_ref, wl_ref, wr_ref, b_ref,
                o_ref):
        c = c0_ref[0] + c1_ref[0]
        scale = 1.0 / jnp.maximum(c, 1.0)
        agg = (s0_ref[0] + s1_ref[0]) * scale
        out = (jnp.dot(agg, wl_ref[...], preferred_element_type=jnp.float32)
               + jnp.dot(x_ref[...], wr_ref[...],
                         preferred_element_type=jnp.float32)
               + b_ref[...])
        if relu:
            out = jnp.maximum(out, 0.0)
        o_ref[...] = out

    half0_spec = pl.BlockSpec((1, R, F), lambda i: (0, i, 0))
    half1_spec = pl.BlockSpec((1, R, F), lambda i: (1, i, 0))
    col0_spec = pl.BlockSpec((1, R, 1), lambda i: (0, i, 0))
    col1_spec = pl.BlockSpec((1, R, 1), lambda i: (1, i, 0))
    row_spec = pl.BlockSpec((R, F), lambda i: (i, 0))
    full_spec = pl.BlockSpec((F, F), lambda i: (0, 0))
    bias_spec = pl.BlockSpec((1, F), lambda i: (0, 0))

    return pl.pallas_call(
        mm_body,
        grid=grid,
        in_specs=[half0_spec, half1_spec, row_spec, col0_spec, col1_spec,
                  full_spec, full_spec, bias_spec],
        out_specs=row_spec,
        out_shape=jax.ShapeDtypeStruct((N, F), jnp.float32),
    )


_tc_mm_relu = _make_tc_mm(True)
_tc_mm = _make_tc_mm(False)


def kernel(x, edge_index, W1l, W1r, b1, W2l, W2r, b2):
    edge_flat = edge_index.astype(jnp.int32).reshape(2 * E)
    b1r = b1.reshape(1, F)
    b2r = b2.reshape(1, F)

    sums1, cnt = _sc_agg_counts(x, edge_flat)
    cnt3 = cnt.reshape(NC, NPAD, 1)
    h = _tc_mm_relu(sums1, sums1, x, cnt3, cnt3, W1l, W1r, b1r)

    (sums2,) = _sc_agg_nocounts(h, edge_flat)
    out = _tc_mm(sums2, sums2, h, cnt3, cnt3, W2l, W2r, b2r)
    return out

# --- scband reference (transcript-rebuilt; emitter-appended) ---
"""Pipeline reference for scband-gnn-39230231282214 (READ-ONLY COPY).

The authoritative reference and input builder live on the scoring server;
editing this copy changes nothing except your own understanding.
"""

import jax, jax.numpy as jnp
import numpy as np

N = 10000
E = 320000
F = 128
H = 128


def setup_inputs(seed: int = 0) -> dict:
    key = jax.random.key(seed)
    ks = jax.random.split(key, 8)
    x = jax.random.normal(ks[0], (N, F), dtype=jnp.float32)
    edge_index = jax.random.randint(ks[1], (2, E), 0, N, dtype=jnp.int64)
    # SAGEConv layer 1 params (lin_l applied to aggregated neighbors, lin_r to root)
    W1l = jax.random.normal(ks[2], (F, H), dtype=jnp.float32) * (1.0 / np.sqrt(F))
    W1r = jax.random.normal(ks[3], (F, H), dtype=jnp.float32) * (1.0 / np.sqrt(F))
    b1 = jnp.zeros((H,), dtype=jnp.float32)
    # SAGEConv layer 2 params
    W2l = jax.random.normal(ks[4], (H, H), dtype=jnp.float32) * (1.0 / np.sqrt(H))
    W2r = jax.random.normal(ks[5], (H, H), dtype=jnp.float32) * (1.0 / np.sqrt(H))
    b2 = jnp.zeros((H,), dtype=jnp.float32)
    return {"x": x, "edge_index": edge_index, "W1l": W1l, "W1r": W1r, "b1": b1,
            "W2l": W2l, "W2r": W2r, "b2": b2}


def _sage_conv(x, edge_index, Wl, Wr, b):
    # PyG-style SAGEConv with mean aggregation:
    # out = lin_l(mean_{j in N(i)} x_j) + lin_r(x_i)
    src = edge_index[0]
    dst = edge_index[1]
    n = x.shape[0]
    msg = jnp.take(x, src, axis=0)                       # gather source features
    summed = jax.ops.segment_sum(msg, dst, num_segments=n)
    cnt = jax.ops.segment_sum(jnp.ones((edge_index.shape[1],), dtype=x.dtype),
                              dst, num_segments=n)
    agg = summed / jnp.clip(cnt, 1.0)[:, None]           # mean, safe for isolated nodes
    return agg @ Wl + x @ Wr + b


def reference(x, edge_index, W1l, W1r, b1, W2l, W2r, b2):
    h = _sage_conv(x, edge_index, W1l, W1r, b1)
    h = jax.nn.relu(h)
    out = _sage_conv(h, edge_index, W2l, W2r, b2)
    return out

if __name__ == "__main__":
    import jax
    _d = setup_inputs()
    print(jax.jit(kernel)(*tuple(_d.values())))

</pallas_src>

<mosaic_0001>
#map = affine_map<(d0, d1) -> (0, 0)>
#map1 = affine_map<(d0, d1) -> (0)>
#map2 = affine_map<(d0, d1) -> (0, 0, 0)>
module attributes {stable_mosaic.version = 14 : i64} {
  func.func @sc_agg(%arg0: i32, %arg1: i32, %arg2: memref<10000x128xf32, #tpu.memory_space<hbm>>, %arg3: memref<640000xi32, #tpu.memory_space<hbm>>, %arg4: memref<2x10000x128xf32, #tpu.memory_space<hbm>>, %arg5: memref<10240x128xf32, #tpu.memory_space<vmem_shared>>, %arg6: memref<10240xf32, #tpu.memory_space<vmem_shared>>, %arg7: memref<32x128xf32, #tpu.memory_space<vmem>>, %arg8: memref<640xf32, #tpu.memory_space<vmem>>, %arg9: memref<5x80xi32, #tpu.memory_space<vmem>>, %arg10: memref<5x80xi32, #tpu.memory_space<vmem>>, %arg11: memref<4x80x128xf32, #tpu.memory_space<vmem>>, %arg12: memref<80xf32, #tpu.memory_space<vmem>>, %arg13: memref<!tpu.dma_semaphore, #tpu.memory_space<semaphore_mem>>, %arg14: memref<!tpu.dma_semaphore, #tpu.memory_space<semaphore_mem>>, %arg15: memref<!tpu.dma_semaphore, #tpu.memory_space<semaphore_mem>>) attributes {dimension_semantics = [#tpu.dimension_semantics<core_parallel>, #tpu.dimension_semantics<subcore_parallel>], iteration_bounds = array<i64: 2, 16>, scalar_prefetch = 0 : i64, scratch_operands = 11 : i64, tpu.core_type = #tpu.core_type<sc_vector_subcore>, window_params = [{transform_indices = #map}, {transform_indices = #map1}, {transform_indices = #map2}]} {
    %mul3A = arith.constant 2 : i32
    %mul3A_0 = arith.muli %arg1, %mul3A : i32
    %add3A = arith.addi %mul3A_0, %arg0 : i32
    %mul3A_1 = arith.constant 10000 : i32
    %mul3A_2 = arith.muli %add3A, %mul3A_1 : i32
    %add3A_3 = arith.constant 0 : i32
    %add3A_4 = arith.addi %mul3A_2, %add3A_3 : i32
    %dma_start3A = arith.constant 0 : i32
    %dma_start3A_5 = arith.constant 0 : i32
    %dma_start3A_6 = tpu.memref_slice %arg9[%dma_start3A, %dma_start3A_5] : memref<5x80xi32, #tpu.memory_space<vmem>> -> memref<1x80xi32, #tpu.memory_space<vmem>>
    %dma_start3A_7 = tpu.memref_squeeze %dma_start3A_6 : memref<1x80xi32, #tpu.memory_space<vmem>> -> memref<80xi32, #tpu.memory_space<vmem>>
    %dma_start3A_8 = tpu.memref_slice %arg3[%add3A_4] : memref<640000xi32, #tpu.memory_space<hbm>> -> memref<80xi32, #tpu.memory_space<hbm>>
    %dma_start3A_9 = arith.constant 0 : i32
    %dma_start3A_10 = tpu.memref_slice %arg9[%dma_start3A, %dma_start3A_9] : memref<5x80xi32, #tpu.memory_space<vmem>> -> memref<1x80xi32, #tpu.memory_space<vmem>>
    %dma_start3A_11 = tpu.memref_squeeze %dma_start3A_10 : memref<1x80xi32, #tpu.memory_space<vmem>> -> memref<80xi32, #tpu.memory_space<vmem>>
    %dma_start3A_12 = tpu.memref_slice %arg3[%add3A_4] : memref<640000xi32, #tpu.memory_space<hbm>> -> memref<80xi32, #tpu.memory_space<hbm>>
    tpu.enqueue_dma source(%dma_start3A_12 : memref<80xi32, #tpu.memory_space<hbm>>) target(%dma_start3A_11 : memref<80xi32, #tpu.memory_space<vmem>>) target_semaphore(%arg13 : memref<!tpu.dma_semaphore, #tpu.memory_space<semaphore_mem>>)
    %add3A_13 = arith.constant 320000 : i32
    %add3A_14 = arith.addi %add3A_13, %add3A_4 : i32
    %dma_start3A_15 = arith.constant 0 : i32
    %dma_start3A_16 = arith.constant 0 : i32
    %dma_start3A_17 = tpu.memref_slice %arg10[%dma_start3A_15, %dma_start3A_16] : memref<5x80xi32, #tpu.memory_space<vmem>> -> memref<1x80xi32, #tpu.memory_space<vmem>>
    %dma_start3A_18 = tpu.memref_squeeze %dma_start3A_17 : memref<1x80xi32, #tpu.memory_space<vmem>> -> memref<80xi32, #tpu.memory_space<vmem>>
    %dma_start3A_19 = tpu.memref_slice %arg3[%add3A_14] : memref<640000xi32, #tpu.memory_space<hbm>> -> memref<80xi32, #tpu.memory_space<hbm>>
    %dma_start3A_20 = arith.constant 0 : i32
    %dma_start3A_21 = tpu.memref_slice %arg10[%dma_start3A_15, %dma_start3A_20] : memref<5x80xi32, #tpu.memory_space<vmem>> -> memref<1x80xi32, #tpu.memory_space<vmem>>
    %dma_start3A_22 = tpu.memref_squeeze %dma_start3A_21 : memref<1x80xi32, #tpu.memory_space<vmem>> -> memref<80xi32, #tpu.memory_space<vmem>>
    %dma_start3A_23 = tpu.memref_slice %arg3[%add3A_14] : memref<640000xi32, #tpu.memory_space<hbm>> -> memref<80xi32, #tpu.memory_space<hbm>>
    tpu.enqueue_dma source(%dma_start3A_23 : memref<80xi32, #tpu.memory_space<hbm>>) target(%dma_start3A_22 : memref<80xi32, #tpu.memory_space<vmem>>) target_semaphore(%arg13 : memref<!tpu.dma_semaphore, #tpu.memory_space<semaphore_mem>>)
    %add3A_24 = arith.constant 80 : i32
    %add3A_25 = arith.addi %mul3A_2, %add3A_24 : i32
    %dma_start3A_26 = arith.constant 1 : i32
    %dma_start3A_27 = arith.constant 0 : i32
    %dma_start3A_28 = tpu.memref_slice %arg9[%dma_start3A_26, %dma_start3A_27] : memref<5x80xi32, #tpu.memory_space<vmem>> -> memref<1x80xi32, #tpu.memory_space<vmem>>
    %dma_start3A_29 = tpu.memref_squeeze %dma_start3A_28 : memref<1x80xi32, #tpu.memory_space<vmem>> -> memref<80xi32, #tpu.memory_space<vmem>>
    %dma_start3A_30 = tpu.memref_slice %arg3[%add3A_25] : memref<640000xi32, #tpu.memory_space<hbm>> -> memref<80xi32, #tpu.memory_space<hbm>>
    %dma_start3A_31 = arith.constant 0 : i32
    %dma_start3A_32 = tpu.memref_slice %arg9[%dma_start3A_26, %dma_start3A_31] : memref<5x80xi32, #tpu.memory_space<vmem>> -> memref<1x80xi32, #tpu.memory_space<vmem>>
    %dma_start3A_33 = tpu.memref_squeeze %dma_start3A_32 : memref<1x80xi32, #tpu.memory_space<vmem>> -> memref<80xi32, #tpu.memory_space<vmem>>
    %dma_start3A_34 = tpu.memref_slice %arg3[%add3A_25] : memref<640000xi32, #tpu.memory_space<hbm>> -> memref<80xi32, #tpu.memory_space<hbm>>
    tpu.enqueue_dma source(%dma_start3A_34 : memref<80xi32, #tpu.memory_space<hbm>>) target(%dma_start3A_33 : memref<80xi32, #tpu.memory_space<vmem>>) target_semaphore(%arg13 : memref<!tpu.dma_semaphore, #tpu.memory_space<semaphore_mem>>)
    %add3A_35 = arith.constant 320000 : i32
    %add3A_36 = arith.addi %add3A_35, %add3A_25 : i32
    %dma_start3A_37 = arith.constant 1 : i32
    %dma_start3A_38 = arith.constant 0 : i32
    %dma_start3A_39 = tpu.memref_slice %arg10[%dma_start3A_37, %dma_start3A_38] : memref<5x80xi32, #tpu.memory_space<vmem>> -> memref<1x80xi32, #tpu.memory_space<vmem>>
    %dma_start3A_40 = tpu.memref_squeeze %dma_start3A_39 : memref<1x80xi32, #tpu.memory_space<vmem>> -> memref<80xi32, #tpu.memory_space<vmem>>
    %dma_start3A_41 = tpu.memref_slice %arg3[%add3A_36] : memref<640000xi32, #tpu.memory_space<hbm>> -> memref<80xi32, #tpu.memory_space<hbm>>
    %dma_start3A_42 = arith.constant 0 : i32
    %dma_start3A_43 = tpu.memref_slice %arg10[%dma_start3A_37, %dma_start3A_42] : memref<5x80xi32, #tpu.memory_space<vmem>> -> memref<1x80xi32, #tpu.memory_space<vmem>>
    %dma_start3A_44 = tpu.memref_squeeze %dma_start3A_43 : memref<1x80xi32, #tpu.memory_space<vmem>> -> memref<80xi32, #tpu.memory_space<vmem>>
    %dma_start3A_45 = tpu.memref_slice %arg3[%add3A_36] : memref<640000xi32, #tpu.memory_space<hbm>> -> memref<80xi32, #tpu.memory_space<hbm>>
    tpu.enqueue_dma source(%dma_start3A_45 : memref<80xi32, #tpu.memory_space<hbm>>) target(%dma_start3A_44 : memref<80xi32, #tpu.memory_space<vmem>>) target_semaphore(%arg13 : memref<!tpu.dma_semaphore, #tpu.memory_space<semaphore_mem>>)
    %add3A_46 = arith.constant 160 : i32
    %add3A_47 = arith.addi %mul3A_2, %add3A_46 : i32
    %dma_start3A_48 = arith.constant 2 : i32
    %dma_start3A_49 = arith.constant 0 : i32
    %dma_start3A_50 = tpu.memref_slice %arg9[%dma_start3A_48, %dma_start3A_49] : memref<5x80xi32, #tpu.memory_space<vmem>> -> memref<1x80xi32, #tpu.memory_space<vmem>>
    %dma_start3A_51 = tpu.memref_squeeze %dma_start3A_50 : memref<1x80xi32, #tpu.memory_space<vmem>> -> memref<80xi32, #tpu.memory_space<vmem>>
    %dma_start3A_52 = tpu.memref_slice %arg3[%add3A_47] : memref<640000xi32, #tpu.memory_space<hbm>> -> memref<80xi32, #tpu.memory_space<hbm>>
    %dma_start3A_53 = arith.constant 0 : i32
    %dma_start3A_54 = tpu.memref_slice %arg9[%dma_start3A_48, %dma_start3A_53] : memref<5x80xi32, #tpu.memory_space<vmem>> -> memref<1x80xi32, #tpu.memory_space<vmem>>
    %dma_start3A_55 = tpu.memref_squeeze %dma_start3A_54 : memref<1x80xi32, #tpu.memory_space<vmem>> -> memref<80xi32, #tpu.memory_space<vmem>>
    %dma_start3A_56 = tpu.memref_slice %arg3[%add3A_47] : memref<640000xi32, #tpu.memory_space<hbm>> -> memref<80xi32, #tpu.memory_space<hbm>>
    tpu.enqueue_dma source(%dma_start3A_56 : memref<80xi32, #tpu.memory_space<hbm>>) target(%dma_start3A_55 : memref<80xi32, #tpu.memory_space<vmem>>) target_semaphore(%arg13 : memref<!tpu.dma_semaphore, #tpu.memory_space<semaphore_mem>>)
    %add3A_57 = arith.constant 320000 : i32
    %add3A_58 = arith.addi %add3A_57, %add3A_47 : i32
    %dma_start3A_59 = arith.constant 2 : i32
    %dma_start3A_60 = arith.constant 0 : i32
    %dma_start3A_61 = tpu.memref_slice %arg10[%dma_start3A_59, %dma_start3A_60] : memref<5x80xi32, #tpu.memory_space<vmem>> -> memref<1x80xi32, #tpu.memory_space<vmem>>
    %dma_start3A_62 = tpu.memref_squeeze %dma_start3A_61 : memref<1x80xi32, #tpu.memory_space<vmem>> -> memref<80xi32, #tpu.memory_space<vmem>>
    %dma_start3A_63 = tpu.memref_slice %arg3[%add3A_58] : memref<640000xi32, #tpu.memory_space<hbm>> -> memref<80xi32, #tpu.memory_space<hbm>>
    %dma_start3A_64 = arith.constant 0 : i32
    %dma_start3A_65 = tpu.memref_slice %arg10[%dma_start3A_59, %dma_start3A_64] : memref<5x80xi32, #tpu.memory_space<vmem>> -> memref<1x80xi32, #tpu.memory_space<vmem>>
    %dma_start3A_66 = tpu.memref_squeeze %dma_start3A_65 : memref<1x80xi32, #tpu.memory_space<vmem>> -> memref<80xi32, #tpu.memory_space<vmem>>
    %dma_start3A_67 = tpu.memref_slice %arg3[%add3A_58] : memref<640000xi32, #tpu.memory_space<hbm>> -> memref<80xi32, #tpu.memory_space<hbm>>
    tpu.enqueue_dma source(%dma_start3A_67 : memref<80xi32, #tpu.memory_space<hbm>>) target(%dma_start3A_66 : memref<80xi32, #tpu.memory_space<vmem>>) target_semaphore(%arg13 : memref<!tpu.dma_semaphore, #tpu.memory_space<semaphore_mem>>)
    %broadcast_in_dim3A = arith.constant 0.000000e+00 : f32
    %broadcast_in_dim3A_68 = vector.broadcast %broadcast_in_dim3A : f32 to vector<16xf32>
    %scan3A = arith.constant 0 : i32
    %scan3A_69 = arith.constant 0 : i32
    %scan3A_70 = arith.constant 256 : i32
    %scan3A_71 = arith.addi %scan3A_69, %scan3A_70 : i32
    %scan3A_72 = arith.constant 1 : i32
    %scan3A_73 = scf.for %scan3A_360 = %scan3A_69 to %scan3A_71 step %scan3A_72 iter_args(%scan3A_361 = %scan3A) -> (i32)  : i32 {
      %jit3A = arith.constant 8 : i32
      %div3A = arith.divsi %scan3A_360, %jit3A : i32
      %sign3A = arith.constant 0 : i32
      %sign3A_362 = arith.cmpi sgt, %scan3A_360, %sign3A : i32
      %sign3A_363 = arith.extui %sign3A_362 : i1 to i32
      %sign3A_364 = arith.constant 0 : i32
      %sign3A_365 = arith.cmpi slt, %scan3A_360, %sign3A_364 : i32
      %sign3A_366 = arith.extui %sign3A_365 : i1 to i32
      %sign3A_367 = arith.subi %sign3A_363, %sign3A_366 : i32
      %sign3A_368 = arith.constant 0 : i32
      %sign3A_369 = arith.cmpi sgt, %jit3A, %sign3A_368 : i32
      %sign3A_370 = arith.extui %sign3A_369 : i1 to i32
      %sign3A_371 = arith.constant 0 : i32
      %sign3A_372 = arith.cmpi slt, %jit3A, %sign3A_371 : i32
      %sign3A_373 = arith.extui %sign3A_372 : i1 to i32
      %sign3A_374 = arith.subi %sign3A_370, %sign3A_373 : i32
      %ne3A = arith.cmpi ne, %sign3A_367, %sign3A_374 : i32
      %rem3A = arith.remsi %scan3A_360, %jit3A : i32
      %ne3A_375 = arith.constant 0 : i32
      %ne3A_376 = arith.cmpi ne, %rem3A, %ne3A_375 : i32
      %and3A = arith.andi %ne3A, %ne3A_376 : i1
      %sub3A = arith.constant 1 : i32
      %sub3A_377 = arith.subi %div3A, %sub3A : i32
      %select_n3A = arith.select %and3A, %sub3A_377, %div3A : i32
      %jit3A_378 = arith.constant 8 : i32
      %eq3A_379 = arith.constant 0 : i32
      %eq3A_380 = arith.cmpi eq, %jit3A_378, %eq3A_379 : i32
      %jit3A_381 = arith.constant 1 : i32
      %select_n3A_382 = arith.select %eq3A_380, %jit3A_381, %jit3A_378 : i32
      %rem3A_383 = arith.remsi %scan3A_360, %select_n3A_382 : i32
      %ne3A_384 = arith.constant 0 : i32
      %ne3A_385 = arith.cmpi ne, %rem3A_383, %ne3A_384 : i32
      %lt3A_386 = arith.constant 0 : i32
      %lt3A_387 = arith.cmpi slt, %rem3A_383, %lt3A_386 : i32
      %lt3A_388 = arith.constant 0 : i32
      %lt3A_389 = arith.cmpi slt, %select_n3A_382, %lt3A_388 : i32
      %ne3A_390 = arith.xori %lt3A_387, %lt3A_389 : i1
      %and3A_391 = arith.andi %ne3A_390, %ne3A_385 : i1
      %add3A_392 = arith.addi %rem3A_383, %select_n3A_382 : i32
      %select_n3A_393 = arith.select %and3A_391, %add3A_392, %rem3A_383 : i32
      %mul3A_394 = arith.constant 16 : i32
      %mul3A_395 = arith.muli %select_n3A_393, %mul3A_394 : i32
      %swap3A = arith.index_cast %select_n3A : i32 to index
      %swap3A_396 = arith.index_cast %mul3A_395 : i32 to index
      %swap3A_397 = tpu.vector_load %arg7[%swap3A, %swap3A_396] {strides = array<i32>} : memref<32x128xf32, #tpu.memory_space<vmem>>, vector<1x16xf32>,
      %swap3A_398 = vector.shape_cast %swap3A_397 : vector<1x16xf32> to vector<16xf32>
      %swap3A_399 = vector.shape_cast %broadcast_in_dim3A_68 : vector<16xf32> to vector<1x16xf32>
      tpu.vector_store %arg7[%swap3A, %swap3A_396], %swap3A_399 {strides = array<i32>} : memref<32x128xf32, #tpu.memory_space<vmem>>, vector<1x16xf32>,
      %scan3A_400 = arith.constant 0 : i32
      scf.yield %scan3A_400 : i32
    }
    %scan3A_74 = arith.constant 256 : i32
    %mul3A_75 = arith.constant 640 : i32
    %mul3A_76 = arith.muli %arg1, %mul3A_75 : i32
    %add3A_77 = arith.constant 0 : i32
    %add3A_78 = arith.addi %mul3A_76, %add3A_77 : i32
    %dma_start3A_79 = arith.constant 0 : i32
    %dma_start3A_80 = tpu.memref_slice %arg5[%add3A_78, %dma_start3A_79] : memref<10240x128xf32, #tpu.memory_space<vmem_shared>> -> memref<32x128xf32, #tpu.memory_space<vmem_shared>>
    %dma_start3A_81 = arith.constant 0 : i32
    %dma_start3A_82 = tpu.memref_slice %arg5[%add3A_78, %dma_start3A_81] : memref<10240x128xf32, #tpu.memory_space<vmem_shared>> -> memref<32x128xf32, #tpu.memory_space<vmem_shared>>
    tpu.enqueue_dma source(%arg7 : memref<32x128xf32, #tpu.memory_space<vmem>>) target(%dma_start3A_82 : memref<32x128xf32, #tpu.memory_space<vmem_shared>>) target_semaphore(%arg15 : memref<!tpu.dma_semaphore, #tpu.memory_space<semaphore_mem>>)
    %add3A_83 = arith.constant 32 : i32
    %add3A_84 = arith.addi %mul3A_76, %add3A_83 : i32
    %dma_start3A_85 = arith.constant 0 : i32
    %dma_start3A_86 = tpu.memref_slice %arg5[%add3A_84, %dma_start3A_85] : memref<10240x128xf32, #tpu.memory_space<vmem_shared>> -> memref<32x128xf32, #tpu.memory_space<vmem_shared>>
    %dma_start3A_87 = arith.constant 0 : i32
    %dma_start3A_88 = tpu.memref_slice %arg5[%add3A_84, %dma_start3A_87] : memref<10240x128xf32, #tpu.memory_space<vmem_shared>> -> memref<32x128xf32, #tpu.memory_space<vmem_shared>>
    tpu.enqueue_dma source(%arg7 : memref<32x128xf32, #tpu.memory_space<vmem>>) target(%dma_start3A_88 : memref<32x128xf32, #tpu.memory_space<vmem_shared>>) target_semaphore(%arg15 : memref<!tpu.dma_semaphore, #tpu.memory_space<semaphore_mem>>)
    %add3A_89 = arith.constant 64 : i32
    %add3A_90 = arith.addi %mul3A_76, %add3A_89 : i32
    %dma_start3A_91 = arith.constant 0 : i32
    %dma_start3A_92 = tpu.memref_slice %arg5[%add3A_90, %dma_start3A_91] : memref<10240x128xf32, #tpu.memory_space<vmem_shared>> -> memref<32x128xf32, #tpu.memory_space<vmem_shared>>
    %dma_start3A_93 = arith.constant 0 : i32
    %dma_start3A_94 = tpu.memref_slice %arg5[%add3A_90, %dma_start3A_93] : memref<10240x128xf32, #tpu.memory_space<vmem_shared>> -> memref<32x128xf32, #tpu.memory_space<vmem_shared>>
    tpu.enqueue_dma source(%arg7 : memref<32x128xf32, #tpu.memory_space<vmem>>) target(%dma_start3A_94 : memref<32x128xf32, #tpu.memory_space<vmem_shared>>) target_semaphore(%arg15 : memref<!tpu.dma_semaphore, #tpu.memory_space<semaphore_mem>>)
    %add3A_95 = arith.constant 96 : i32
    %add3A_96 = arith.addi %mul3A_76, %add3A_95 : i32
    %dma_start3A_97 = arith.constant 0 : i32
    %dma_start3A_98 = tpu.memref_slice %arg5[%add3A_96, %dma_start3A_97] : memref<10240x128xf32, #tpu.memory_space<vmem_shared>> -> memref<32x128xf32, #tpu.memory_space<vmem_shared>>
    %dma_start3A_99 = arith.constant 0 : i32
    %dma_start3A_100 = tpu.memref_slice %arg5[%add3A_96, %dma_start3A_99] : memref<10240x128xf32, #tpu.memory_space<vmem_shared>> -> memref<32x128xf32, #tpu.memory_space<vmem_shared>>
    tpu.enqueue_dma source(%arg7 : memref<32x128xf32, #tpu.memory_space<vmem>>) target(%dma_start3A_100 : memref<32x128xf32, #tpu.memory_space<vmem_shared>>) target_semaphore(%arg15 : memref<!tpu.dma_semaphore, #tpu.memory_space<semaphore_mem>>)
    %add3A_101 = arith.constant 128 : i32
    %add3A_102 = arith.addi %mul3A_76, %add3A_101 : i32
    %dma_start3A_103 = arith.constant 0 : i32
    %dma_start3A_104 = tpu.memref_slice %arg5[%add3A_102, %dma_start3A_103] : memref<10240x128xf32, #tpu.memory_space<vmem_shared>> -> memref<32x128xf32, #tpu.memory_space<vmem_shared>>
    %dma_start3A_105 = arith.constant 0 : i32
    %dma_start3A_106 = tpu.memref_slice %arg5[%add3A_102, %dma_start3A_105] : memref<10240x128xf32, #tpu.memory_space<vmem_shared>> -> memref<32x128xf32, #tpu.memory_space<vmem_shared>>
    tpu.enqueue_dma source(%arg7 : memref<32x128xf32, #tpu.memory_space<vmem>>) target(%dma_start3A_106 : memref<32x128xf32, #tpu.memory_space<vmem_shared>>) target_semaphore(%arg15 : memref<!tpu.dma_semaphore, #tpu.memory_space<semaphore_mem>>)
    %add3A_107 = arith.constant 160 : i32
    %add3A_108 = arith.addi %mul3A_76, %add3A_107 : i32
    %dma_start3A_109 = arith.constant 0 : i32
    %dma_start3A_110 = tpu.memref_slice %arg5[%add3A_108, %dma_start3A_109] : memref<10240x128xf32, #tpu.memory_space<vmem_shared>> -> memref<32x128xf32, #tpu.memory_space<vmem_shared>>
    %dma_start3A_111 = arith.constant 0 : i32
    %dma_start3A_112 = tpu.memref_slice %arg5[%add3A_108, %dma_start3A_111] : memref<10240x128xf32, #tpu.memory_space<vmem_shared>> -> memref<32x128xf32, #tpu.memory_space<vmem_shared>>
    tpu.enqueue_dma source(%arg7 : memref<32x128xf32, #tpu.memory_space<vmem>>) target(%dma_start3A_112 : memref<32x128xf32, #tpu.memory_space<vmem_shared>>) target_semaphore(%arg15 : memref<!tpu.dma_semaphore, #tpu.memory_space<semaphore_mem>>)
    %add3A_113 = arith.constant 192 : i32
    %add3A_114 = arith.addi %mul3A_76, %add3A_113 : i32
    %dma_start3A_115 = arith.constant 0 : i32
    %dma_start3A_116 = tpu.memref_slice %arg5[%add3A_114, %dma_start3A_115] : memref<10240x128xf32, #tpu.memory_space<vmem_shared>> -> memref<32x128xf32, #tpu.memory_space<vmem_shared>>
    %dma_start3A_117 = arith.constant 0 : i32
    %dma_start3A_118 = tpu.memref_slice %arg5[%add3A_114, %dma_start3A_117] : memref<10240x128xf32, #tpu.memory_space<vmem_shared>> -> memref<32x128xf32, #tpu.memory_space<vmem_shared>>
    tpu.enqueue_dma source(%arg7 : memref<32x128xf32, #tpu.memory_space<vmem>>) target(%dma_start3A_118 : memref<32x128xf32, #tpu.memory_space<vmem_shared>>) target_semaphore(%arg15 : memref<!tpu.dma_semaphore, #tpu.memory_space<semaphore_mem>>)
    %add3A_119 = arith.constant 224 : i32
    %add3A_120 = arith.addi %mul3A_76, %add3A_119 : i32
    %dma_start3A_121 = arith.constant 0 : i32
    %dma_start3A_122 = tpu.memref_slice %arg5[%add3A_120, %dma_start3A_121] : memref<10240x128xf32, #tpu.memory_space<vmem_shared>> -> memref<32x128xf32, #tpu.memory_space<vmem_shared>>
    %dma_start3A_123 = arith.constant 0 : i32
    %dma_start3A_124 = tpu.memref_slice %arg5[%add3A_120, %dma_start3A_123] : memref<10240x128xf32, #tpu.memory_space<vmem_shared>> -> memref<32x128xf32, #tpu.memory_space<vmem_shared>>
    tpu.enqueue_dma source(%arg7 : memref<32x128xf32, #tpu.memory_space<vmem>>) target(%dma_start3A_124 : memref<32x128xf32, #tpu.memory_space<vmem_shared>>) target_semaphore(%arg15 : memref<!tpu.dma_semaphore, #tpu.memory_space<semaphore_mem>>)
    %add3A_125 = arith.constant 256 : i32
    %add3A_126 = arith.addi %mul3A_76, %add3A_125 : i32
    %dma_start3A_127 = arith.constant 0 : i32
    %dma_start3A_128 = tpu.memref_slice %arg5[%add3A_126, %dma_start3A_127] : memref<10240x128xf32, #tpu.memory_space<vmem_shared>> -> memref<32x128xf32, #tpu.memory_space<vmem_shared>>
    %dma_start3A_129 = arith.constant 0 : i32
    %dma_start3A_130 = tpu.memref_slice %arg5[%add3A_126, %dma_start3A_129] : memref<10240x128xf32, #tpu.memory_space<vmem_shared>> -> memref<32x128xf32, #tpu.memory_space<vmem_shared>>
    tpu.enqueue_dma source(%arg7 : memref<32x128xf32, #tpu.memory_space<vmem>>) target(%dma_start3A_130 : memref<32x128xf32, #tpu.memory_space<vmem_shared>>) target_semaphore(%arg15 : memref<!tpu.dma_semaphore, #tpu.memory_space<semaphore_mem>>)
    %add3A_131 = arith.constant 288 : i32
    %add3A_132 = arith.addi %mul3A_76, %add3A_131 : i32
    %dma_start3A_133 = arith.constant 0 : i32
    %dma_start3A_134 = tpu.memref_slice %arg5[%add3A_132, %dma_start3A_133] : memref<10240x128xf32, #tpu.memory_space<vmem_shared>> -> memref<32x128xf32, #tpu.memory_space<vmem_shared>>
    %dma_start3A_135 = arith.constant 0 : i32
    %dma_start3A_136 = tpu.memref_slice %arg5[%add3A_132, %dma_start3A_135] : memref<10240x128xf32, #tpu.memory_space<vmem_shared>> -> memref<32x128xf32, #tpu.memory_space<vmem_shared>>
    tpu.enqueue_dma source(%arg7 : memref<32x128xf32, #tpu.memory_space<vmem>>) target(%dma_start3A_136 : memref<32x128xf32, #tpu.memory_space<vmem_shared>>) target_semaphore(%arg15 : memref<!tpu.dma_semaphore, #tpu.memory_space<semaphore_mem>>)
    %add3A_137 = arith.constant 320 : i32
    %add3A_138 = arith.addi %mul3A_76, %add3A_137 : i32
    %dma_start3A_139 = arith.constant 0 : i32
    %dma_start3A_140 = tpu.memref_slice %arg5[%add3A_138, %dma_start3A_139] : memref<10240x128xf32, #tpu.memory_space<vmem_shared>> -> memref<32x128xf32, #tpu.memory_space<vmem_shared>>
    %dma_start3A_141 = arith.constant 0 : i32
    %dma_start3A_142 = tpu.memref_slice %arg5[%add3A_138, %dma_start3A_141] : memref<10240x128xf32, #tpu.memory_space<vmem_shared>> -> memref<32x128xf32, #tpu.memory_space<vmem_shared>>
    tpu.enqueue_dma source(%arg7 : memref<32x128xf32, #tpu.memory_space<vmem>>) target(%dma_start3A_142 : memref<32x128xf32, #tpu.memory_space<vmem_shared>>) target_semaphore(%arg15 : memref<!tpu.dma_semaphore, #tpu.memory_space<semaphore_mem>>)
    %add3A_143 = arith.constant 352 : i32
    %add3A_144 = arith.addi %mul3A_76, %add3A_143 : i32
    %dma_start3A_145 = arith.constant 0 : i32
    %dma_start3A_146 = tpu.memref_slice %arg5[%add3A_144, %dma_start3A_145] : memref<10240x128xf32, #tpu.memory_space<vmem_shared>> -> memref<32x128xf32, #tpu.memory_space<vmem_shared>>
    %dma_start3A_147 = arith.constant 0 : i32
    %dma_start3A_148 = tpu.memref_slice %arg5[%add3A_144, %dma_start3A_147] : memref<10240x128xf32, #tpu.memory_space<vmem_shared>> -> memref<32x128xf32, #tpu.memory_space<vmem_shared>>
    tpu.enqueue_dma source(%arg7 : memref<32x128xf32, #tpu.memory_space<vmem>>) target(%dma_start3A_148 : memref<32x128xf32, #tpu.memory_space<vmem_shared>>) target_semaphore(%arg15 : memref<!tpu.dma_semaphore, #tpu.memory_space<semaphore_mem>>)
    %add3A_149 = arith.constant 384 : i32
    %add3A_150 = arith.addi %mul3A_76, %add3A_149 : i32
    %dma_start3A_151 = arith.constant 0 : i32
    %dma_start3A_152 = tpu.memref_slice %arg5[%add3A_150, %dma_start3A_151] : memref<10240x128xf32, #tpu.memory_space<vmem_shared>> -> memref<32x128xf32, #tpu.memory_space<vmem_shared>>
    %dma_start3A_153 = arith.constant 0 : i32
    %dma_start3A_154 = tpu.memref_slice %arg5[%add3A_150, %dma_start3A_153] : memref<10240x128xf32, #tpu.memory_space<vmem_shared>> -> memref<32x128xf32, #tpu.memory_space<vmem_shared>>
    tpu.enqueue_dma source(%arg7 : memref<32x128xf32, #tpu.memory_space<vmem>>) target(%dma_start3A_154 : memref<32x128xf32, #tpu.memory_space<vmem_shared>>) target_semaphore(%arg15 : memref<!tpu.dma_semaphore, #tpu.memory_space<semaphore_mem>>)
    %add3A_155 = arith.constant 416 : i32
    %add3A_156 = arith.addi %mul3A_76, %add3A_155 : i32
    %dma_start3A_157 = arith.constant 0 : i32
    %dma_start3A_158 = tpu.memref_slice %arg5[%add3A_156, %dma_start3A_157] : memref<10240x128xf32, #tpu.memory_space<vmem_shared>> -> memref<32x128xf32, #tpu.memory_space<vmem_shared>>
    %dma_start3A_159 = arith.constant 0 : i32
    %dma_start3A_160 = tpu.memref_slice %arg5[%add3A_156, %dma_start3A_159] : memref<10240x128xf32, #tpu.memory_space<vmem_shared>> -> memref<32x128xf32, #tpu.memory_space<vmem_shared>>
    tpu.enqueue_dma source(%arg7 : memref<32x128xf32, #tpu.memory_space<vmem>>) target(%dma_start3A_160 : memref<32x128xf32, #tpu.memory_space<vmem_shared>>) target_semaphore(%arg15 : memref<!tpu.dma_semaphore, #tpu.memory_space<semaphore_mem>>)
    %add3A_161 = arith.constant 448 : i32
    %add3A_162 = arith.addi %mul3A_76, %add3A_161 : i32
    %dma_start3A_163 = arith.constant 0 : i32
    %dma_start3A_164 = tpu.memref_slice %arg5[%add3A_162, %dma_start3A_163] : memref<10240x128xf32, #tpu.memory_space<vmem_shared>> -> memref<32x128xf32, #tpu.memory_space<vmem_shared>>
    %dma_start3A_165 = arith.constant 0 : i32
    %dma_start3A_166 = tpu.memref_slice %arg5[%add3A_162, %dma_start3A_165] : memref<10240x128xf32, #tpu.memory_space<vmem_shared>> -> memref<32x128xf32, #tpu.memory_space<vmem_shared>>
    tpu.enqueue_dma source(%arg7 : memref<32x128xf32, #tpu.memory_space<vmem>>) target(%dma_start3A_166 : memref<32x128xf32, #tpu.memory_space<vmem_shared>>) target_semaphore(%arg15 : memref<!tpu.dma_semaphore, #tpu.memory_space<semaphore_mem>>)
    %add3A_167 = arith.constant 480 : i32
    %add3A_168 = arith.addi %mul3A_76, %add3A_167 : i32
    %dma_start3A_169 = arith.constant 0 : i32
    %dma_start3A_170 = tpu.memref_slice %arg5[%add3A_168, %dma_start3A_169] : memref<10240x128xf32, #tpu.memory_space<vmem_shared>> -> memref<32x128xf32, #tpu.memory_space<vmem_shared>>
    %dma_start3A_171 = arith.constant 0 : i32
    %dma_start3A_172 = tpu.memref_slice %arg5[%add3A_168, %dma_start3A_171] : memref<10240x128xf32, #tpu.memory_space<vmem_shared>> -> memref<32x128xf32, #tpu.memory_space<vmem_shared>>
    tpu.enqueue_dma source(%arg7 : memref<32x128xf32, #tpu.memory_space<vmem>>) target(%dma_start3A_172 : memref<32x128xf32, #tpu.memory_space<vmem_shared>>) target_semaphore(%arg15 : memref<!tpu.dma_semaphore, #tpu.memory_space<semaphore_mem>>)
    %add3A_173 = arith.constant 512 : i32
    %add3A_174 = arith.addi %mul3A_76, %add3A_173 : i32
    %dma_start3A_175 = arith.constant 0 : i32
    %dma_start3A_176 = tpu.memref_slice %arg5[%add3A_174, %dma_start3A_175] : memref<10240x128xf32, #tpu.memory_space<vmem_shared>> -> memref<32x128xf32, #tpu.memory_space<vmem_shared>>
    %dma_start3A_177 = arith.constant 0 : i32
    %dma_start3A_178 = tpu.memref_slice %arg5[%add3A_174, %dma_start3A_177] : memref<10240x128xf32, #tpu.memory_space<vmem_shared>> -> memref<32x128xf32, #tpu.memory_space<vmem_shared>>
    tpu.enqueue_dma source(%arg7 : memref<32x128xf32, #tpu.memory_space<vmem>>) target(%dma_start3A_178 : memref<32x128xf32, #tpu.memory_space<vmem_shared>>) target_semaphore(%arg15 : memref<!tpu.dma_semaphore, #tpu.memory_space<semaphore_mem>>)
    %add3A_179 = arith.constant 544 : i32
    %add3A_180 = arith.addi %mul3A_76, %add3A_179 : i32
    %dma_start3A_181 = arith.constant 0 : i32
    %dma_start3A_182 = tpu.memref_slice %arg5[%add3A_180, %dma_start3A_181] : memref<10240x128xf32, #tpu.memory_space<vmem_shared>> -> memref<32x128xf32, #tpu.memory_space<vmem_shared>>
    %dma_start3A_183 = arith.constant 0 : i32
    %dma_start3A_184 = tpu.memref_slice %arg5[%add3A_180, %dma_start3A_183] : memref<10240x128xf32, #tpu.memory_space<vmem_shared>> -> memref<32x128xf32, #tpu.memory_space<vmem_shared>>
    tpu.enqueue_dma source(%arg7 : memref<32x128xf32, #tpu.memory_space<vmem>>) target(%dma_start3A_184 : memref<32x128xf32, #tpu.memory_space<vmem_shared>>) target_semaphore(%arg15 : memref<!tpu.dma_semaphore, #tpu.memory_space<semaphore_mem>>)
    %add3A_185 = arith.constant 576 : i32
    %add3A_186 = arith.addi %mul3A_76, %add3A_185 : i32
    %dma_start3A_187 = arith.constant 0 : i32
    %dma_start3A_188 = tpu.memref_slice %arg5[%add3A_186, %dma_start3A_187] : memref<10240x128xf32, #tpu.memory_space<vmem_shared>> -> memref<32x128xf32, #tpu.memory_space<vmem_shared>>
    %dma_start3A_189 = arith.constant 0 : i32
    %dma_start3A_190 = tpu.memref_slice %arg5[%add3A_186, %dma_start3A_189] : memref<10240x128xf32, #tpu.memory_space<vmem_shared>> -> memref<32x128xf32, #tpu.memory_space<vmem_shared>>
    tpu.enqueue_dma source(%arg7 : memref<32x128xf32, #tpu.memory_space<vmem>>) target(%dma_start3A_190 : memref<32x128xf32, #tpu.memory_space<vmem_shared>>) target_semaphore(%arg15 : memref<!tpu.dma_semaphore, #tpu.memory_space<semaphore_mem>>)
    %add3A_191 = arith.constant 608 : i32
    %add3A_192 = arith.addi %mul3A_76, %add3A_191 : i32
    %dma_start3A_193 = arith.constant 0 : i32
    %dma_start3A_194 = tpu.memref_slice %arg5[%add3A_192, %dma_start3A_193] : memref<10240x128xf32, #tpu.memory_space<vmem_shared>> -> memref<32x128xf32, #tpu.memory_space<vmem_shared>>
    %dma_start3A_195 = arith.constant 0 : i32
    %dma_start3A_196 = tpu.memref_slice %arg5[%add3A_192, %dma_start3A_195] : memref<10240x128xf32, #tpu.memory_space<vmem_shared>> -> memref<32x128xf32, #tpu.memory_space<vmem_shared>>
    tpu.enqueue_dma source(%arg7 : memref<32x128xf32, #tpu.memory_space<vmem>>) target(%dma_start3A_196 : memref<32x128xf32, #tpu.memory_space<vmem_shared>>) target_semaphore(%arg15 : memref<!tpu.dma_semaphore, #tpu.memory_space<semaphore_mem>>)
    %mul3A_197 = arith.constant 640 : i32
    %mul3A_198 = arith.muli %arg1, %mul3A_197 : i32
    %dma_wait3A = arith.constant 0 : i32
    %dma_wait3A_199 = tpu.memref_slice %arg5[%mul3A_76, %dma_wait3A] : memref<10240x128xf32, #tpu.memory_space<vmem_shared>> -> memref<32x128xf32, #tpu.memory_space<vmem_shared>>
    %dma_wait3A_200 = arith.constant 0 : i32
    %dma_wait3A_201 = tpu.memref_slice %arg5[%mul3A_76, %dma_wait3A_200] : memref<10240x128xf32, #tpu.memory_space<vmem_shared>> -> memref<32x128xf32, #tpu.memory_space<vmem_shared>>
    tpu.wait_dma2 semaphore(%arg15 : memref<!tpu.dma_semaphore, #tpu.memory_space<semaphore_mem>>) src(%arg7 : memref<32x128xf32, #tpu.memory_space<vmem>>) dst(%dma_wait3A_201 : memref<32x128xf32, #tpu.memory_space<vmem_shared>>)
    %dma_wait3A_202 = arith.constant 0 : i32
    %dma_wait3A_203 = tpu.memref_slice %arg5[%mul3A_76, %dma_wait3A_202] : memref<10240x128xf32, #tpu.memory_space<vmem_shared>> -> memref<32x128xf32, #tpu.memory_space<vmem_shared>>
    %dma_wait3A_204 = arith.constant 0 : i32
    %dma_wait3A_205 = tpu.memref_slice %arg5[%mul3A_76, %dma_wait3A_204] : memref<10240x128xf32, #tpu.memory_space<vmem_shared>> -> memref<32x128xf32, #tpu.memory_space<vmem_shared>>
    tpu.wait_dma2 semaphore(%arg15 : memref<!tpu.dma_semaphore, #tpu.memory_space<semaphore_mem>>) src(%arg7 : memref<32x128xf32, #tpu.memory_space<vmem>>) dst(%dma_wait3A_205 : memref<32x128xf32, #tpu.memory_space<vmem_shared>>)
    %dma_wait3A_206 = arith.constant 0 : i32
    %dma_wait3A_207 = tpu.memref_slice %arg5[%mul3A_76, %dma_wait3A_206] : memref<10240x128xf32, #tpu.memory_space<vmem_shared>> -> memref<32x128xf32, #tpu.memory_space<vmem_shared>>
    %dma_wait3A_208 = arith.constant 0 : i32
    %dma_wait3A_209 = tpu.memref_slice %arg5[%mul3A_76, %dma_wait3A_208] : memref<10240x128xf32, #tpu.memory_space<vmem_shared>> -> memref<32x128xf32, #tpu.memory_space<vmem_shared>>
    tpu.wait_dma2 semaphore(%arg15 : memref<!tpu.dma_semaphore, #tpu.memory_space<semaphore_mem>>) src(%arg7 : memref<32x128xf32, #tpu.memory_space<vmem>>) dst(%dma_wait3A_209 : memref<32x128xf32, #tpu.memory_space<vmem_shared>>)
    %dma_wait3A_210 = arith.constant 0 : i32
    %dma_wait3A_211 = tpu.memref_slice %arg5[%mul3A_76, %dma_wait3A_210] : memref<10240x128xf32, #tpu.memory_space<vmem_shared>> -> memref<32x128xf32, #tpu.memory_space<vmem_shared>>
    %dma_wait3A_212 = arith.constant 0 : i32
    %dma_wait3A_213 = tpu.memref_slice %arg5[%mul3A_76, %dma_wait3A_212] : memref<10240x128xf32, #tpu.memory_space<vmem_shared>> -> memref<32x128xf32, #tpu.memory_space<vmem_shared>>
    tpu.wait_dma2 semaphore(%arg15 : memref<!tpu.dma_semaphore, #tpu.memory_space<semaphore_mem>>) src(%arg7 : memref<32x128xf32, #tpu.memory_space<vmem>>) dst(%dma_wait3A_213 : memref<32x128xf32, #tpu.memory_space<vmem_shared>>)
    %dma_wait3A_214 = arith.constant 0 : i32
    %dma_wait3A_215 = tpu.memref_slice %arg5[%mul3A_76, %dma_wait3A_214] : memref<10240x128xf32, #tpu.memory_space<vmem_shared>> -> memref<32x128xf32, #tpu.memory_space<vmem_shared>>
    %dma_wait3A_216 = arith.constant 0 : i32
    %dma_wait3A_217 = tpu.memref_slice %arg5[%mul3A_76, %dma_wait3A_216] : memref<10240x128xf32, #tpu.memory_space<vmem_shared>> -> memref<32x128xf32, #tpu.memory_space<vmem_shared>>
    tpu.wait_dma2 semaphore(%arg15 : memref<!tpu.dma_semaphore, #tpu.memory_space<semaphore_mem>>) src(%arg7 : memref<32x128xf32, #tpu.memory_space<vmem>>) dst(%dma_wait3A_217 : memref<32x128xf32, #tpu.memory_space<vmem_shared>>)
    %dma_wait3A_218 = arith.constant 0 : i32
    %dma_wait3A_219 = tpu.memref_slice %arg5[%mul3A_76, %dma_wait3A_218] : memref<10240x128xf32, #tpu.memory_space<vmem_shared>> -> memref<32x128xf32, #tpu.memory_space<vmem_shared>>
    %dma_wait3A_220 = arith.constant 0 : i32
    %dma_wait3A_221 = tpu.memref_slice %arg5[%mul3A_76, %dma_wait3A_220] : memref<10240x128xf32, #tpu.memory_space<vmem_shared>> -> memref<32x128xf32, #tpu.memory_space<vmem_shared>>
    tpu.wait_dma2 semaphore(%arg15 : memref<!tpu.dma_semaphore, #tpu.memory_space<semaphore_mem>>) src(%arg7 : memref<32x128xf32, #tpu.memory_space<vmem>>) dst(%dma_wait3A_221 : memref<32x128xf32, #tpu.memory_space<vmem_shared>>)
    %dma_wait3A_222 = arith.constant 0 : i32
    %dma_wait3A_223 = tpu.memref_slice %arg5[%mul3A_76, %dma_wait3A_222] : memref<10240x128xf32, #tpu.memory_space<vmem_shared>> -> memref<32x128xf32, #tpu.memory_space<vmem_shared>>
    %dma_wait3A_224 = arith.constant 0 : i32
    %dma_wait3A_225 = tpu.memref_slice %arg5[%mul3A_76, %dma_wait3A_224] : memref<10240x128xf32, #tpu.memory_space<vmem_shared>> -> memref<32x128xf32, #tpu.memory_space<vmem_shared>>
    tpu.wait_dma2 semaphore(%arg15 : memref<!tpu.dma_semaphore, #tpu.memory_space<semaphore_mem>>) src(%arg7 : memref<32x128xf32, #tpu.memory_space<vmem>>) dst(%dma_wait3A_225 : memref<32x128xf32, #tpu.memory_space<vmem_shared>>)
    %dma_wait3A_226 = arith.constant 0 : i32
    %dma_wait3A_227 = tpu.memref_slice %arg5[%mul3A_76, %dma_wait3A_226] : memref<10240x128xf32, #tpu.memory_space<vmem_shared>> -> memref<32x128xf32, #tpu.memory_space<vmem_shared>>
    %dma_wait3A_228 = arith.constant 0 : i32
    %dma_wait3A_229 = tpu.memref_slice %arg5[%mul3A_76, %dma_wait3A_228] : memref<10240x128xf32, #tpu.memory_space<vmem_shared>> -> memref<32x128xf32, #tpu.memory_space<vmem_shared>>
    tpu.wait_dma2 semaphore(%arg15 : memref<!tpu.dma_semaphore, #tpu.memory_space<semaphore_mem>>) src(%arg7 : memref<32x128xf32, #tpu.memory_space<vmem>>) dst(%dma_wait3A_229 : memref<32x128xf32, #tpu.memory_space<vmem_shared>>)
    %dma_wait3A_230 = arith.constant 0 : i32
    %dma_wait3A_231 = tpu.memref_slice %arg5[%mul3A_76, %dma_wait3A_230] : memref<10240x128xf32, #tpu.memory_space<vmem_shared>> -> memref<32x128xf32, #tpu.memory_space<vmem_shared>>
    %dma_wait3A_232 = arith.constant 0 : i32
    %dma_wait3A_233 = tpu.memref_slice %arg5[%mul3A_76, %dma_wait3A_232] : memref<10240x128xf32, #tpu.memory_space<vmem_shared>> -> memref<32x128xf32, #tpu.memory_space<vmem_shared>>
    tpu.wait_dma2 semaphore(%arg15 : memref<!tpu.dma_semaphore, #tpu.memory_space<semaphore_mem>>) src(%arg7 : memref<32x128xf32, #tpu.memory_space<vmem>>) dst(%dma_wait3A_233 : memref<32x128xf32, #tpu.memory_space<vmem_shared>>)
    %dma_wait3A_234 = arith.constant 0 : i32
    %dma_wait3A_235 = tpu.memref_slice %arg5[%mul3A_76, %dma_wait3A_234] : memref<10240x128xf32, #tpu.memory_space<vmem_shared>> -> memref<32x128xf32, #tpu.memory_space<vmem_shared>>
    %dma_wait3A_236 = arith.constant 0 : i32
    %dma_wait3A_237 = tpu.memref_slice %arg5[%mul3A_76, %dma_wait3A_236] : memref<10240x128xf32, #tpu.memory_space<vmem_shared>> -> memref<32x128xf32, #tpu.memory_space<vmem_shared>>
    tpu.wait_dma2 semaphore(%arg15 : memref<!tpu.dma_semaphore, #tpu.memory_space<semaphore_mem>>) src(%arg7 : memref<32x128xf32, #tpu.memory_space<vmem>>) dst(%dma_wait3A_237 : memref<32x128xf32, #tpu.memory_space<vmem_shared>>)
    %dma_wait3A_238 = arith.constant 0 : i32
    %dma_wait3A_239 = tpu.memref_slice %arg5[%mul3A_76, %dma_wait3A_238] : memref<10240x128xf32, #tpu.memory_space<vmem_shared>> -> memref<32x128xf32, #tpu.memory_space<vmem_shared>>
    %dma_wait3A_240 = arith.constant 0 : i32
    %dma_wait3A_241 = tpu.memref_slice %arg5[%mul3A_76, %dma_wait3A_240] : memref<10240x128xf32, #tpu.memory_space<vmem_shared>> -> memref<32x128xf32, #tpu.memory_space<vmem_shared>>
    tpu.wait_dma2 semaphore(%arg15 : memref<!tpu.dma_semaphore, #tpu.memory_space<semaphore_mem>>) src(%arg7 : memref<32x128xf32, #tpu.memory_space<vmem>>) dst(%dma_wait3A_241 : memref<32x128xf32, #tpu.memory_space<vmem_shared>>)
    %dma_wait3A_242 = arith.constant 0 : i32
    %dma_wait3A_243 = tpu.memref_slice %arg5[%mul3A_76, %dma_wait3A_242] : memref<10240x128xf32, #tpu.memory_space<vmem_shared>> -> memref<32x128xf32, #tpu.memory_space<vmem_shared>>
    %dma_wait3A_244 = arith.constant 0 : i32
    %dma_wait3A_245 = tpu.memref_slice %arg5[%mul3A_76, %dma_wait3A_244] : memref<10240x128xf32, #tpu.memory_space<vmem_shared>> -> memref<32x128xf32, #tpu.memory_space<vmem_shared>>
    tpu.wait_dma2 semaphore(%arg15 : memref<!tpu.dma_semaphore, #tpu.memory_space<semaphore_mem>>) src(%arg7 : memref<32x128xf32, #tpu.memory_space<vmem>>) dst(%dma_wait3A_245 : memref<32x128xf32, #tpu.memory_space<vmem_shared>>)
    %dma_wait3A_246 = arith.constant 0 : i32
    %dma_wait3A_247 = tpu.memref_slice %arg5[%mul3A_76, %dma_wait3A_246] : memref<10240x128xf32, #tpu.memory_space<vmem_shared>> -> memref<32x128xf32, #tpu.memory_space<vmem_shared>>
    %dma_wait3A_248 = arith.constant 0 : i32
    %dma_wait3A_249 = tpu.memref_slice %arg5[%mul3A_76, %dma_wait3A_248] : memref<10240x128xf32, #tpu.memory_space<vmem_shared>> -> memref<32x128xf32, #tpu.memory_space<vmem_shared>>
    tpu.wait_dma2 semaphore(%arg15 : memref<!tpu.dma_semaphore, #tpu.memory_space<semaphore_mem>>) src(%arg7 : memref<32x128xf32, #tpu.memory_space<vmem>>) dst(%dma_wait3A_249 : memref<32x128xf32, #tpu.memory_space<vmem_shared>>)
    %dma_wait3A_250 = arith.constant 0 : i32
    %dma_wait3A_251 = tpu.memref_slice %arg5[%mul3A_76, %dma_wait3A_250] : memref<10240x128xf32, #tpu.memory_space<vmem_shared>> -> memref<32x128xf32, #tpu.memory_space<vmem_shared>>
    %dma_wait3A_252 = arith.constant 0 : i32
    %dma_wait3A_253 = tpu.memref_slice %arg5[%mul3A_76, %dma_wait3A_252] : memref<10240x128xf32, #tpu.memory_space<vmem_shared>> -> memref<32x128xf32, #tpu.memory_space<vmem_shared>>
    tpu.wait_dma2 semaphore(%arg15 : memref<!tpu.dma_semaphore, #tpu.memory_space<semaphore_mem>>) src(%arg7 : memref<32x128xf32, #tpu.memory_space<vmem>>) dst(%dma_wait3A_253 : memref<32x128xf32, #tpu.memory_space<vmem_shared>>)
    %dma_wait3A_254 = arith.constant 0 : i32
    %dma_wait3A_255 = tpu.memref_slice %arg5[%mul3A_76, %dma_wait3A_254] : memref<10240x128xf32, #tpu.memory_space<vmem_shared>> -> memref<32x128xf32, #tpu.memory_space<vmem_shared>>
    %dma_wait3A_256 = arith.constant 0 : i32
    %dma_wait3A_257 = tpu.memref_slice %arg5[%mul3A_76, %dma_wait3A_256] : memref<10240x128xf32, #tpu.memory_space<vmem_shared>> -> memref<32x128xf32, #tpu.memory_space<vmem_shared>>
    tpu.wait_dma2 semaphore(%arg15 : memref<!tpu.dma_semaphore, #tpu.memory_space<semaphore_mem>>) src(%arg7 : memref<32x128xf32, #tpu.memory_space<vmem>>) dst(%dma_wait3A_257 : memref<32x128xf32, #tpu.memory_space<vmem_shared>>)
    %dma_wait3A_258 = arith.constant 0 : i32
    %dma_wait3A_259 = tpu.memref_slice %arg5[%mul3A_76, %dma_wait3A_258] : memref<10240x128xf32, #tpu.memory_space<vmem_shared>> -> memref<32x128xf32, #tpu.memory_space<vmem_shared>>
    %dma_wait3A_260 = arith.constant 0 : i32
    %dma_wait3A_261 = tpu.memref_slice %arg5[%mul3A_76, %dma_wait3A_260] : memref<10240x128xf32, #tpu.memory_space<vmem_shared>> -> memref<32x128xf32, #tpu.memory_space<vmem_shared>>
    tpu.wait_dma2 semaphore(%arg15 : memref<!tpu.dma_semaphore, #tpu.memory_space<semaphore_mem>>) src(%arg7 : memref<32x128xf32, #tpu.memory_space<vmem>>) dst(%dma_wait3A_261 : memref<32x128xf32, #tpu.memory_space<vmem_shared>>)
    %dma_wait3A_262 = arith.constant 0 : i32
    %dma_wait3A_263 = tpu.memref_slice %arg5[%mul3A_76, %dma_wait3A_262] : memref<10240x128xf32, #tpu.memory_space<vmem_shared>> -> memref<32x128xf32, #tpu.memory_space<vmem_shared>>
    %dma_wait3A_264 = arith.constant 0 : i32
    %dma_wait3A_265 = tpu.memref_slice %arg5[%mul3A_76, %dma_wait3A_264] : memref<10240x128xf32, #tpu.memory_space<vmem_shared>> -> memref<32x128xf32, #tpu.memory_space<vmem_shared>>
    tpu.wait_dma2 semaphore(%arg15 : memref<!tpu.dma_semaphore, #tpu.memory_space<semaphore_mem>>) src(%arg7 : memref<32x128xf32, #tpu.memory_space<vmem>>) dst(%dma_wait3A_265 : memref<32x128xf32, #tpu.memory_space<vmem_shared>>)
    %dma_wait3A_266 = arith.constant 0 : i32
    %dma_wait3A_267 = tpu.memref_slice %arg5[%mul3A_76, %dma_wait3A_266] : memref<10240x128xf32, #tpu.memory_space<vmem_shared>> -> memref<32x128xf32, #tpu.memory_space<vmem_shared>>
    %dma_wait3A_268 = arith.constant 0 : i32
    %dma_wait3A_269 = tpu.memref_slice %arg5[%mul3A_76, %dma_wait3A_268] : memref<10240x128xf32, #tpu.memory_space<vmem_shared>> -> memref<32x128xf32, #tpu.memory_space<vmem_shared>>
    tpu.wait_dma2 semaphore(%arg15 : memref<!tpu.dma_semaphore, #tpu.memory_space<semaphore_mem>>) src(%arg7 : memref<32x128xf32, #tpu.memory_space<vmem>>) dst(%dma_wait3A_269 : memref<32x128xf32, #tpu.memory_space<vmem_shared>>)
    %dma_wait3A_270 = arith.constant 0 : i32
    %dma_wait3A_271 = tpu.memref_slice %arg5[%mul3A_76, %dma_wait3A_270] : memref<10240x128xf32, #tpu.memory_space<vmem_shared>> -> memref<32x128xf32, #tpu.memory_space<vmem_shared>>
    %dma_wait3A_272 = arith.constant 0 : i32
    %dma_wait3A_273 = tpu.memref_slice %arg5[%mul3A_76, %dma_wait3A_272] : memref<10240x128xf32, #tpu.memory_space<vmem_shared>> -> memref<32x128xf32, #tpu.memory_space<vmem_shared>>
    tpu.wait_dma2 semaphore(%arg15 : memref<!tpu.dma_semaphore, #tpu.memory_space<semaphore_mem>>) src(%arg7 : memref<32x128xf32, #tpu.memory_space<vmem>>) dst(%dma_wait3A_273 : memref<32x128xf32, #tpu.memory_space<vmem_shared>>)
    %dma_wait3A_274 = arith.constant 0 : i32
    %dma_wait3A_275 = tpu.memref_slice %arg5[%mul3A_76, %dma_wait3A_274] : memref<10240x128xf32, #tpu.memory_space<vmem_shared>> -> memref<32x128xf32, #tpu.memory_space<vmem_shared>>
    %dma_wait3A_276 = arith.constant 0 : i32
    %dma_wait3A_277 = tpu.memref_slice %arg5[%mul3A_76, %dma_wait3A_276] : memref<10240x128xf32, #tpu.memory_space<vmem_shared>> -> memref<32x128xf32, #tpu.memory_space<vmem_shared>>
    tpu.wait_dma2 semaphore(%arg15 : memref<!tpu.dma_semaphore, #tpu.memory_space<semaphore_mem>>) src(%arg7 : memref<32x128xf32, #tpu.memory_space<vmem>>) dst(%dma_wait3A_277 : memref<32x128xf32, #tpu.memory_space<vmem_shared>>)
    %barrier3A = arith.constant 0 : index
    tpu.barrier barrier_id(%barrier3A)
    %dma_wait3A_278 = arith.constant 0 : i32
    %dma_wait3A_279 = arith.constant 0 : i32
    %dma_wait3A_280 = tpu.memref_slice %arg9[%dma_wait3A_278, %dma_wait3A_279] : memref<5x80xi32, #tpu.memory_space<vmem>> -> memref<1x80xi32, #tpu.memory_space<vmem>>
    %dma_wait3A_281 = tpu.memref_squeeze %dma_wait3A_280 : memref<1x80xi32, #tpu.memory_space<vmem>> -> memref<80xi32, #tpu.memory_space<vmem>>
    %dma_wait3A_282 = arith.constant 0 : i32
    %dma_wait3A_283 = tpu.memref_slice %arg3[%dma_wait3A_282] : memref<640000xi32, #tpu.memory_space<hbm>> -> memref<80xi32, #tpu.memory_space<hbm>>
    %dma_wait3A_284 = arith.constant 0 : i32
    %dma_wait3A_285 = tpu.memref_slice %arg9[%dma_wait3A_278, %dma_wait3A_284] : memref<5x80xi32, #tpu.memory_space<vmem>> -> memref<1x80xi32, #tpu.memory_space<vmem>>
    %dma_wait3A_286 = tpu.memref_squeeze %dma_wait3A_285 : memref<1x80xi32, #tpu.memory_space<vmem>> -> memref<80xi32, #tpu.memory_space<vmem>>
    %dma_wait3A_287 = arith.constant 0 : i32
    %dma_wait3A_288 = tpu.memref_slice %arg3[%dma_wait3A_287] : memref<640000xi32, #tpu.memory_space<hbm>> -> memref<80xi32, #tpu.memory_space<hbm>>
    tpu.wait_dma2 semaphore(%arg13 : memref<!tpu.dma_semaphore, #tpu.memory_space<semaphore_mem>>) src(%dma_wait3A_288 : memref<80xi32, #tpu.memory_space<hbm>>) dst(%dma_wait3A_286 : memref<80xi32, #tpu.memory_space<vmem>>)
    %dma_wait3A_289 = arith.constant 0 : i32
    %dma_wait3A_290 = arith.constant 0 : i32
    %dma_wait3A_291 = tpu.memref_slice %arg10[%dma_wait3A_289, %dma_wait3A_290] : memref<5x80xi32, #tpu.memory_space<vmem>> -> memref<1x80xi32, #tpu.memory_space<vmem>>
    %dma_wait3A_292 = tpu.memref_squeeze %dma_wait3A_291 : memref<1x80xi32, #tpu.memory_space<vmem>> -> memref<80xi32, #tpu.memory_space<vmem>>
    %dma_wait3A_293 = arith.constant 0 : i32
    %dma_wait3A_294 = tpu.memref_slice %arg3[%dma_wait3A_293] : memref<640000xi32, #tpu.memory_space<hbm>> -> memref<80xi32, #tpu.memory_space<hbm>>
    %dma_wait3A_295 = arith.constant 0 : i32
    %dma_wait3A_296 = tpu.memref_slice %arg10[%dma_wait3A_289, %dma_wait3A_295] : memref<5x80xi32, #tpu.memory_space<vmem>> -> memref<1x80xi32, #tpu.memory_space<vmem>>
    %dma_wait3A_297 = tpu.memref_squeeze %dma_wait3A_296 : memref<1x80xi32, #tpu.memory_space<vmem>> -> memref<80xi32, #tpu.memory_space<vmem>>
    %dma_wait3A_298 = arith.constant 0 : i32
    %dma_wait3A_299 = tpu.memref_slice %arg3[%dma_wait3A_298] : memref<640000xi32, #tpu.memory_space<hbm>> -> memref<80xi32, #tpu.memory_space<hbm>>
    tpu.wait_dma2 semaphore(%arg13 : memref<!tpu.dma_semaphore, #tpu.memory_space<semaphore_mem>>) src(%dma_wait3A_299 : memref<80xi32, #tpu.memory_space<hbm>>) dst(%dma_wait3A_297 : memref<80xi32, #tpu.memory_space<vmem>>)
    %dma_start3A_300 = arith.constant 0 : i32
    %dma_start3A_301 = arith.constant 0 : i32
    %dma_start3A_302 = arith.constant 0 : i32
    %dma_start3A_303 = arith.constant 0 : i32
    %dma_start3A_304 = tpu.memref_slice %arg11[%dma_start3A_301, %dma_start3A_302, %dma_start3A_303] : memref<4x80x128xf32, #tpu.memory_space<vmem>> -> memref<1x80x128xf32, #tpu.memory_space<vmem>>
    %dma_start3A_305 = tpu.memref_squeeze %dma_start3A_304 : memref<1x80x128xf32, #tpu.memory_space<vmem>> -> memref<80x128xf32, #tpu.memory_space<vmem>>
    %dma_start3A_306 = arith.constant 0 : i32
    %dma_start3A_307 = tpu.memref_slice %arg9[%dma_start3A_300, %dma_start3A_306] : memref<5x80xi32, #tpu.memory_space<vmem>> -> memref<1x80xi32, #tpu.memory_space<vmem>>
    %dma_start3A_308 = tpu.memref_squeeze %dma_start3A_307 : memref<1x80xi32, #tpu.memory_space<vmem>> -> memref<80xi32, #tpu.memory_space<vmem>>
    %dma_start3A_309 = arith.constant 0 : i32
    %dma_start3A_310 = arith.constant 0 : i32
    %dma_start3A_311 = tpu.memref_slice %arg2[%dma_start3A_309, %dma_start3A_310] : memref<10000x128xf32, #tpu.memory_space<hbm>> -> memref<10000x128xf32, #tpu.memory_space<hbm>>
    tpu.enqueue_indirect_dma source(%dma_start3A_311 : memref<10000x128xf32, #tpu.memory_space<hbm>>) target(%dma_start3A_305 : memref<80x128xf32, #tpu.memory_space<vmem>>) offsets(%dma_start3A_308 : memref<80xi32, #tpu.memory_space<vmem>>) semaphore(%arg14 : memref<!tpu.dma_semaphore, #tpu.memory_space<semaphore_mem>>)
    %dma_wait3A_312 = arith.constant 0 : i32
    %dma_wait3A_313 = arith.constant 0 : i32
    %dma_wait3A_314 = tpu.memref_slice %arg9[%dma_wait3A_312, %dma_wait3A_313] : memref<5x80xi32, #tpu.memory_space<vmem>> -> memref<1x80xi32, #tpu.memory_space<vmem>>
    %dma_wait3A_315 = tpu.memref_squeeze %dma_wait3A_314 : memref<1x80xi32, #tpu.memory_space<vmem>> -> memref<80xi32, #tpu.memory_space<vmem>>
    %dma_wait3A_316 = arith.constant 0 : i32
    %dma_wait3A_317 = tpu.memref_slice %arg3[%dma_wait3A_316] : memref<640000xi32, #tpu.memory_space<hbm>> -> memref<80xi32, #tpu.memory_space<hbm>>
    %dma_wait3A_318 = arith.constant 0 : i32
    %dma_wait3A_319 = tpu.memref_slice %arg9[%dma_wait3A_312, %dma_wait3A_318] : memref<5x80xi32, #tpu.memory_space<vmem>> -> memref<1x80xi32, #tpu.memory_space<vmem>>
    %dma_wait3A_320 = tpu.memref_squeeze %dma_wait3A_319 : memref<1x80xi32, #tpu.memory_space<vmem>> -> memref<80xi32, #tpu.memory_space<vmem>>
    %dma_wait3A_321 = arith.constant 0 : i32
    %dma_wait3A_322 = tpu.memref_slice %arg3[%dma_wait3A_321] : memref<640000xi32, #tpu.memory_space<hbm>> -> memref<80xi32, #tpu.memory_space<hbm>>
    tpu.wait_dma2 semaphore(%arg13 : memref<!tpu.dma_semaphore, #tpu.memory_space<semaphore_mem>>) src(%dma_wait3A_322 : memref<80xi32, #tpu.memory_space<hbm>>) dst(%dma_wait3A_320 : memref<80xi32, #tpu.memory_space<vmem>>)
    %dma_wait3A_323 = arith.constant 0 : i32
    %dma_wait3A_324 = arith.constant 0 : i32
    %dma_wait3A_325 = tpu.memref_slice %arg10[%dma_wait3A_323, %dma_wait3A_324] : memref<5x80xi32, #tpu.memory_space<vmem>> -> memref<1x80xi32, #tpu.memory_space<vmem>>
    %dma_wait3A_326 = tpu.memref_squeeze %dma_wait3A_325 : memref<1x80xi32, #tpu.memory_space<vmem>> -> memref<80xi32, #tpu.memory_space<vmem>>
    %dma_wait3A_327 = arith.constant 0 : i32
    %dma_wait3A_328 = tpu.memref_slice %arg3[%dma_wait3A_327] : memref<640000xi32, #tpu.memory_space<hbm>> -> memref<80xi32, #tpu.memory_space<hbm>>
    %dma_wait3A_329 = arith.constant 0 : i32
    %dma_wait3A_330 = tpu.memref_slice %arg10[%dma_wait3A_323, %dma_wait3A_329] : memref<5x80xi32, #tpu.memory_space<vmem>> -> memref<1x80xi32, #tpu.memory_space<vmem>>
    %dma_wait3A_331 = tpu.memref_squeeze %dma_wait3A_330 : memref<1x80xi32, #tpu.memory_space<vmem>> -> memref<80xi32, #tpu.memory_space<vmem>>
    %dma_wait3A_332 = arith.constant 0 : i32
    %dma_wait3A_333 = tpu.memref_slice %arg3[%dma_wait3A_332] : memref<640000xi32, #tpu.memory_space<hbm>> -> memref<80xi32, #tpu.memory_space<hbm>>
    tpu.wait_dma2 semaphore(%arg13 : memref<!tpu.dma_semaphore, #tpu.memory_space<semaphore_mem>>) src(%dma_wait3A_333 : memref<80xi32, #tpu.memory_space<hbm>>) dst(%dma_wait3A_331 : memref<80xi32, #tpu.memory_space<vmem>>)
    %dma_start3A_334 = arith.constant 1 : i32
    %dma_start3A_335 = arith.constant 1 : i32
    %dma_start3A_336 = arith.constant 0 : i32
    %dma_start3A_337 = arith.constant 0 : i32
    %dma_start3A_338 = tpu.memref_slice %arg11[%dma_start3A_335, %dma_start3A_336, %dma_start3A_337] : memref<4x80x128xf32, #tpu.memory_space<vmem>> -> memref<1x80x128xf32, #tpu.memory_space<vmem>>
    %dma_start3A_339 = tpu.memref_squeeze %dma_start3A_338 : memref<1x80x128xf32, #tpu.memory_space<vmem>> -> memref<80x128xf32, #tpu.memory_space<vmem>>
    %dma_start3A_340 = arith.constant 0 : i32
    %dma_start3A_341 = tpu.memref_slice %arg9[%dma_start3A_334, %dma_start3A_340] : memref<5x80xi32, #tpu.memory_space<vmem>> -> memref<1x80xi32, #tpu.memory_space<vmem>>
    %dma_start3A_342 = tpu.memref_squeeze %dma_start3A_341 : memref<1x80xi32, #tpu.memory_space<vmem>> -> memref<80xi32, #tpu.memory_space<vmem>>
    %dma_start3A_343 = arith.constant 0 : i32
    %dma_start3A_344 = arith.constant 0 : i32
    %dma_start3A_345 = tpu.memref_slice %arg2[%dma_start3A_343, %dma_start3A_344] : memref<10000x128xf32, #tpu.memory_space<hbm>> -> memref<10000x128xf32, #tpu.memory_space<hbm>>
    tpu.enqueue_indirect_dma source(%dma_start3A_345 : memref<10000x128xf32, #tpu.memory_space<hbm>>) target(%dma_start3A_339 : memref<80x128xf32, #tpu.memory_space<vmem>>) offsets(%dma_start3A_342 : memref<80xi32, #tpu.memory_space<vmem>>) semaphore(%arg14 : memref<!tpu.dma_semaphore, #tpu.memory_space<semaphore_mem>>)
    %scan3A_346 = arith.constant 0 : i32
    %scan3A_347 = arith.constant 0 : i32
    %scan3A_348 = arith.constant 125 : i32
    %scan3A_349 = arith.addi %scan3A_347, %scan3A_348 : i32
    %scan3A_350 = arith.constant 1 : i32
    %scan3A_351 = scf.for %scan3A_360 = %scan3A_347 to %scan3A_349 step %scan3A_350 iter_args(%scan3A_361 = %scan3A_346) -> (i32)  : i32 {
      %jit3A = arith.constant 5 : i32
      %eq3A_362 = arith.constant 0 : i32
      %eq3A_363 = arith.cmpi eq, %jit3A, %eq3A_362 : i32
      %jit3A_364 = arith.constant 1 : i32
      %select_n3A = arith.select %eq3A_363, %jit3A_364, %jit3A : i32
      %rem3A = arith.remsi %scan3A_360, %select_n3A : i32
      %ne3A = arith.constant 0 : i32
      %ne3A_365 = arith.cmpi ne, %rem3A, %ne3A : i32
      %lt3A_366 = arith.constant 0 : i32
      %lt3A_367 = arith.cmpi slt, %rem3A, %lt3A_366 : i32
      %lt3A_368 = arith.constant 0 : i32
      %lt3A_369 = arith.cmpi slt, %select_n3A, %lt3A_368 : i32
      %ne3A_370 = arith.xori %lt3A_367, %lt3A_369 : i1
      %and3A = arith.andi %ne3A_370, %ne3A_365 : i1
      %add3A_371 = arith.addi %rem3A, %select_n3A : i32
      %select_n3A_372 = arith.select %and3A, %add3A_371, %rem3A : i32
      %jit3A_373 = arith.constant 4 : i32
      %eq3A_374 = arith.constant 0 : i32
      %eq3A_375 = arith.cmpi eq, %jit3A_373, %eq3A_374 : i32
      %jit3A_376 = arith.constant 1 : i32
      %select_n3A_377 = arith.select %eq3A_375, %jit3A_376, %jit3A_373 : i32
      %rem3A_378 = arith.remsi %scan3A_360, %select_n3A_377 : i32
      %ne3A_379 = arith.constant 0 : i32
      %ne3A_380 = arith.cmpi ne, %rem3A_378, %ne3A_379 : i32
      %lt3A_381 = arith.constant 0 : i32
      %lt3A_382 = arith.cmpi slt, %rem3A_378, %lt3A_381 : i32
      %lt3A_383 = arith.constant 0 : i32
      %lt3A_384 = arith.cmpi slt, %select_n3A_377, %lt3A_383 : i32
      %ne3A_385 = arith.xori %lt3A_382, %lt3A_384 : i1
      %and3A_386 = arith.andi %ne3A_385, %ne3A_380 : i1
      %add3A_387 = arith.addi %rem3A_378, %select_n3A_377 : i32
      %select_n3A_388 = arith.select %and3A_386, %add3A_387, %rem3A_378 : i32
      %dma_wait3A_389 = arith.constant 0 : i32
      %dma_wait3A_390 = arith.constant 0 : i32
      %dma_wait3A_391 = tpu.memref_slice %arg11[%select_n3A_388, %dma_wait3A_389, %dma_wait3A_390] : memref<4x80x128xf32, #tpu.memory_space<vmem>> -> memref<1x80x128xf32, #tpu.memory_space<vmem>>
      %dma_wait3A_392 = tpu.memref_squeeze %dma_wait3A_391 : memref<1x80x128xf32, #tpu.memory_space<vmem>> -> memref<80x128xf32, #tpu.memory_space<vmem>>
      %dma_wait3A_393 = arith.constant 0 : i32
      %dma_wait3A_394 = tpu.memref_slice %arg9[%select_n3A_372, %dma_wait3A_393] : memref<5x80xi32, #tpu.memory_space<vmem>> -> memref<1x80xi32, #tpu.memory_space<vmem>>
      %dma_wait3A_395 = tpu.memref_squeeze %dma_wait3A_394 : memref<1x80xi32, #tpu.memory_space<vmem>> -> memref<80xi32, #tpu.memory_space<vmem>>
      %dma_wait3A_396 = arith.constant 0 : i32
      %dma_wait3A_397 = arith.constant 0 : i32
      %dma_wait3A_398 = tpu.memref_slice %arg2[%dma_wait3A_396, %dma_wait3A_397] : memref<10000x128xf32, #tpu.memory_space<hbm>> -> memref<10000x128xf32, #tpu.memory_space<hbm>>
      tpu.wait_indirect_dma semaphore(%arg14 : memref<!tpu.dma_semaphore, #tpu.memory_space<semaphore_mem>>) src(%dma_wait3A_398 : memref<10000x128xf32, #tpu.memory_space<hbm>>) dst(%dma_wait3A_392 : memref<80x128xf32, #tpu.memory_space<vmem>>)
      %add3A_399 = arith.constant 3 : i32
      %add3A_400 = arith.addi %scan3A_360, %add3A_399 : i32
      %lt3A_401 = arith.constant 125 : i32
      %lt3A_402 = arith.cmpi slt, %add3A_400, %lt3A_401 : i32
      %convert_element_type3A_403 = arith.extui %lt3A_402 : i1 to i32
      %cond3A_404 = arith.constant 0 : i32
      %cond3A_405 = arith.cmpi ne, %convert_element_type3A_403, %cond3A_404 : i32
      scf.if %cond3A_405 {
        %add3A_446 = arith.constant 3 : i32
        %add3A_447 = arith.addi %scan3A_360, %add3A_446 : i32
        %mul3A_448 = arith.constant 80 : i32
        %mul3A_449 = arith.muli %add3A_447, %mul3A_448 : i32
        %add3A_450 = arith.addi %mul3A_2, %mul3A_449 : i32
        %jit3A_451 = arith.constant 5 : i32
        %eq3A_452 = arith.constant 0 : i32
        %eq3A_453 = arith.cmpi eq, %jit3A_451, %eq3A_452 : i32
        %jit3A_454 = arith.constant 1 : i32
        %select_n3A_455 = arith.select %eq3A_453, %jit3A_454, %jit3A_451 : i32
        %rem3A_456 = arith.remsi %add3A_447, %select_n3A_455 : i32
        %ne3A_457 = arith.constant 0 : i32
        %ne3A_458 = arith.cmpi ne, %rem3A_456, %ne3A_457 : i32
        %lt3A_459 = arith.constant 0 : i32
        %lt3A_460 = arith.cmpi slt, %rem3A_456, %lt3A_459 : i32
        %lt3A_461 = arith.constant 0 : i32
        %lt3A_462 = arith.cmpi slt, %select_n3A_455, %lt3A_461 : i32
        %ne3A_463 = arith.xori %lt3A_460, %lt3A_462 : i1
        %and3A_464 = arith.andi %ne3A_463, %ne3A_458 : i1
        %add3A_465 = arith.addi %rem3A_456, %select_n3A_455 : i32
        %select_n3A_466 = arith.select %and3A_464, %add3A_465, %rem3A_456 : i32
        %dma_start3A_467 = arith.constant 0 : i32
        %dma_start3A_468 = tpu.memref_slice %arg9[%select_n3A_466, %dma_start3A_467] : memref<5x80xi32, #tpu.memory_space<vmem>> -> memref<1x80xi32, #tpu.memory_space<vmem>>
        %dma_start3A_469 = tpu.memref_squeeze %dma_start3A_468 : memref<1x80xi32, #tpu.memory_space<vmem>> -> memref<80xi32, #tpu.memory_space<vmem>>
        %dma_start3A_470 = tpu.memref_slice %arg3[%add3A_450] : memref<640000xi32, #tpu.memory_space<hbm>> -> memref<80xi32, #tpu.memory_space<hbm>>
        %dma_start3A_471 = arith.constant 0 : i32
        %dma_start3A_472 = tpu.memref_slice %arg9[%select_n3A_466, %dma_start3A_471] : memref<5x80xi32, #tpu.memory_space<vmem>> -> memref<1x80xi32, #tpu.memory_space<vmem>>
        %dma_start3A_473 = tpu.memref_squeeze %dma_start3A_472 : memref<1x80xi32, #tpu.memory_space<vmem>> -> memref<80xi32, #tpu.memory_space<vmem>>
        %dma_start3A_474 = tpu.memref_slice %arg3[%add3A_450] : memref<640000xi32, #tpu.memory_space<hbm>> -> memref<80xi32, #tpu.memory_space<hbm>>
        tpu.enqueue_dma source(%dma_start3A_474 : memref<80xi32, #tpu.memory_space<hbm>>) target(%dma_start3A_473 : memref<80xi32, #tpu.memory_space<vmem>>) target_semaphore(%arg13 : memref<!tpu.dma_semaphore, #tpu.memory_space<semaphore_mem>>)
        %add3A_475 = arith.constant 320000 : i32
        %add3A_476 = arith.addi %add3A_475, %add3A_450 : i32
        %dma_start3A_477 = arith.constant 0 : i32
        %dma_start3A_478 = tpu.memref_slice %arg10[%select_n3A_466, %dma_start3A_477] : memref<5x80xi32, #tpu.memory_space<vmem>> -> memref<1x80xi32, #tpu.memory_space<vmem>>
        %dma_start3A_479 = tpu.memref_squeeze %dma_start3A_478 : memref<1x80xi32, #tpu.memory_space<vmem>> -> memref<80xi32, #tpu.memory_space<vmem>>
        %dma_start3A_480 = tpu.memref_slice %arg3[%add3A_476] : memref<640000xi32, #tpu.memory_space<hbm>> -> memref<80xi32, #tpu.memory_space<hbm>>
        %dma_start3A_481 = arith.constant 0 : i32
        %dma_start3A_482 = tpu.memref_slice %arg10[%select_n3A_466, %dma_start3A_481] : memref<5x80xi32, #tpu.memory_space<vmem>> -> memref<1x80xi32, #tpu.memory_space<vmem>>
        %dma_start3A_483 = tpu.memref_squeeze %dma_start3A_482 : memref<1x80xi32, #tpu.memory_space<vmem>> -> memref<80xi32, #tpu.memory_space<vmem>>
        %dma_start3A_484 = tpu.memref_slice %arg3[%add3A_476] : memref<640000xi32, #tpu.memory_space<hbm>> -> memref<80xi32, #tpu.memory_space<hbm>>
        tpu.enqueue_dma source(%dma_start3A_484 : memref<80xi32, #tpu.memory_space<hbm>>) target(%dma_start3A_483 : memref<80xi32, #tpu.memory_space<vmem>>) target_semaphore(%arg13 : memref<!tpu.dma_semaphore, #tpu.memory_space<semaphore_mem>>)
      } else {
      }
      %add3A_406 = arith.constant 2 : i32
      %add3A_407 = arith.addi %scan3A_360, %add3A_406 : i32
      %lt3A_408 = arith.constant 125 : i32
      %lt3A_409 = arith.cmpi slt, %add3A_407, %lt3A_408 : i32
      %convert_element_type3A_410 = arith.extui %lt3A_409 : i1 to i32
      %cond3A_411 = arith.constant 0 : i32
      %cond3A_412 = arith.cmpi ne, %convert_element_type3A_410, %cond3A_411 : i32
      scf.if %cond3A_412 {
        %dma_wait3A_446 = arith.constant 0 : i32
        %dma_wait3A_447 = arith.constant 0 : i32
        %dma_wait3A_448 = tpu.memref_slice %arg9[%dma_wait3A_446, %dma_wait3A_447] : memref<5x80xi32, #tpu.memory_space<vmem>> -> memref<1x80xi32, #tpu.memory_space<vmem>>
        %dma_wait3A_449 = tpu.memref_squeeze %dma_wait3A_448 : memref<1x80xi32, #tpu.memory_space<vmem>> -> memref<80xi32, #tpu.memory_space<vmem>>
        %dma_wait3A_450 = arith.constant 0 : i32
        %dma_wait3A_451 = tpu.memref_slice %arg3[%dma_wait3A_450] : memref<640000xi32, #tpu.memory_space<hbm>> -> memref<80xi32, #tpu.memory_space<hbm>>
        %dma_wait3A_452 = arith.constant 0 : i32
        %dma_wait3A_453 = tpu.memref_slice %arg9[%dma_wait3A_446, %dma_wait3A_452] : memref<5x80xi32, #tpu.memory_space<vmem>> -> memref<1x80xi32, #tpu.memory_space<vmem>>
        %dma_wait3A_454 = tpu.memref_squeeze %dma_wait3A_453 : memref<1x80xi32, #tpu.memory_space<vmem>> -> memref<80xi32, #tpu.memory_space<vmem>>
        %dma_wait3A_455 = arith.constant 0 : i32
        %dma_wait3A_456 = tpu.memref_slice %arg3[%dma_wait3A_455] : memref<640000xi32, #tpu.memory_space<hbm>> -> memref<80xi32, #tpu.memory_space<hbm>>
        tpu.wait_dma2 semaphore(%arg13 : memref<!tpu.dma_semaphore, #tpu.memory_space<semaphore_mem>>) src(%dma_wait3A_456 : memref<80xi32, #tpu.memory_space<hbm>>) dst(%dma_wait3A_454 : memref<80xi32, #tpu.memory_space<vmem>>)
        %dma_wait3A_457 = arith.constant 0 : i32
        %dma_wait3A_458 = arith.constant 0 : i32
        %dma_wait3A_459 = tpu.memref_slice %arg10[%dma_wait3A_457, %dma_wait3A_458] : memref<5x80xi32, #tpu.memory_space<vmem>> -> memref<1x80xi32, #tpu.memory_space<vmem>>
        %dma_wait3A_460 = tpu.memref_squeeze %dma_wait3A_459 : memref<1x80xi32, #tpu.memory_space<vmem>> -> memref<80xi32, #tpu.memory_space<vmem>>
        %dma_wait3A_461 = arith.constant 0 : i32
        %dma_wait3A_462 = tpu.memref_slice %arg3[%dma_wait3A_461] : memref<640000xi32, #tpu.memory_space<hbm>> -> memref<80xi32, #tpu.memory_space<hbm>>
        %dma_wait3A_463 = arith.constant 0 : i32
        %dma_wait3A_464 = tpu.memref_slice %arg10[%dma_wait3A_457, %dma_wait3A_463] : memref<5x80xi32, #tpu.memory_space<vmem>> -> memref<1x80xi32, #tpu.memory_space<vmem>>
        %dma_wait3A_465 = tpu.memref_squeeze %dma_wait3A_464 : memref<1x80xi32, #tpu.memory_space<vmem>> -> memref<80xi32, #tpu.memory_space<vmem>>
        %dma_wait3A_466 = arith.constant 0 : i32
        %dma_wait3A_467 = tpu.memref_slice %arg3[%dma_wait3A_466] : memref<640000xi32, #tpu.memory_space<hbm>> -> memref<80xi32, #tpu.memory_space<hbm>>
        tpu.wait_dma2 semaphore(%arg13 : memref<!tpu.dma_semaphore, #tpu.memory_space<semaphore_mem>>) src(%dma_wait3A_467 : memref<80xi32, #tpu.memory_space<hbm>>) dst(%dma_wait3A_465 : memref<80xi32, #tpu.memory_space<vmem>>)
        %add3A_468 = arith.constant 2 : i32
        %add3A_469 = arith.addi %scan3A_360, %add3A_468 : i32
        %jit3A_470 = arith.constant 5 : i32
        %eq3A_471 = arith.constant 0 : i32
        %eq3A_472 = arith.cmpi eq, %jit3A_470, %eq3A_471 : i32
        %jit3A_473 = arith.constant 1 : i32
        %select_n3A_474 = arith.select %eq3A_472, %jit3A_473, %jit3A_470 : i32
        %rem3A_475 = arith.remsi %add3A_469, %select_n3A_474 : i32
        %ne3A_476 = arith.constant 0 : i32
        %ne3A_477 = arith.cmpi ne, %rem3A_475, %ne3A_476 : i32
        %lt3A_478 = arith.constant 0 : i32
        %lt3A_479 = arith.cmpi slt, %rem3A_475, %lt3A_478 : i32
        %lt3A_480 = arith.constant 0 : i32
        %lt3A_481 = arith.cmpi slt, %select_n3A_474, %lt3A_480 : i32
        %ne3A_482 = arith.xori %lt3A_479, %lt3A_481 : i1
        %and3A_483 = arith.andi %ne3A_482, %ne3A_477 : i1
        %add3A_484 = arith.addi %rem3A_475, %select_n3A_474 : i32
        %select_n3A_485 = arith.select %and3A_483, %add3A_484, %rem3A_475 : i32
        %jit3A_486 = arith.constant 4 : i32
        %eq3A_487 = arith.constant 0 : i32
        %eq3A_488 = arith.cmpi eq, %jit3A_486, %eq3A_487 : i32
        %jit3A_489 = arith.constant 1 : i32
        %select_n3A_490 = arith.select %eq3A_488, %jit3A_489, %jit3A_486 : i32
        %rem3A_491 = arith.remsi %add3A_469, %select_n3A_490 : i32
        %ne3A_492 = arith.constant 0 : i32
        %ne3A_493 = arith.cmpi ne, %rem3A_491, %ne3A_492 : i32
        %lt3A_494 = arith.constant 0 : i32
        %lt3A_495 = arith.cmpi slt, %rem3A_491, %lt3A_494 : i32
        %lt3A_496 = arith.constant 0 : i32
        %lt3A_497 = arith.cmpi slt, %select_n3A_490, %lt3A_496 : i32
        %ne3A_498 = arith.xori %lt3A_495, %lt3A_497 : i1
        %and3A_499 = arith.andi %ne3A_498, %ne3A_493 : i1
        %add3A_500 = arith.addi %rem3A_491, %select_n3A_490 : i32
        %select_n3A_501 = arith.select %and3A_499, %add3A_500, %rem3A_491 : i32
        %dma_start3A_502 = arith.constant 0 : i32
        %dma_start3A_503 = arith.constant 0 : i32
        %dma_start3A_504 = tpu.memref_slice %arg11[%select_n3A_501, %dma_start3A_502, %dma_start3A_503] : memref<4x80x128xf32, #tpu.memory_space<vmem>> -> memref<1x80x128xf32, #tpu.memory_space<vmem>>
        %dma_start3A_505 = tpu.memref_squeeze %dma_start3A_504 : memref<1x80x128xf32, #tpu.memory_space<vmem>> -> memref<80x128xf32, #tpu.memory_space<vmem>>
        %dma_start3A_506 = arith.constant 0 : i32
        %dma_start3A_507 = tpu.memref_slice %arg9[%select_n3A_485, %dma_start3A_506] : memref<5x80xi32, #tpu.memory_space<vmem>> -> memref<1x80xi32, #tpu.memory_space<vmem>>
        %dma_start3A_508 = tpu.memref_squeeze %dma_start3A_507 : memref<1x80xi32, #tpu.memory_space<vmem>> -> memref<80xi32, #tpu.memory_space<vmem>>
        %dma_start3A_509 = arith.constant 0 : i32
        %dma_start3A_510 = arith.constant 0 : i32
        %dma_start3A_511 = tpu.memref_slice %arg2[%dma_start3A_509, %dma_start3A_510] : memref<10000x128xf32, #tpu.memory_space<hbm>> -> memref<10000x128xf32, #tpu.memory_space<hbm>>
        tpu.enqueue_indirect_dma source(%dma_start3A_511 : memref<10000x128xf32, #tpu.memory_space<hbm>>) target(%dma_start3A_505 : memref<80x128xf32, #tpu.memory_space<vmem>>) offsets(%dma_start3A_508 : memref<80xi32, #tpu.memory_space<vmem>>) semaphore(%arg14 : memref<!tpu.dma_semaphore, #tpu.memory_space<semaphore_mem>>)
      } else {
      }
      %jit3A_413 = arith.constant 4 : i32
      %eq3A_414 = arith.constant 0 : i32
      %eq3A_415 = arith.cmpi eq, %jit3A_413, %eq3A_414 : i32
      %jit3A_416 = arith.constant 1 : i32
      %select_n3A_417 = arith.select %eq3A_415, %jit3A_416, %jit3A_413 : i32
      %rem3A_418 = arith.remsi %scan3A_360, %select_n3A_417 : i32
      %ne3A_419 = arith.constant 0 : i32
      %ne3A_420 = arith.cmpi ne, %rem3A_418, %ne3A_419 : i32
      %lt3A_421 = arith.constant 0 : i32
      %lt3A_422 = arith.cmpi slt, %rem3A_418, %lt3A_421 : i32
      %lt3A_423 = arith.constant 0 : i32
      %lt3A_424 = arith.cmpi slt, %select_n3A_417, %lt3A_423 : i32
      %ne3A_425 = arith.xori %lt3A_422, %lt3A_424 : i1
      %and3A_426 = arith.andi %ne3A_425, %ne3A_420 : i1
      %add3A_427 = arith.addi %rem3A_418, %select_n3A_417 : i32
      %select_n3A_428 = arith.select %and3A_426, %add3A_427, %rem3A_418 : i32
      %jit3A_429 = arith.constant 5 : i32
      %eq3A_430 = arith.constant 0 : i32
      %eq3A_431 = arith.cmpi eq, %jit3A_429, %eq3A_430 : i32
      %jit3A_432 = arith.constant 1 : i32
      %select_n3A_433 = arith.select %eq3A_431, %jit3A_432, %jit3A_429 : i32
      %rem3A_434 = arith.remsi %scan3A_360, %select_n3A_433 : i32
      %ne3A_435 = arith.constant 0 : i32
      %ne3A_436 = arith.cmpi ne, %rem3A_434, %ne3A_435 : i32
      %lt3A_437 = arith.constant 0 : i32
      %lt3A_438 = arith.cmpi slt, %rem3A_434, %lt3A_437 : i32
      %lt3A_439 = arith.constant 0 : i32
      %lt3A_440 = arith.cmpi slt, %select_n3A_433, %lt3A_439 : i32
      %ne3A_441 = arith.xori %lt3A_438, %lt3A_440 : i1
      %and3A_442 = arith.andi %ne3A_441, %ne3A_436 : i1
      %add3A_443 = arith.addi %rem3A_434, %select_n3A_433 : i32
      %select_n3A_444 = arith.select %and3A_442, %add3A_443, %rem3A_434 : i32
      "tpu.region"() ({
        %run_scoped3A = tpu.sem_alloc : memref<!tpu.dma_semaphore, #tpu.memory_space<semaphore_mem>>
        %dma_start3A_446 = arith.constant 0 : i32
        %dma_start3A_447 = arith.constant 0 : i32
        %dma_start3A_448 = tpu.memref_slice %arg11[%select_n3A_428, %dma_start3A_446, %dma_start3A_447] : memref<4x80x128xf32, #tpu.memory_space<vmem>> -> memref<1x80x128xf32, #tpu.memory_space<vmem>>
        %dma_start3A_449 = tpu.memref_squeeze %dma_start3A_448 : memref<1x80x128xf32, #tpu.memory_space<vmem>> -> memref<80x128xf32, #tpu.memory_space<vmem>>
        %dma_start3A_450 = arith.constant 0 : i32
        %dma_start3A_451 = tpu.memref_slice %arg10[%select_n3A_444, %dma_start3A_450] : memref<5x80xi32, #tpu.memory_space<vmem>> -> memref<1x80xi32, #tpu.memory_space<vmem>>
        %dma_start3A_452 = tpu.memref_squeeze %dma_start3A_451 : memref<1x80xi32, #tpu.memory_space<vmem>> -> memref<80xi32, #tpu.memory_space<vmem>>
        %dma_start3A_453 = arith.constant 0 : i32
        %dma_start3A_454 = arith.constant 0 : i32
        %dma_start3A_455 = tpu.memref_slice %arg5[%dma_start3A_453, %dma_start3A_454] : memref<10240x128xf32, #tpu.memory_space<vmem_shared>> -> memref<10240x128xf32, #tpu.memory_space<vmem_shared>>
        tpu.enqueue_indirect_dma source(%dma_start3A_449 : memref<80x128xf32, #tpu.memory_space<vmem>>) target(%dma_start3A_455 : memref<10240x128xf32, #tpu.memory_space<vmem_shared>>) offsets(%dma_start3A_452 : memref<80xi32, #tpu.memory_space<vmem>>) semaphore(%run_scoped3A : memref<!tpu.dma_semaphore, #tpu.memory_space<semaphore_mem>>) {add = true}
        %dma_wait3A_456 = arith.constant 0 : i32
        %dma_wait3A_457 = arith.constant 0 : i32
        %dma_wait3A_458 = tpu.memref_slice %arg11[%select_n3A_428, %dma_wait3A_456, %dma_wait3A_457] : memref<4x80x128xf32, #tpu.memory_space<vmem>> -> memref<1x80x128xf32, #tpu.memory_space<vmem>>
        %dma_wait3A_459 = tpu.memref_squeeze %dma_wait3A_458 : memref<1x80x128xf32, #tpu.memory_space<vmem>> -> memref<80x128xf32, #tpu.memory_space<vmem>>
        %dma_wait3A_460 = arith.constant 0 : i32
        %dma_wait3A_461 = tpu.memref_slice %arg10[%select_n3A_444, %dma_wait3A_460] : memref<5x80xi32, #tpu.memory_space<vmem>> -> memref<1x80xi32, #tpu.memory_space<vmem>>
        %dma_wait3A_462 = tpu.memref_squeeze %dma_wait3A_461 : memref<1x80xi32, #tpu.memory_space<vmem>> -> memref<80xi32, #tpu.memory_space<vmem>>
        %dma_wait3A_463 = arith.constant 0 : i32
        %dma_wait3A_464 = arith.constant 0 : i32
        %dma_wait3A_465 = tpu.memref_slice %arg5[%dma_wait3A_463, %dma_wait3A_464] : memref<10240x128xf32, #tpu.memory_space<vmem_shared>> -> memref<10240x128xf32, #tpu.memory_space<vmem_shared>>
        tpu.wait_indirect_dma semaphore(%run_scoped3A : memref<!tpu.dma_semaphore, #tpu.memory_space<semaphore_mem>>) src(%dma_wait3A_459 : memref<80x128xf32, #tpu.memory_space<vmem>>) dst(%dma_wait3A_465 : memref<10240x128xf32, #tpu.memory_space<vmem_shared>>)
        tpu.yield
      }) : () -> ()
      %scan3A_445 = arith.constant 0 : i32
      scf.yield %scan3A_445 : i32
    }
    %scan3A_352 = arith.constant 125 : i32
    %barrier3A_353 = arith.constant 0 : index
    tpu.barrier barrier_id(%barrier3A_353)
    %lt3A = arith.constant 15 : i32
    %lt3A_354 = arith.cmpi slt, %arg1, %lt3A : i32
    %convert_element_type3A = arith.extui %lt3A_354 : i1 to i32
    %cond3A = arith.constant 0 : i32
    %cond3A_355 = arith.cmpi ne, %convert_element_type3A, %cond3A : i32
    scf.if %cond3A_355 {
      "tpu.region"() ({
        %run_scoped3A = tpu.sem_alloc : memref<!tpu.dma_semaphore, #tpu.memory_space<semaphore_mem>>
        %dma_start3A_360 = arith.constant 0 : i32
        %dma_start3A_361 = tpu.memref_slice %arg4[%arg0, %mul3A_76, %dma_start3A_360] : memref<2x10000x128xf32, #tpu.memory_space<hbm>> -> memref<1x640x128xf32, #tpu.memory_space<hbm>>
        %dma_start3A_362 = tpu.memref_squeeze %dma_start3A_361 : memref<1x640x128xf32, #tpu.memory_space<hbm>> -> memref<640x128xf32, #tpu.memory_space<hbm>>
        %dma_start3A_363 = arith.constant 0 : i32
        %dma_start3A_364 = tpu.memref_slice %arg5[%mul3A_76, %dma_start3A_363] : memref<10240x128xf32, #tpu.memory_space<vmem_shared>> -> memref<640x128xf32, #tpu.memory_space<vmem_shared>>
        tpu.enqueue_dma source(%dma_start3A_364 : memref<640x128xf32, #tpu.memory_space<vmem_shared>>) target(%dma_start3A_362 : memref<640x128xf32, #tpu.memory_space<hbm>>) target_semaphore(%run_scoped3A : memref<!tpu.dma_semaphore, #tpu.memory_space<semaphore_mem>>)
        %dma_wait3A_365 = arith.constant 0 : i32
        %dma_wait3A_366 = tpu.memref_slice %arg4[%arg0, %mul3A_76, %dma_wait3A_365] : memref<2x10000x128xf32, #tpu.memory_space<hbm>> -> memref<1x640x128xf32, #tpu.memory_space<hbm>>
        %dma_wait3A_367 = tpu.memref_squeeze %dma_wait3A_366 : memref<1x640x128xf32, #tpu.memory_space<hbm>> -> memref<640x128xf32, #tpu.memory_space<hbm>>
        %dma_wait3A_368 = arith.constant 0 : i32
        %dma_wait3A_369 = tpu.memref_slice %arg5[%mul3A_76, %dma_wait3A_368] : memref<10240x128xf32, #tpu.memory_space<vmem_shared>> -> memref<640x128xf32, #tpu.memory_space<vmem_shared>>
        tpu.wait_dma2 semaphore(%run_scoped3A : memref<!tpu.dma_semaphore, #tpu.memory_space<semaphore_mem>>) src(%dma_wait3A_369 : memref<640x128xf32, #tpu.memory_space<vmem_shared>>) dst(%dma_wait3A_367 : memref<640x128xf32, #tpu.memory_space<hbm>>)
        tpu.yield
      }) : () -> ()
    } else {
    }
    %eq3A = arith.constant 15 : i32
    %eq3A_356 = arith.cmpi eq, %arg1, %eq3A : i32
    %convert_element_type3A_357 = arith.extui %eq3A_356 : i1 to i32
    %cond3A_358 = arith.constant 0 : i32
    %cond3A_359 = arith.cmpi ne, %convert_element_type3A_357, %cond3A_358 : i32
    scf.if %cond3A_359 {
      "tpu.region"() ({
        %run_scoped3A = tpu.sem_alloc : memref<!tpu.dma_semaphore, #tpu.memory_space<semaphore_mem>>
        %dma_start3A_360 = arith.constant 9600 : i32
        %dma_start3A_361 = arith.constant 0 : i32
        %dma_start3A_362 = tpu.memref_slice %arg4[%arg0, %dma_start3A_360, %dma_start3A_361] : memref<2x10000x128xf32, #tpu.memory_space<hbm>> -> memref<1x400x128xf32, #tpu.memory_space<hbm>>
        %dma_start3A_363 = tpu.memref_squeeze %dma_start3A_362 : memref<1x400x128xf32, #tpu.memory_space<hbm>> -> memref<400x128xf32, #tpu.memory_space<hbm>>
        %dma_start3A_364 = arith.constant 9600 : i32
        %dma_start3A_365 = arith.constant 0 : i32
        %dma_start3A_366 = tpu.memref_slice %arg5[%dma_start3A_364, %dma_start3A_365] : memref<10240x128xf32, #tpu.memory_space<vmem_shared>> -> memref<400x128xf32, #tpu.memory_space<vmem_shared>>
        tpu.enqueue_dma source(%dma_start3A_366 : memref<400x128xf32, #tpu.memory_space<vmem_shared>>) target(%dma_start3A_363 : memref<400x128xf32, #tpu.memory_space<hbm>>) target_semaphore(%run_scoped3A : memref<!tpu.dma_semaphore, #tpu.memory_space<semaphore_mem>>)
        %dma_wait3A_367 = arith.constant 9600 : i32
        %dma_wait3A_368 = arith.constant 0 : i32
        %dma_wait3A_369 = tpu.memref_slice %arg4[%arg0, %dma_wait3A_367, %dma_wait3A_368] : memref<2x10000x128xf32, #tpu.memory_space<hbm>> -> memref<1x400x128xf32, #tpu.memory_space<hbm>>
        %dma_wait3A_370 = tpu.memref_squeeze %dma_wait3A_369 : memref<1x400x128xf32, #tpu.memory_space<hbm>> -> memref<400x128xf32, #tpu.memory_space<hbm>>
        %dma_wait3A_371 = arith.constant 9600 : i32
        %dma_wait3A_372 = arith.constant 0 : i32
        %dma_wait3A_373 = tpu.memref_slice %arg5[%dma_wait3A_371, %dma_wait3A_372] : memref<10240x128xf32, #tpu.memory_space<vmem_shared>> -> memref<400x128xf32, #tpu.memory_space<vmem_shared>>
        tpu.wait_dma2 semaphore(%run_scoped3A : memref<!tpu.dma_semaphore, #tpu.memory_space<semaphore_mem>>) src(%dma_wait3A_373 : memref<400x128xf32, #tpu.memory_space<vmem_shared>>) dst(%dma_wait3A_370 : memref<400x128xf32, #tpu.memory_space<hbm>>)
        tpu.yield
      }) : () -> ()
    } else {
    }
    return
  }
}

#map = affine_map<(d0, d1) -> (0, 0)>
#map1 = affine_map<(d0, d1) -> (0)>
#map2 = affine_map<(d0, d1) -> (0, 0, 0)>
module attributes {stable_mosaic.version = 14 : i64} {
  func.func @sc_agg(%arg0: i32, %arg1: i32, %arg2: memref<10000x128xf32, #tpu.memory_space<hbm>>, %arg3: memref<640000xi32, #tpu.memory_space<hbm>>, %arg4: memref<2x10000x128xf32, #tpu.memory_space<hbm>>, %arg5: memref<2x10240xf32, #tpu.memory_space<hbm>>, %arg6: memref<10240x128xf32, #tpu.memory_space<vmem_shared>>, %arg7: memref<10240xf32, #tpu.memory_space<vmem_shared>>, %arg8: memref<32x128xf32, #tpu.memory_space<vmem>>, %arg9: memref<640xf32, #tpu.memory_space<vmem>>, %arg10: memref<5x80xi32, #tpu.memory_space<vmem>>, %arg11: memref<5x80xi32, #tpu.memory_space<vmem>>, %arg12: memref<4x80x128xf32, #tpu.memory_space<vmem>>, %arg13: memref<80xf32, #tpu.memory_space<vmem>>, %arg14: memref<!tpu.dma_semaphore, #tpu.memory_space<semaphore_mem>>, %arg15: memref<!tpu.dma_semaphore, #tpu.memory_space<semaphore_mem>>, %arg16: memref<!tpu.dma_semaphore, #tpu.memory_space<semaphore_mem>>) attributes {dimension_semantics = [#tpu.dimension_semantics<core_parallel>, #tpu.dimension_semantics<subcore_parallel>], iteration_bounds = array<i64: 2, 16>, scalar_prefetch = 0 : i64, scratch_operands = 11 : i64, tpu.core_type = #tpu.core_type<sc_vector_subcore>, window_params = [{transform_indices = #map}, {transform_indices = #map1}, {transform_indices = #map2}, {transform_indices = #map}]} {
    %mul3A = arith.constant 2 : i32
    %mul3A_0 = arith.muli %arg1, %mul3A : i32
    %add3A = arith.addi %mul3A_0, %arg0 : i32
    %mul3A_1 = arith.constant 10000 : i32
    %mul3A_2 = arith.muli %add3A, %mul3A_1 : i32
    %add3A_3 = arith.constant 0 : i32
    %add3A_4 = arith.addi %mul3A_2, %add3A_3 : i32
    %dma_start3A = arith.constant 0 : i32
    %dma_start3A_5 = arith.constant 0 : i32
    %dma_start3A_6 = tpu.memref_slice %arg10[%dma_start3A, %dma_start3A_5] : memref<5x80xi32, #tpu.memory_space<vmem>> -> memref<1x80xi32, #tpu.memory_space<vmem>>
    %dma_start3A_7 = tpu.memref_squeeze %dma_start3A_6 : memref<1x80xi32, #tpu.memory_space<vmem>> -> memref<80xi32, #tpu.memory_space<vmem>>
    %dma_start3A_8 = tpu.memref_slice %arg3[%add3A_4] : memref<640000xi32, #tpu.memory_space<hbm>> -> memref<80xi32, #tpu.memory_space<hbm>>
    %dma_start3A_9 = arith.constant 0 : i32
    %dma_start3A_10 = tpu.memref_slice %arg10[%dma_start3A, %dma_start3A_9] : memref<5x80xi32, #tpu.memory_space<vmem>> -> memref<1x80xi32, #tpu.memory_space<vmem>>
    %dma_start3A_11 = tpu.memref_squeeze %dma_start3A_10 : memref<1x80xi32, #tpu.memory_space<vmem>> -> memref<80xi32, #tpu.memory_space<vmem>>
    %dma_start3A_12 = tpu.memref_slice %arg3[%add3A_4] : memref<640000xi32, #tpu.memory_space<hbm>> -> memref<80xi32, #tpu.memory_space<hbm>>
    tpu.enqueue_dma source(%dma_start3A_12 : memref<80xi32, #tpu.memory_space<hbm>>) target(%dma_start3A_11 : memref<80xi32, #tpu.memory_space<vmem>>) target_semaphore(%arg14 : memref<!tpu.dma_semaphore, #tpu.memory_space<semaphore_mem>>)
    %add3A_13 = arith.constant 320000 : i32
    %add3A_14 = arith.addi %add3A_13, %add3A_4 : i32
    %dma_start3A_15 = arith.constant 0 : i32
    %dma_start3A_16 = arith.constant 0 : i32
    %dma_start3A_17 = tpu.memref_slice %arg11[%dma_start3A_15, %dma_start3A_16] : memref<5x80xi32, #tpu.memory_space<vmem>> -> memref<1x80xi32, #tpu.memory_space<vmem>>
    %dma_start3A_18 = tpu.memref_squeeze %dma_start3A_17 : memref<1x80xi32, #tpu.memory_space<vmem>> -> memref<80xi32, #tpu.memory_space<vmem>>
    %dma_start3A_19 = tpu.memref_slice %arg3[%add3A_14] : memref<640000xi32, #tpu.memory_space<hbm>> -> memref<80xi32, #tpu.memory_space<hbm>>
    %dma_start3A_20 = arith.constant 0 : i32
    %dma_start3A_21 = tpu.memref_slice %arg11[%dma_start3A_15, %dma_start3A_20] : memref<5x80xi32, #tpu.memory_space<vmem>> -> memref<1x80xi32, #tpu.memory_space<vmem>>
    %dma_start3A_22 = tpu.memref_squeeze %dma_start3A_21 : memref<1x80xi32, #tpu.memory_space<vmem>> -> memref<80xi32, #tpu.memory_space<vmem>>
    %dma_start3A_23 = tpu.memref_slice %arg3[%add3A_14] : memref<640000xi32, #tpu.memory_space<hbm>> -> memref<80xi32, #tpu.memory_space<hbm>>
    tpu.enqueue_dma source(%dma_start3A_23 : memref<80xi32, #tpu.memory_space<hbm>>) target(%dma_start3A_22 : memref<80xi32, #tpu.memory_space<vmem>>) target_semaphore(%arg14 : memref<!tpu.dma_semaphore, #tpu.memory_space<semaphore_mem>>)
    %add3A_24 = arith.constant 80 : i32
    %add3A_25 = arith.addi %mul3A_2, %add3A_24 : i32
    %dma_start3A_26 = arith.constant 1 : i32
    %dma_start3A_27 = arith.constant 0 : i32
    %dma_start3A_28 = tpu.memref_slice %arg10[%dma_start3A_26, %dma_start3A_27] : memref<5x80xi32, #tpu.memory_space<vmem>> -> memref<1x80xi32, #tpu.memory_space<vmem>>
    %dma_start3A_29 = tpu.memref_squeeze %dma_start3A_28 : memref<1x80xi32, #tpu.memory_space<vmem>> -> memref<80xi32, #tpu.memory_space<vmem>>
    %dma_start3A_30 = tpu.memref_slice %arg3[%add3A_25] : memref<640000xi32, #tpu.memory_space<hbm>> -> memref<80xi32, #tpu.memory_space<hbm>>
    %dma_start3A_31 = arith.constant 0 : i32
    %dma_start3A_32 = tpu.memref_slice %arg10[%dma_start3A_26, %dma_start3A_31] : memref<5x80xi32, #tpu.memory_space<vmem>> -> memref<1x80xi32, #tpu.memory_space<vmem>>
    %dma_start3A_33 = tpu.memref_squeeze %dma_start3A_32 : memref<1x80xi32, #tpu.memory_space<vmem>> -> memref<80xi32, #tpu.memory_space<vmem>>
    %dma_start3A_34 = tpu.memref_slice %arg3[%add3A_25] : memref<640000xi32, #tpu.memory_space<hbm>> -> memref<80xi32, #tpu.memory_space<hbm>>
    tpu.enqueue_dma source(%dma_start3A_34 : memref<80xi32, #tpu.memory_space<hbm>>) target(%dma_start3A_33 : memref<80xi32, #tpu.memory_space<vmem>>) target_semaphore(%arg14 : memref<!tpu.dma_semaphore, #tpu.memory_space<semaphore_mem>>)
    %add3A_35 = arith.constant 320000 : i32
    %add3A_36 = arith.addi %add3A_35, %add3A_25 : i32
    %dma_start3A_37 = arith.constant 1 : i32
    %dma_start3A_38 = arith.constant 0 : i32
    %dma_start3A_39 = tpu.memref_slice %arg11[%dma_start3A_37, %dma_start3A_38] : memref<5x80xi32, #tpu.memory_space<vmem>> -> memref<1x80xi32, #tpu.memory_space<vmem>>
    %dma_start3A_40 = tpu.memref_squeeze %dma_start3A_39 : memref<1x80xi32, #tpu.memory_space<vmem>> -> memref<80xi32, #tpu.memory_space<vmem>>
    %dma_start3A_41 = tpu.memref_slice %arg3[%add3A_36] : memref<640000xi32, #tpu.memory_space<hbm>> -> memref<80xi32, #tpu.memory_space<hbm>>
    %dma_start3A_42 = arith.constant 0 : i32
    %dma_start3A_43 = tpu.memref_slice %arg11[%dma_start3A_37, %dma_start3A_42] : memref<5x80xi32, #tpu.memory_space<vmem>> -> memref<1x80xi32, #tpu.memory_space<vmem>>
    %dma_start3A_44 = tpu.memref_squeeze %dma_start3A_43 : memref<1x80xi32, #tpu.memory_space<vmem>> -> memref<80xi32, #tpu.memory_space<vmem>>
    %dma_start3A_45 = tpu.memref_slice %arg3[%add3A_36] : memref<640000xi32, #tpu.memory_space<hbm>> -> memref<80xi32, #tpu.memory_space<hbm>>
    tpu.enqueue_dma source(%dma_start3A_45 : memref<80xi32, #tpu.memory_space<hbm>>) target(%dma_start3A_44 : memref<80xi32, #tpu.memory_space<vmem>>) target_semaphore(%arg14 : memref<!tpu.dma_semaphore, #tpu.memory_space<semaphore_mem>>)
    %add3A_46 = arith.constant 160 : i32
    %add3A_47 = arith.addi %mul3A_2, %add3A_46 : i32
    %dma_start3A_48 = arith.constant 2 : i32
    %dma_start3A_49 = arith.constant 0 : i32
    %dma_start3A_50 = tpu.memref_slice %arg10[%dma_start3A_48, %dma_start3A_49] : memref<5x80xi32, #tpu.memory_space<vmem>> -> memref<1x80xi32, #tpu.memory_space<vmem>>
    %dma_start3A_51 = tpu.memref_squeeze %dma_start3A_50 : memref<1x80xi32, #tpu.memory_space<vmem>> -> memref<80xi32, #tpu.memory_space<vmem>>
    %dma_start3A_52 = tpu.memref_slice %arg3[%add3A_47] : memref<640000xi32, #tpu.memory_space<hbm>> -> memref<80xi32, #tpu.memory_space<hbm>>
    %dma_start3A_53 = arith.constant 0 : i32
    %dma_start3A_54 = tpu.memref_slice %arg10[%dma_start3A_48, %dma_start3A_53] : memref<5x80xi32, #tpu.memory_space<vmem>> -> memref<1x80xi32, #tpu.memory_space<vmem>>
    %dma_start3A_55 = tpu.memref_squeeze %dma_start3A_54 : memref<1x80xi32, #tpu.memory_space<vmem>> -> memref<80xi32, #tpu.memory_space<vmem>>
    %dma_start3A_56 = tpu.memref_slice %arg3[%add3A_47] : memref<640000xi32, #tpu.memory_space<hbm>> -> memref<80xi32, #tpu.memory_space<hbm>>
    tpu.enqueue_dma source(%dma_start3A_56 : memref<80xi32, #tpu.memory_space<hbm>>) target(%dma_start3A_55 : memref<80xi32, #tpu.memory_space<vmem>>) target_semaphore(%arg14 : memref<!tpu.dma_semaphore, #tpu.memory_space<semaphore_mem>>)
    %add3A_57 = arith.constant 320000 : i32
    %add3A_58 = arith.addi %add3A_57, %add3A_47 : i32
    %dma_start3A_59 = arith.constant 2 : i32
    %dma_start3A_60 = arith.constant 0 : i32
    %dma_start3A_61 = tpu.memref_slice %arg11[%dma_start3A_59, %dma_start3A_60] : memref<5x80xi32, #tpu.memory_space<vmem>> -> memref<1x80xi32, #tpu.memory_space<vmem>>
    %dma_start3A_62 = tpu.memref_squeeze %dma_start3A_61 : memref<1x80xi32, #tpu.memory_space<vmem>> -> memref<80xi32, #tpu.memory_space<vmem>>
    %dma_start3A_63 = tpu.memref_slice %arg3[%add3A_58] : memref<640000xi32, #tpu.memory_space<hbm>> -> memref<80xi32, #tpu.memory_space<hbm>>
    %dma_start3A_64 = arith.constant 0 : i32
    %dma_start3A_65 = tpu.memref_slice %arg11[%dma_start3A_59, %dma_start3A_64] : memref<5x80xi32, #tpu.memory_space<vmem>> -> memref<1x80xi32, #tpu.memory_space<vmem>>
    %dma_start3A_66 = tpu.memref_squeeze %dma_start3A_65 : memref<1x80xi32, #tpu.memory_space<vmem>> -> memref<80xi32, #tpu.memory_space<vmem>>
    %dma_start3A_67 = tpu.memref_slice %arg3[%add3A_58] : memref<640000xi32, #tpu.memory_space<hbm>> -> memref<80xi32, #tpu.memory_space<hbm>>
    tpu.enqueue_dma source(%dma_start3A_67 : memref<80xi32, #tpu.memory_space<hbm>>) target(%dma_start3A_66 : memref<80xi32, #tpu.memory_space<vmem>>) target_semaphore(%arg14 : memref<!tpu.dma_semaphore, #tpu.memory_space<semaphore_mem>>)
    %broadcast_in_dim3A = arith.constant 0.000000e+00 : f32
    %broadcast_in_dim3A_68 = vector.broadcast %broadcast_in_dim3A : f32 to vector<16xf32>
    %scan3A = arith.constant 0 : i32
    %scan3A_69 = arith.constant 0 : i32
    %scan3A_70 = arith.constant 256 : i32
    %scan3A_71 = arith.addi %scan3A_69, %scan3A_70 : i32
    %scan3A_72 = arith.constant 1 : i32
    %scan3A_73 = scf.for %scan3A_378 = %scan3A_69 to %scan3A_71 step %scan3A_72 iter_args(%scan3A_379 = %scan3A) -> (i32)  : i32 {
      %jit3A = arith.constant 8 : i32
      %div3A = arith.divsi %scan3A_378, %jit3A : i32
      %sign3A = arith.constant 0 : i32
      %sign3A_380 = arith.cmpi sgt, %scan3A_378, %sign3A : i32
      %sign3A_381 = arith.extui %sign3A_380 : i1 to i32
      %sign3A_382 = arith.constant 0 : i32
      %sign3A_383 = arith.cmpi slt, %scan3A_378, %sign3A_382 : i32
      %sign3A_384 = arith.extui %sign3A_383 : i1 to i32
      %sign3A_385 = arith.subi %sign3A_381, %sign3A_384 : i32
      %sign3A_386 = arith.constant 0 : i32
      %sign3A_387 = arith.cmpi sgt, %jit3A, %sign3A_386 : i32
      %sign3A_388 = arith.extui %sign3A_387 : i1 to i32
      %sign3A_389 = arith.constant 0 : i32
      %sign3A_390 = arith.cmpi slt, %jit3A, %sign3A_389 : i32
      %sign3A_391 = arith.extui %sign3A_390 : i1 to i32
      %sign3A_392 = arith.subi %sign3A_388, %sign3A_391 : i32
      %ne3A = arith.cmpi ne, %sign3A_385, %sign3A_392 : i32
      %rem3A = arith.remsi %scan3A_378, %jit3A : i32
      %ne3A_393 = arith.constant 0 : i32
      %ne3A_394 = arith.cmpi ne, %rem3A, %ne3A_393 : i32
      %and3A = arith.andi %ne3A, %ne3A_394 : i1
      %sub3A = arith.constant 1 : i32
      %sub3A_395 = arith.subi %div3A, %sub3A : i32
      %select_n3A = arith.select %and3A, %sub3A_395, %div3A : i32
      %jit3A_396 = arith.constant 8 : i32
      %eq3A_397 = arith.constant 0 : i32
      %eq3A_398 = arith.cmpi eq, %jit3A_396, %eq3A_397 : i32
      %jit3A_399 = arith.constant 1 : i32
      %select_n3A_400 = arith.select %eq3A_398, %jit3A_399, %jit3A_396 : i32
      %rem3A_401 = arith.remsi %scan3A_378, %select_n3A_400 : i32
      %ne3A_402 = arith.constant 0 : i32
      %ne3A_403 = arith.cmpi ne, %rem3A_401, %ne3A_402 : i32
      %lt3A_404 = arith.constant 0 : i32
      %lt3A_405 = arith.cmpi slt, %rem3A_401, %lt3A_404 : i32
      %lt3A_406 = arith.constant 0 : i32
      %lt3A_407 = arith.cmpi slt, %select_n3A_400, %lt3A_406 : i32
      %ne3A_408 = arith.xori %lt3A_405, %lt3A_407 : i1
      %and3A_409 = arith.andi %ne3A_408, %ne3A_403 : i1
      %add3A_410 = arith.addi %rem3A_401, %select_n3A_400 : i32
      %select_n3A_411 = arith.select %and3A_409, %add3A_410, %rem3A_401 : i32
      %mul3A_412 = arith.constant 16 : i32
      %mul3A_413 = arith.muli %select_n3A_411, %mul3A_412 : i32
      %swap3A = arith.index_cast %select_n3A : i32 to index
      %swap3A_414 = arith.index_cast %mul3A_413 : i32 to index
      %swap3A_415 = tpu.vector_load %arg8[%swap3A, %swap3A_414] {strides = array<i32>} : memref<32x128xf32, #tpu.memory_space<vmem>>, vector<1x16xf32>,
      %swap3A_416 = vector.shape_cast %swap3A_415 : vector<1x16xf32> to vector<16xf32>
      %swap3A_417 = vector.shape_cast %broadcast_in_dim3A_68 : vector<16xf32> to vector<1x16xf32>
      tpu.vector_store %arg8[%swap3A, %swap3A_414], %swap3A_417 {strides = array<i32>} : memref<32x128xf32, #tpu.memory_space<vmem>>, vector<1x16xf32>,
      %scan3A_418 = arith.constant 0 : i32
      scf.yield %scan3A_418 : i32
    }
    %scan3A_74 = arith.constant 256 : i32
    %scan3A_75 = arith.constant 0 : i32
    %scan3A_76 = arith.constant 0 : i32
    %scan3A_77 = arith.constant 40 : i32
    %scan3A_78 = arith.addi %scan3A_76, %scan3A_77 : i32
    %scan3A_79 = arith.constant 1 : i32
    %scan3A_80 = scf.for %scan3A_378 = %scan3A_76 to %scan3A_78 step %scan3A_79 iter_args(%scan3A_379 = %scan3A_75) -> (i32)  : i32 {
      %mul3A_380 = arith.constant 16 : i32
      %mul3A_381 = arith.muli %scan3A_378, %mul3A_380 : i32
      %swap3A = arith.index_cast %mul3A_381 : i32 to index
      %swap3A_382 = tpu.vector_load %arg9[%swap3A] {strides = array<i32>} : memref<640xf32, #tpu.memory_space<vmem>>, vector<16xf32>,
      %swap3A_383 = vector.shape_cast %swap3A_382 : vector<16xf32> to vector<16xf32>
      %swap3A_384 = vector.shape_cast %broadcast_in_dim3A_68 : vector<16xf32> to vector<16xf32>
      tpu.vector_store %arg9[%swap3A], %swap3A_384 {strides = array<i32>} : memref<640xf32, #tpu.memory_space<vmem>>, vector<16xf32>,
      %scan3A_385 = arith.constant 0 : i32
      scf.yield %scan3A_385 : i32
    }
    %scan3A_81 = arith.constant 40 : i32
    %scan3A_82 = arith.constant 0 : i32
    %scan3A_83 = arith.constant 0 : i32
    %scan3A_84 = arith.constant 5 : i32
    %scan3A_85 = arith.addi %scan3A_83, %scan3A_84 : i32
    %scan3A_86 = arith.constant 1 : i32
    %scan3A_87 = scf.for %scan3A_378 = %scan3A_83 to %scan3A_85 step %scan3A_86 iter_args(%scan3A_379 = %scan3A_82) -> (i32)  : i32 {
      %broadcast_in_dim3A_380 = arith.constant 1.000000e+00 : f32
      %broadcast_in_dim3A_381 = vector.broadcast %broadcast_in_dim3A_380 : f32 to vector<16xf32>
      %mul3A_382 = arith.constant 16 : i32
      %mul3A_383 = arith.muli %scan3A_378, %mul3A_382 : i32
      %swap3A = arith.index_cast %mul3A_383 : i32 to index
      %swap3A_384 = tpu.vector_load %arg13[%swap3A] {strides = array<i32>} : memref<80xf32, #tpu.memory_space<vmem>>, vector<16xf32>,
      %swap3A_385 = vector.shape_cast %swap3A_384 : vector<16xf32> to vector<16xf32>
      %swap3A_386 = vector.shape_cast %broadcast_in_dim3A_381 : vector<16xf32> to vector<16xf32>
      tpu.vector_store %arg13[%swap3A], %swap3A_386 {strides = array<i32>} : memref<80xf32, #tpu.memory_space<vmem>>, vector<16xf32>,
      %scan3A_387 = arith.constant 0 : i32
      scf.yield %scan3A_387 : i32
    }
    %scan3A_88 = arith.constant 5 : i32
    %mul3A_89 = arith.constant 640 : i32
    %mul3A_90 = arith.muli %arg1, %mul3A_89 : i32
    %add3A_91 = arith.constant 0 : i32
    %add3A_92 = arith.addi %mul3A_90, %add3A_91 : i32
    %dma_start3A_93 = arith.constant 0 : i32
    %dma_start3A_94 = tpu.memref_slice %arg6[%add3A_92, %dma_start3A_93] : memref<10240x128xf32, #tpu.memory_space<vmem_shared>> -> memref<32x128xf32, #tpu.memory_space<vmem_shared>>
    %dma_start3A_95 = arith.constant 0 : i32
    %dma_start3A_96 = tpu.memref_slice %arg6[%add3A_92, %dma_start3A_95] : memref<10240x128xf32, #tpu.memory_space<vmem_shared>> -> memref<32x128xf32, #tpu.memory_space<vmem_shared>>
    tpu.enqueue_dma source(%arg8 : memref<32x128xf32, #tpu.memory_space<vmem>>) target(%dma_start3A_96 : memref<32x128xf32, #tpu.memory_space<vmem_shared>>) target_semaphore(%arg16 : memref<!tpu.dma_semaphore, #tpu.memory_space<semaphore_mem>>)
    %add3A_97 = arith.constant 32 : i32
    %add3A_98 = arith.addi %mul3A_90, %add3A_97 : i32
    %dma_start3A_99 = arith.constant 0 : i32
    %dma_start3A_100 = tpu.memref_slice %arg6[%add3A_98, %dma_start3A_99] : memref<10240x128xf32, #tpu.memory_space<vmem_shared>> -> memref<32x128xf32, #tpu.memory_space<vmem_shared>>
    %dma_start3A_101 = arith.constant 0 : i32
    %dma_start3A_102 = tpu.memref_slice %arg6[%add3A_98, %dma_start3A_101] : memref<10240x128xf32, #tpu.memory_space<vmem_shared>> -> memref<32x128xf32, #tpu.memory_space<vmem_shared>>
    tpu.enqueue_dma source(%arg8 : memref<32x128xf32, #tpu.memory_space<vmem>>) target(%dma_start3A_102 : memref<32x128xf32, #tpu.memory_space<vmem_shared>>) target_semaphore(%arg16 : memref<!tpu.dma_semaphore, #tpu.memory_space<semaphore_mem>>)
    %add3A_103 = arith.constant 64 : i32
    %add3A_104 = arith.addi %mul3A_90, %add3A_103 : i32
    %dma_start3A_105 = arith.constant 0 : i32
    %dma_start3A_106 = tpu.memref_slice %arg6[%add3A_104, %dma_start3A_105] : memref<10240x128xf32, #tpu.memory_space<vmem_shared>> -> memref<32x128xf32, #tpu.memory_space<vmem_shared>>
    %dma_start3A_107 = arith.constant 0 : i32
    %dma_start3A_108 = tpu.memref_slice %arg6[%add3A_104, %dma_start3A_107] : memref<10240x128xf32, #tpu.memory_space<vmem_shared>> -> memref<32x128xf32, #tpu.memory_space<vmem_shared>>
    tpu.enqueue_dma source(%arg8 : memref<32x128xf32, #tpu.memory_space<vmem>>) target(%dma_start3A_108 : memref<32x128xf32, #tpu.memory_space<vmem_shared>>) target_semaphore(%arg16 : memref<!tpu.dma_semaphore, #tpu.memory_space<semaphore_mem>>)
    %add3A_109 = arith.constant 96 : i32
    %add3A_110 = arith.addi %mul3A_90, %add3A_109 : i32
    %dma_start3A_111 = arith.constant 0 : i32
    %dma_start3A_112 = tpu.memref_slice %arg6[%add3A_110, %dma_start3A_111] : memref<10240x128xf32, #tpu.memory_space<vmem_shared>> -> memref<32x128xf32, #tpu.memory_space<vmem_shared>>
    %dma_start3A_113 = arith.constant 0 : i32
    %dma_start3A_114 = tpu.memref_slice %arg6[%add3A_110, %dma_start3A_113] : memref<10240x128xf32, #tpu.memory_space<vmem_shared>> -> memref<32x128xf32, #tpu.memory_space<vmem_shared>>
    tpu.enqueue_dma source(%arg8 : memref<32x128xf32, #tpu.memory_space<vmem>>) target(%dma_start3A_114 : memref<32x128xf32, #tpu.memory_space<vmem_shared>>) target_semaphore(%arg16 : memref<!tpu.dma_semaphore, #tpu.memory_space<semaphore_mem>>)
    %add3A_115 = arith.constant 128 : i32
    %add3A_116 = arith.addi %mul3A_90, %add3A_115 : i32
    %dma_start3A_117 = arith.constant 0 : i32
    %dma_start3A_118 = tpu.memref_slice %arg6[%add3A_116, %dma_start3A_117] : memref<10240x128xf32, #tpu.memory_space<vmem_shared>> -> memref<32x128xf32, #tpu.memory_space<vmem_shared>>
    %dma_start3A_119 = arith.constant 0 : i32
    %dma_start3A_120 = tpu.memref_slice %arg6[%add3A_116, %dma_start3A_119] : memref<10240x128xf32, #tpu.memory_space<vmem_shared>> -> memref<32x128xf32, #tpu.memory_space<vmem_shared>>
    tpu.enqueue_dma source(%arg8 : memref<32x128xf32, #tpu.memory_space<vmem>>) target(%dma_start3A_120 : memref<32x128xf32, #tpu.memory_space<vmem_shared>>) target_semaphore(%arg16 : memref<!tpu.dma_semaphore, #tpu.memory_space<semaphore_mem>>)
    %add3A_121 = arith.constant 160 : i32
    %add3A_122 = arith.addi %mul3A_90, %add3A_121 : i32
    %dma_start3A_123 = arith.constant 0 : i32
    %dma_start3A_124 = tpu.memref_slice %arg6[%add3A_122, %dma_start3A_123] : memref<10240x128xf32, #tpu.memory_space<vmem_shared>> -> memref<32x128xf32, #tpu.memory_space<vmem_shared>>
    %dma_start3A_125 = arith.constant 0 : i32
    %dma_start3A_126 = tpu.memref_slice %arg6[%add3A_122, %dma_start3A_125] : memref<10240x128xf32, #tpu.memory_space<vmem_shared>> -> memref<32x128xf32, #tpu.memory_space<vmem_shared>>
    tpu.enqueue_dma source(%arg8 : memref<32x128xf32, #tpu.memory_space<vmem>>) target(%dma_start3A_126 : memref<32x128xf32, #tpu.memory_space<vmem_shared>>) target_semaphore(%arg16 : memref<!tpu.dma_semaphore, #tpu.memory_space<semaphore_mem>>)
    %add3A_127 = arith.constant 192 : i32
    %add3A_128 = arith.addi %mul3A_90, %add3A_127 : i32
    %dma_start3A_129 = arith.constant 0 : i32
    %dma_start3A_130 = tpu.memref_slice %arg6[%add3A_128, %dma_start3A_129] : memref<10240x128xf32, #tpu.memory_space<vmem_shared>> -> memref<32x128xf32, #tpu.memory_space<vmem_shared>>
    %dma_start3A_131 = arith.constant 0 : i32
    %dma_start3A_132 = tpu.memref_slice %arg6[%add3A_128, %dma_start3A_131] : memref<10240x128xf32, #tpu.memory_space<vmem_shared>> -> memref<32x128xf32, #tpu.memory_space<vmem_shared>>
    tpu.enqueue_dma source(%arg8 : memref<32x128xf32, #tpu.memory_space<vmem>>) target(%dma_start3A_132 : memref<32x128xf32, #tpu.memory_space<vmem_shared>>) target_semaphore(%arg16 : memref<!tpu.dma_semaphore, #tpu.memory_space<semaphore_mem>>)
    %add3A_133 = arith.constant 224 : i32
    %add3A_134 = arith.addi %mul3A_90, %add3A_133 : i32
    %dma_start3A_135 = arith.constant 0 : i32
    %dma_start3A_136 = tpu.memref_slice %arg6[%add3A_134, %dma_start3A_135] : memref<10240x128xf32, #tpu.memory_space<vmem_shared>> -> memref<32x128xf32, #tpu.memory_space<vmem_shared>>
    %dma_start3A_137 = arith.constant 0 : i32
    %dma_start3A_138 = tpu.memref_slice %arg6[%add3A_134, %dma_start3A_137] : memref<10240x128xf32, #tpu.memory_space<vmem_shared>> -> memref<32x128xf32, #tpu.memory_space<vmem_shared>>
    tpu.enqueue_dma source(%arg8 : memref<32x128xf32, #tpu.memory_space<vmem>>) target(%dma_start3A_138 : memref<32x128xf32, #tpu.memory_space<vmem_shared>>) target_semaphore(%arg16 : memref<!tpu.dma_semaphore, #tpu.memory_space<semaphore_mem>>)
    %add3A_139 = arith.constant 256 : i32
    %add3A_140 = arith.addi %mul3A_90, %add3A_139 : i32
    %dma_start3A_141 = arith.constant 0 : i32
    %dma_start3A_142 = tpu.memref_slice %arg6[%add3A_140, %dma_start3A_141] : memref<10240x128xf32, #tpu.memory_space<vmem_shared>> -> memref<32x128xf32, #tpu.memory_space<vmem_shared>>
    %dma_start3A_143 = arith.constant 0 : i32
    %dma_start3A_144 = tpu.memref_slice %arg6[%add3A_140, %dma_start3A_143] : memref<10240x128xf32, #tpu.memory_space<vmem_shared>> -> memref<32x128xf32, #tpu.memory_space<vmem_shared>>
    tpu.enqueue_dma source(%arg8 : memref<32x128xf32, #tpu.memory_space<vmem>>) target(%dma_start3A_144 : memref<32x128xf32, #tpu.memory_space<vmem_shared>>) target_semaphore(%arg16 : memref<!tpu.dma_semaphore, #tpu.memory_space<semaphore_mem>>)
    %add3A_145 = arith.constant 288 : i32
    %add3A_146 = arith.addi %mul3A_90, %add3A_145 : i32
    %dma_start3A_147 = arith.constant 0 : i32
    %dma_start3A_148 = tpu.memref_slice %arg6[%add3A_146, %dma_start3A_147] : memref<10240x128xf32, #tpu.memory_space<vmem_shared>> -> memref<32x128xf32, #tpu.memory_space<vmem_shared>>
    %dma_start3A_149 = arith.constant 0 : i32
    %dma_start3A_150 = tpu.memref_slice %arg6[%add3A_146, %dma_start3A_149] : memref<10240x128xf32, #tpu.memory_space<vmem_shared>> -> memref<32x128xf32, #tpu.memory_space<vmem_shared>>
    tpu.enqueue_dma source(%arg8 : memref<32x128xf32, #tpu.memory_space<vmem>>) target(%dma_start3A_150 : memref<32x128xf32, #tpu.memory_space<vmem_shared>>) target_semaphore(%arg16 : memref<!tpu.dma_semaphore, #tpu.memory_space<semaphore_mem>>)
    %add3A_151 = arith.constant 320 : i32
    %add3A_152 = arith.addi %mul3A_90, %add3A_151 : i32
    %dma_start3A_153 = arith.constant 0 : i32
    %dma_start3A_154 = tpu.memref_slice %arg6[%add3A_152, %dma_start3A_153] : memref<10240x128xf32, #tpu.memory_space<vmem_shared>> -> memref<32x128xf32, #tpu.memory_space<vmem_shared>>
    %dma_start3A_155 = arith.constant 0 : i32
    %dma_start3A_156 = tpu.memref_slice %arg6[%add3A_152, %dma_start3A_155] : memref<10240x128xf32, #tpu.memory_space<vmem_shared>> -> memref<32x128xf32, #tpu.memory_space<vmem_shared>>
    tpu.enqueue_dma source(%arg8 : memref<32x128xf32, #tpu.memory_space<vmem>>) target(%dma_start3A_156 : memref<32x128xf32, #tpu.memory_space<vmem_shared>>) target_semaphore(%arg16 : memref<!tpu.dma_semaphore, #tpu.memory_space<semaphore_mem>>)
    %add3A_157 = arith.constant 352 : i32
    %add3A_158 = arith.addi %mul3A_90, %add3A_157 : i32
    %dma_start3A_159 = arith.constant 0 : i32
    %dma_start3A_160 = tpu.memref_slice %arg6[%add3A_158, %dma_start3A_159] : memref<10240x128xf32, #tpu.memory_space<vmem_shared>> -> memref<32x128xf32, #tpu.memory_space<vmem_shared>>
    %dma_start3A_161 = arith.constant 0 : i32
    %dma_start3A_162 = tpu.memref_slice %arg6[%add3A_158, %dma_start3A_161] : memref<10240x128xf32, #tpu.memory_space<vmem_shared>> -> memref<32x128xf32, #tpu.memory_space<vmem_shared>>
    tpu.enqueue_dma source(%arg8 : memref<32x128xf32, #tpu.memory_space<vmem>>) target(%dma_start3A_162 : memref<32x128xf32, #tpu.memory_space<vmem_shared>>) target_semaphore(%arg16 : memref<!tpu.dma_semaphore, #tpu.memory_space<semaphore_mem>>)
    %add3A_163 = arith.constant 384 : i32
    %add3A_164 = arith.addi %mul3A_90, %add3A_163 : i32
    %dma_start3A_165 = arith.constant 0 : i32
    %dma_start3A_166 = tpu.memref_slice %arg6[%add3A_164, %dma_start3A_165] : memref<10240x128xf32, #tpu.memory_space<vmem_shared>> -> memref<32x128xf32, #tpu.memory_space<vmem_shared>>
    %dma_start3A_167 = arith.constant 0 : i32
    %dma_start3A_168 = tpu.memref_slice %arg6[%add3A_164, %dma_start3A_167] : memref<10240x128xf32, #tpu.memory_space<vmem_shared>> -> memref<32x128xf32, #tpu.memory_space<vmem_shared>>
    tpu.enqueue_dma source(%arg8 : memref<32x128xf32, #tpu.memory_space<vmem>>) target(%dma_start3A_168 : memref<32x128xf32, #tpu.memory_space<vmem_shared>>) target_semaphore(%arg16 : memref<!tpu.dma_semaphore, #tpu.memory_space<semaphore_mem>>)
    %add3A_169 = arith.constant 416 : i32
    %add3A_170 = arith.addi %mul3A_90, %add3A_169 : i32
    %dma_start3A_171 = arith.constant 0 : i32
    %dma_start3A_172 = tpu.memref_slice %arg6[%add3A_170, %dma_start3A_171] : memref<10240x128xf32, #tpu.memory_space<vmem_shared>> -> memref<32x128xf32, #tpu.memory_space<vmem_shared>>
    %dma_start3A_173 = arith.constant 0 : i32
    %dma_start3A_174 = tpu.memref_slice %arg6[%add3A_170, %dma_start3A_173] : memref<10240x128xf32, #tpu.memory_space<vmem_shared>> -> memref<32x128xf32, #tpu.memory_space<vmem_shared>>
    tpu.enqueue_dma source(%arg8 : memref<32x128xf32, #tpu.memory_space<vmem>>) target(%dma_start3A_174 : memref<32x128xf32, #tpu.memory_space<vmem_shared>>) target_semaphore(%arg16 : memref<!tpu.dma_semaphore, #tpu.memory_space<semaphore_mem>>)
    %add3A_175 = arith.constant 448 : i32
    %add3A_176 = arith.addi %mul3A_90, %add3A_175 : i32
    %dma_start3A_177 = arith.constant 0 : i32
    %dma_start3A_178 = tpu.memref_slice %arg6[%add3A_176, %dma_start3A_177] : memref<10240x128xf32, #tpu.memory_space<vmem_shared>> -> memref<32x128xf32, #tpu.memory_space<vmem_shared>>
    %dma_start3A_179 = arith.constant 0 : i32
    %dma_start3A_180 = tpu.memref_slice %arg6[%add3A_176, %dma_start3A_179] : memref<10240x128xf32, #tpu.memory_space<vmem_shared>> -> memref<32x128xf32, #tpu.memory_space<vmem_shared>>
    tpu.enqueue_dma source(%arg8 : memref<32x128xf32, #tpu.memory_space<vmem>>) target(%dma_start3A_180 : memref<32x128xf32, #tpu.memory_space<vmem_shared>>) target_semaphore(%arg16 : memref<!tpu.dma_semaphore, #tpu.memory_space<semaphore_mem>>)
    %add3A_181 = arith.constant 480 : i32
    %add3A_182 = arith.addi %mul3A_90, %add3A_181 : i32
    %dma_start3A_183 = arith.constant 0 : i32
    %dma_start3A_184 = tpu.memref_slice %arg6[%add3A_182, %dma_start3A_183] : memref<10240x128xf32, #tpu.memory_space<vmem_shared>> -> memref<32x128xf32, #tpu.memory_space<vmem_shared>>
    %dma_start3A_185 = arith.constant 0 : i32
    %dma_start3A_186 = tpu.memref_slice %arg6[%add3A_182, %dma_start3A_185] : memref<10240x128xf32, #tpu.memory_space<vmem_shared>> -> memref<32x128xf32, #tpu.memory_space<vmem_shared>>
    tpu.enqueue_dma source(%arg8 : memref<32x128xf32, #tpu.memory_space<vmem>>) target(%dma_start3A_186 : memref<32x128xf32, #tpu.memory_space<vmem_shared>>) target_semaphore(%arg16 : memref<!tpu.dma_semaphore, #tpu.memory_space<semaphore_mem>>)
    %add3A_187 = arith.constant 512 : i32
    %add3A_188 = arith.addi %mul3A_90, %add3A_187 : i32
    %dma_start3A_189 = arith.constant 0 : i32
    %dma_start3A_190 = tpu.memref_slice %arg6[%add3A_188, %dma_start3A_189] : memref<10240x128xf32, #tpu.memory_space<vmem_shared>> -> memref<32x128xf32, #tpu.memory_space<vmem_shared>>
    %dma_start3A_191 = arith.constant 0 : i32
    %dma_start3A_192 = tpu.memref_slice %arg6[%add3A_188, %dma_start3A_191] : memref<10240x128xf32, #tpu.memory_space<vmem_shared>> -> memref<32x128xf32, #tpu.memory_space<vmem_shared>>
    tpu.enqueue_dma source(%arg8 : memref<32x128xf32, #tpu.memory_space<vmem>>) target(%dma_start3A_192 : memref<32x128xf32, #tpu.memory_space<vmem_shared>>) target_semaphore(%arg16 : memref<!tpu.dma_semaphore, #tpu.memory_space<semaphore_mem>>)
    %add3A_193 = arith.constant 544 : i32
    %add3A_194 = arith.addi %mul3A_90, %add3A_193 : i32
    %dma_start3A_195 = arith.constant 0 : i32
    %dma_start3A_196 = tpu.memref_slice %arg6[%add3A_194, %dma_start3A_195] : memref<10240x128xf32, #tpu.memory_space<vmem_shared>> -> memref<32x128xf32, #tpu.memory_space<vmem_shared>>
    %dma_start3A_197 = arith.constant 0 : i32
    %dma_start3A_198 = tpu.memref_slice %arg6[%add3A_194, %dma_start3A_197] : memref<10240x128xf32, #tpu.memory_space<vmem_shared>> -> memref<32x128xf32, #tpu.memory_space<vmem_shared>>
    tpu.enqueue_dma source(%arg8 : memref<32x128xf32, #tpu.memory_space<vmem>>) target(%dma_start3A_198 : memref<32x128xf32, #tpu.memory_space<vmem_shared>>) target_semaphore(%arg16 : memref<!tpu.dma_semaphore, #tpu.memory_space<semaphore_mem>>)
    %add3A_199 = arith.constant 576 : i32
    %add3A_200 = arith.addi %mul3A_90, %add3A_199 : i32
    %dma_start3A_201 = arith.constant 0 : i32
    %dma_start3A_202 = tpu.memref_slice %arg6[%add3A_200, %dma_start3A_201] : memref<10240x128xf32, #tpu.memory_space<vmem_shared>> -> memref<32x128xf32, #tpu.memory_space<vmem_shared>>
    %dma_start3A_203 = arith.constant 0 : i32
    %dma_start3A_204 = tpu.memref_slice %arg6[%add3A_200, %dma_start3A_203] : memref<10240x128xf32, #tpu.memory_space<vmem_shared>> -> memref<32x128xf32, #tpu.memory_space<vmem_shared>>
    tpu.enqueue_dma source(%arg8 : memref<32x128xf32, #tpu.memory_space<vmem>>) target(%dma_start3A_204 : memref<32x128xf32, #tpu.memory_space<vmem_shared>>) target_semaphore(%arg16 : memref<!tpu.dma_semaphore, #tpu.memory_space<semaphore_mem>>)
    %add3A_205 = arith.constant 608 : i32
    %add3A_206 = arith.addi %mul3A_90, %add3A_205 : i32
    %dma_start3A_207 = arith.constant 0 : i32
    %dma_start3A_208 = tpu.memref_slice %arg6[%add3A_206, %dma_start3A_207] : memref<10240x128xf32, #tpu.memory_space<vmem_shared>> -> memref<32x128xf32, #tpu.memory_space<vmem_shared>>
    %dma_start3A_209 = arith.constant 0 : i32
    %dma_start3A_210 = tpu.memref_slice %arg6[%add3A_206, %dma_start3A_209] : memref<10240x128xf32, #tpu.memory_space<vmem_shared>> -> memref<32x128xf32, #tpu.memory_space<vmem_shared>>
    tpu.enqueue_dma source(%arg8 : memref<32x128xf32, #tpu.memory_space<vmem>>) target(%dma_start3A_210 : memref<32x128xf32, #tpu.memory_space<vmem_shared>>) target_semaphore(%arg16 : memref<!tpu.dma_semaphore, #tpu.memory_space<semaphore_mem>>)
    %mul3A_211 = arith.constant 640 : i32
    %mul3A_212 = arith.muli %arg1, %mul3A_211 : i32
    %dma_start3A_213 = tpu.memref_slice %arg7[%mul3A_212] : memref<10240xf32, #tpu.memory_space<vmem_shared>> -> memref<640xf32, #tpu.memory_space<vmem_shared>>
    %dma_start3A_214 = tpu.memref_slice %arg7[%mul3A_212] : memref<10240xf32, #tpu.memory_space<vmem_shared>> -> memref<640xf32, #tpu.memory_space<vmem_shared>>
    tpu.enqueue_dma source(%arg9 : memref<640xf32, #tpu.memory_space<vmem>>) target(%dma_start3A_214 : memref<640xf32, #tpu.memory_space<vmem_shared>>) target_semaphore(%arg16 : memref<!tpu.dma_semaphore, #tpu.memory_space<semaphore_mem>>)
    %dma_wait3A = arith.constant 0 : i32
    %dma_wait3A_215 = tpu.memref_slice %arg6[%mul3A_90, %dma_wait3A] : memref<10240x128xf32, #tpu.memory_space<vmem_shared>> -> memref<32x128xf32, #tpu.memory_space<vmem_shared>>
    %dma_wait3A_216 = arith.constant 0 : i32
    %dma_wait3A_217 = tpu.memref_slice %arg6[%mul3A_90, %dma_wait3A_216] : memref<10240x128xf32, #tpu.memory_space<vmem_shared>> -> memref<32x128xf32, #tpu.memory_space<vmem_shared>>
    tpu.wait_dma2 semaphore(%arg16 : memref<!tpu.dma_semaphore, #tpu.memory_space<semaphore_mem>>) src(%arg8 : memref<32x128xf32, #tpu.memory_space<vmem>>) dst(%dma_wait3A_217 : memref<32x128xf32, #tpu.memory_space<vmem_shared>>)
    %dma_wait3A_218 = arith.constant 0 : i32
    %dma_wait3A_219 = tpu.memref_slice %arg6[%mul3A_90, %dma_wait3A_218] : memref<10240x128xf32, #tpu.memory_space<vmem_shared>> -> memref<32x128xf32, #tpu.memory_space<vmem_shared>>
    %dma_wait3A_220 = arith.constant 0 : i32
    %dma_wait3A_221 = tpu.memref_slice %arg6[%mul3A_90, %dma_wait3A_220] : memref<10240x128xf32, #tpu.memory_space<vmem_shared>> -> memref<32x128xf32, #tpu.memory_space<vmem_shared>>
    tpu.wait_dma2 semaphore(%arg16 : memref<!tpu.dma_semaphore, #tpu.memory_space<semaphore_mem>>) src(%arg8 : memref<32x128xf32, #tpu.memory_space<vmem>>) dst(%dma_wait3A_221 : memref<32x128xf32, #tpu.memory_space<vmem_shared>>)
    %dma_wait3A_222 = arith.constant 0 : i32
    %dma_wait3A_223 = tpu.memref_slice %arg6[%mul3A_90, %dma_wait3A_222] : memref<10240x128xf32, #tpu.memory_space<vmem_shared>> -> memref<32x128xf32, #tpu.memory_space<vmem_shared>>
    %dma_wait3A_224 = arith.constant 0 : i32
    %dma_wait3A_225 = tpu.memref_slice %arg6[%mul3A_90, %dma_wait3A_224] : memref<10240x128xf32, #tpu.memory_space<vmem_shared>> -> memref<32x128xf32, #tpu.memory_space<vmem_shared>>
    tpu.wait_dma2 semaphore(%arg16 : memref<!tpu.dma_semaphore, #tpu.memory_space<semaphore_mem>>) src(%arg8 : memref<32x128xf32, #tpu.memory_space<vmem>>) dst(%dma_wait3A_225 : memref<32x128xf32, #tpu.memory_space<vmem_shared>>)
    %dma_wait3A_226 = arith.constant 0 : i32
    %dma_wait3A_227 = tpu.memref_slice %arg6[%mul3A_90, %dma_wait3A_226] : memref<10240x128xf32, #tpu.memory_space<vmem_shared>> -> memref<32x128xf32, #tpu.memory_space<vmem_shared>>
    %dma_wait3A_228 = arith.constant 0 : i32
    %dma_wait3A_229 = tpu.memref_slice %arg6[%mul3A_90, %dma_wait3A_228] : memref<10240x128xf32, #tpu.memory_space<vmem_shared>> -> memref<32x128xf32, #tpu.memory_space<vmem_shared>>
    tpu.wait_dma2 semaphore(%arg16 : memref<!tpu.dma_semaphore, #tpu.memory_space<semaphore_mem>>) src(%arg8 : memref<32x128xf32, #tpu.memory_space<vmem>>) dst(%dma_wait3A_229 : memref<32x128xf32, #tpu.memory_space<vmem_shared>>)
    %dma_wait3A_230 = arith.constant 0 : i32
    %dma_wait3A_231 = tpu.memref_slice %arg6[%mul3A_90, %dma_wait3A_230] : memref<10240x128xf32, #tpu.memory_space<vmem_shared>> -> memref<32x128xf32, #tpu.memory_space<vmem_shared>>
    %dma_wait3A_232 = arith.constant 0 : i32
    %dma_wait3A_233 = tpu.memref_slice %arg6[%mul3A_90, %dma_wait3A_232] : memref<10240x128xf32, #tpu.memory_space<vmem_shared>> -> memref<32x128xf32, #tpu.memory_space<vmem_shared>>
    tpu.wait_dma2 semaphore(%arg16 : memref<!tpu.dma_semaphore, #tpu.memory_space<semaphore_mem>>) src(%arg8 : memref<32x128xf32, #tpu.memory_space<vmem>>) dst(%dma_wait3A_233 : memref<32x128xf32, #tpu.memory_space<vmem_shared>>)
    %dma_wait3A_234 = arith.constant 0 : i32
    %dma_wait3A_235 = tpu.memref_slice %arg6[%mul3A_90, %dma_wait3A_234] : memref<10240x128xf32, #tpu.memory_space<vmem_shared>> -> memref<32x128xf32, #tpu.memory_space<vmem_shared>>
    %dma_wait3A_236 = arith.constant 0 : i32
    %dma_wait3A_237 = tpu.memref_slice %arg6[%mul3A_90, %dma_wait3A_236] : memref<10240x128xf32, #tpu.memory_space<vmem_shared>> -> memref<32x128xf32, #tpu.memory_space<vmem_shared>>
    tpu.wait_dma2 semaphore(%arg16 : memref<!tpu.dma_semaphore, #tpu.memory_space<semaphore_mem>>) src(%arg8 : memref<32x128xf32, #tpu.memory_space<vmem>>) dst(%dma_wait3A_237 : memref<32x128xf32, #tpu.memory_space<vmem_shared>>)
    %dma_wait3A_238 = arith.constant 0 : i32
    %dma_wait3A_239 = tpu.memref_slice %arg6[%mul3A_90, %dma_wait3A_238] : memref<10240x128xf32, #tpu.memory_space<vmem_shared>> -> memref<32x128xf32, #tpu.memory_space<vmem_shared>>
    %dma_wait3A_240 = arith.constant 0 : i32
    %dma_wait3A_241 = tpu.memref_slice %arg6[%mul3A_90, %dma_wait3A_240] : memref<10240x128xf32, #tpu.memory_space<vmem_shared>> -> memref<32x128xf32, #tpu.memory_space<vmem_shared>>
    tpu.wait_dma2 semaphore(%arg16 : memref<!tpu.dma_semaphore, #tpu.memory_space<semaphore_mem>>) src(%arg8 : memref<32x128xf32, #tpu.memory_space<vmem>>) dst(%dma_wait3A_241 : memref<32x128xf32, #tpu.memory_space<vmem_shared>>)
    %dma_wait3A_242 = arith.constant 0 : i32
    %dma_wait3A_243 = tpu.memref_slice %arg6[%mul3A_90, %dma_wait3A_242] : memref<10240x128xf32, #tpu.memory_space<vmem_shared>> -> memref<32x128xf32, #tpu.memory_space<vmem_shared>>
    %dma_wait3A_244 = arith.constant 0 : i32
    %dma_wait3A_245 = tpu.memref_slice %arg6[%mul3A_90, %dma_wait3A_244] : memref<10240x128xf32, #tpu.memory_space<vmem_shared>> -> memref<32x128xf32, #tpu.memory_space<vmem_shared>>
    tpu.wait_dma2 semaphore(%arg16 : memref<!tpu.dma_semaphore, #tpu.memory_space<semaphore_mem>>) src(%arg8 : memref<32x128xf32, #tpu.memory_space<vmem>>) dst(%dma_wait3A_245 : memref<32x128xf32, #tpu.memory_space<vmem_shared>>)
    %dma_wait3A_246 = arith.constant 0 : i32
    %dma_wait3A_247 = tpu.memref_slice %arg6[%mul3A_90, %dma_wait3A_246] : memref<10240x128xf32, #tpu.memory_space<vmem_shared>> -> memref<32x128xf32, #tpu.memory_space<vmem_shared>>
    %dma_wait3A_248 = arith.constant 0 : i32
    %dma_wait3A_249 = tpu.memref_slice %arg6[%mul3A_90, %dma_wait3A_248] : memref<10240x128xf32, #tpu.memory_space<vmem_shared>> -> memref<32x128xf32, #tpu.memory_space<vmem_shared>>
    tpu.wait_dma2 semaphore(%arg16 : memref<!tpu.dma_semaphore, #tpu.memory_space<semaphore_mem>>) src(%arg8 : memref<32x128xf32, #tpu.memory_space<vmem>>) dst(%dma_wait3A_249 : memref<32x128xf32, #tpu.memory_space<vmem_shared>>)
    %dma_wait3A_250 = arith.constant 0 : i32
    %dma_wait3A_251 = tpu.memref_slice %arg6[%mul3A_90, %dma_wait3A_250] : memref<10240x128xf32, #tpu.memory_space<vmem_shared>> -> memref<32x128xf32, #tpu.memory_space<vmem_shared>>
    %dma_wait3A_252 = arith.constant 0 : i32
    %dma_wait3A_253 = tpu.memref_slice %arg6[%mul3A_90, %dma_wait3A_252] : memref<10240x128xf32, #tpu.memory_space<vmem_shared>> -> memref<32x128xf32, #tpu.memory_space<vmem_shared>>
    tpu.wait_dma2 semaphore(%arg16 : memref<!tpu.dma_semaphore, #tpu.memory_space<semaphore_mem>>) src(%arg8 : memref<32x128xf32, #tpu.memory_space<vmem>>) dst(%dma_wait3A_253 : memref<32x128xf32, #tpu.memory_space<vmem_shared>>)
    %dma_wait3A_254 = arith.constant 0 : i32
    %dma_wait3A_255 = tpu.memref_slice %arg6[%mul3A_90, %dma_wait3A_254] : memref<10240x128xf32, #tpu.memory_space<vmem_shared>> -> memref<32x128xf32, #tpu.memory_space<vmem_shared>>
    %dma_wait3A_256 = arith.constant 0 : i32
    %dma_wait3A_257 = tpu.memref_slice %arg6[%mul3A_90, %dma_wait3A_256] : memref<10240x128xf32, #tpu.memory_space<vmem_shared>> -> memref<32x128xf32, #tpu.memory_space<vmem_shared>>
    tpu.wait_dma2 semaphore(%arg16 : memref<!tpu.dma_semaphore, #tpu.memory_space<semaphore_mem>>) src(%arg8 : memref<32x128xf32, #tpu.memory_space<vmem>>) dst(%dma_wait3A_257 : memref<32x128xf32, #tpu.memory_space<vmem_shared>>)
    %dma_wait3A_258 = arith.constant 0 : i32
    %dma_wait3A_259 = tpu.memref_slice %arg6[%mul3A_90, %dma_wait3A_258] : memref<10240x128xf32, #tpu.memory_space<vmem_shared>> -> memref<32x128xf32, #tpu.memory_space<vmem_shared>>
    %dma_wait3A_260 = arith.constant 0 : i32
    %dma_wait3A_261 = tpu.memref_slice %arg6[%mul3A_90, %dma_wait3A_260] : memref<10240x128xf32, #tpu.memory_space<vmem_shared>> -> memref<32x128xf32, #tpu.memory_space<vmem_shared>>
    tpu.wait_dma2 semaphore(%arg16 : memref<!tpu.dma_semaphore, #tpu.memory_space<semaphore_mem>>) src(%arg8 : memref<32x128xf32, #tpu.memory_space<vmem>>) dst(%dma_wait3A_261 : memref<32x128xf32, #tpu.memory_space<vmem_shared>>)
    %dma_wait3A_262 = arith.constant 0 : i32
    %dma_wait3A_263 = tpu.memref_slice %arg6[%mul3A_90, %dma_wait3A_262] : memref<10240x128xf32, #tpu.memory_space<vmem_shared>> -> memref<32x128xf32, #tpu.memory_space<vmem_shared>>
    %dma_wait3A_264 = arith.constant 0 : i32
    %dma_wait3A_265 = tpu.memref_slice %arg6[%mul3A_90, %dma_wait3A_264] : memref<10240x128xf32, #tpu.memory_space<vmem_shared>> -> memref<32x128xf32, #tpu.memory_space<vmem_shared>>
    tpu.wait_dma2 semaphore(%arg16 : memref<!tpu.dma_semaphore, #tpu.memory_space<semaphore_mem>>) src(%arg8 : memref<32x128xf32, #tpu.memory_space<vmem>>) dst(%dma_wait3A_265 : memref<32x128xf32, #tpu.memory_space<vmem_shared>>)
    %dma_wait3A_266 = arith.constant 0 : i32
    %dma_wait3A_267 = tpu.memref_slice %arg6[%mul3A_90, %dma_wait3A_266] : memref<10240x128xf32, #tpu.memory_space<vmem_shared>> -> memref<32x128xf32, #tpu.memory_space<vmem_shared>>
    %dma_wait3A_268 = arith.constant 0 : i32
    %dma_wait3A_269 = tpu.memref_slice %arg6[%mul3A_90, %dma_wait3A_268] : memref<10240x128xf32, #tpu.memory_space<vmem_shared>> -> memref<32x128xf32, #tpu.memory_space<vmem_shared>>
    tpu.wait_dma2 semaphore(%arg16 : memref<!tpu.dma_semaphore, #tpu.memory_space<semaphore_mem>>) src(%arg8 : memref<32x128xf32, #tpu.memory_space<vmem>>) dst(%dma_wait3A_269 : memref<32x128xf32, #tpu.memory_space<vmem_shared>>)
    %dma_wait3A_270 = arith.constant 0 : i32
    %dma_wait3A_271 = tpu.memref_slice %arg6[%mul3A_90, %dma_wait3A_270] : memref<10240x128xf32, #tpu.memory_space<vmem_shared>> -> memref<32x128xf32, #tpu.memory_space<vmem_shared>>
    %dma_wait3A_272 = arith.constant 0 : i32
    %dma_wait3A_273 = tpu.memref_slice %arg6[%mul3A_90, %dma_wait3A_272] : memref<10240x128xf32, #tpu.memory_space<vmem_shared>> -> memref<32x128xf32, #tpu.memory_space<vmem_shared>>
    tpu.wait_dma2 semaphore(%arg16 : memref<!tpu.dma_semaphore, #tpu.memory_space<semaphore_mem>>) src(%arg8 : memref<32x128xf32, #tpu.memory_space<vmem>>) dst(%dma_wait3A_273 : memref<32x128xf32, #tpu.memory_space<vmem_shared>>)
    %dma_wait3A_274 = arith.constant 0 : i32
    %dma_wait3A_275 = tpu.memref_slice %arg6[%mul3A_90, %dma_wait3A_274] : memref<10240x128xf32, #tpu.memory_space<vmem_shared>> -> memref<32x128xf32, #tpu.memory_space<vmem_shared>>
    %dma_wait3A_276 = arith.constant 0 : i32
    %dma_wait3A_277 = tpu.memref_slice %arg6[%mul3A_90, %dma_wait3A_276] : memref<10240x128xf32, #tpu.memory_space<vmem_shared>> -> memref<32x128xf32, #tpu.memory_space<vmem_shared>>
    tpu.wait_dma2 semaphore(%arg16 : memref<!tpu.dma_semaphore, #tpu.memory_space<semaphore_mem>>) src(%arg8 : memref<32x128xf32, #tpu.memory_space<vmem>>) dst(%dma_wait3A_277 : memref<32x128xf32, #tpu.memory_space<vmem_shared>>)
    %dma_wait3A_278 = arith.constant 0 : i32
    %dma_wait3A_279 = tpu.memref_slice %arg6[%mul3A_90, %dma_wait3A_278] : memref<10240x128xf32, #tpu.memory_space<vmem_shared>> -> memref<32x128xf32, #tpu.memory_space<vmem_shared>>
    %dma_wait3A_280 = arith.constant 0 : i32
    %dma_wait3A_281 = tpu.memref_slice %arg6[%mul3A_90, %dma_wait3A_280] : memref<10240x128xf32, #tpu.memory_space<vmem_shared>> -> memref<32x128xf32, #tpu.memory_space<vmem_shared>>
    tpu.wait_dma2 semaphore(%arg16 : memref<!tpu.dma_semaphore, #tpu.memory_space<semaphore_mem>>) src(%arg8 : memref<32x128xf32, #tpu.memory_space<vmem>>) dst(%dma_wait3A_281 : memref<32x128xf32, #tpu.memory_space<vmem_shared>>)
    %dma_wait3A_282 = arith.constant 0 : i32
    %dma_wait3A_283 = tpu.memref_slice %arg6[%mul3A_90, %dma_wait3A_282] : memref<10240x128xf32, #tpu.memory_space<vmem_shared>> -> memref<32x128xf32, #tpu.memory_space<vmem_shared>>
    %dma_wait3A_284 = arith.constant 0 : i32
    %dma_wait3A_285 = tpu.memref_slice %arg6[%mul3A_90, %dma_wait3A_284] : memref<10240x128xf32, #tpu.memory_space<vmem_shared>> -> memref<32x128xf32, #tpu.memory_space<vmem_shared>>
    tpu.wait_dma2 semaphore(%arg16 : memref<!tpu.dma_semaphore, #tpu.memory_space<semaphore_mem>>) src(%arg8 : memref<32x128xf32, #tpu.memory_space<vmem>>) dst(%dma_wait3A_285 : memref<32x128xf32, #tpu.memory_space<vmem_shared>>)
    %dma_wait3A_286 = arith.constant 0 : i32
    %dma_wait3A_287 = tpu.memref_slice %arg6[%mul3A_90, %dma_wait3A_286] : memref<10240x128xf32, #tpu.memory_space<vmem_shared>> -> memref<32x128xf32, #tpu.memory_space<vmem_shared>>
    %dma_wait3A_288 = arith.constant 0 : i32
    %dma_wait3A_289 = tpu.memref_slice %arg6[%mul3A_90, %dma_wait3A_288] : memref<10240x128xf32, #tpu.memory_space<vmem_shared>> -> memref<32x128xf32, #tpu.memory_space<vmem_shared>>
    tpu.wait_dma2 semaphore(%arg16 : memref<!tpu.dma_semaphore, #tpu.memory_space<semaphore_mem>>) src(%arg8 : memref<32x128xf32, #tpu.memory_space<vmem>>) dst(%dma_wait3A_289 : memref<32x128xf32, #tpu.memory_space<vmem_shared>>)
    %dma_wait3A_290 = arith.constant 0 : i32
    %dma_wait3A_291 = tpu.memref_slice %arg6[%mul3A_90, %dma_wait3A_290] : memref<10240x128xf32, #tpu.memory_space<vmem_shared>> -> memref<32x128xf32, #tpu.memory_space<vmem_shared>>
    %dma_wait3A_292 = arith.constant 0 : i32
    %dma_wait3A_293 = tpu.memref_slice %arg6[%mul3A_90, %dma_wait3A_292] : memref<10240x128xf32, #tpu.memory_space<vmem_shared>> -> memref<32x128xf32, #tpu.memory_space<vmem_shared>>
    tpu.wait_dma2 semaphore(%arg16 : memref<!tpu.dma_semaphore, #tpu.memory_space<semaphore_mem>>) src(%arg8 : memref<32x128xf32, #tpu.memory_space<vmem>>) dst(%dma_wait3A_293 : memref<32x128xf32, #tpu.memory_space<vmem_shared>>)
    %dma_wait3A_294 = tpu.memref_slice %arg7[%mul3A_212] : memref<10240xf32, #tpu.memory_space<vmem_shared>> -> memref<640xf32, #tpu.memory_space<vmem_shared>>
    %dma_wait3A_295 = tpu.memref_slice %arg7[%mul3A_212] : memref<10240xf32, #tpu.memory_space<vmem_shared>> -> memref<640xf32, #tpu.memory_space<vmem_shared>>
    tpu.wait_dma2 semaphore(%arg16 : memref<!tpu.dma_semaphore, #tpu.memory_space<semaphore_mem>>) src(%arg9 : memref<640xf32, #tpu.memory_space<vmem>>) dst(%dma_wait3A_295 : memref<640xf32, #tpu.memory_space<vmem_shared>>)
    %barrier3A = arith.constant 0 : index
    tpu.barrier barrier_id(%barrier3A)
    %dma_wait3A_296 = arith.constant 0 : i32
    %dma_wait3A_297 = arith.constant 0 : i32
    %dma_wait3A_298 = tpu.memref_slice %arg10[%dma_wait3A_296, %dma_wait3A_297] : memref<5x80xi32, #tpu.memory_space<vmem>> -> memref<1x80xi32, #tpu.memory_space<vmem>>
    %dma_wait3A_299 = tpu.memref_squeeze %dma_wait3A_298 : memref<1x80xi32, #tpu.memory_space<vmem>> -> memref<80xi32, #tpu.memory_space<vmem>>
    %dma_wait3A_300 = arith.constant 0 : i32
    %dma_wait3A_301 = tpu.memref_slice %arg3[%dma_wait3A_300] : memref<640000xi32, #tpu.memory_space<hbm>> -> memref<80xi32, #tpu.memory_space<hbm>>
    %dma_wait3A_302 = arith.constant 0 : i32
    %dma_wait3A_303 = tpu.memref_slice %arg10[%dma_wait3A_296, %dma_wait3A_302] : memref<5x80xi32, #tpu.memory_space<vmem>> -> memref<1x80xi32, #tpu.memory_space<vmem>>
    %dma_wait3A_304 = tpu.memref_squeeze %dma_wait3A_303 : memref<1x80xi32, #tpu.memory_space<vmem>> -> memref<80xi32, #tpu.memory_space<vmem>>
    %dma_wait3A_305 = arith.constant 0 : i32
    %dma_wait3A_306 = tpu.memref_slice %arg3[%dma_wait3A_305] : memref<640000xi32, #tpu.memory_space<hbm>> -> memref<80xi32, #tpu.memory_space<hbm>>
    tpu.wait_dma2 semaphore(%arg14 : memref<!tpu.dma_semaphore, #tpu.memory_space<semaphore_mem>>) src(%dma_wait3A_306 : memref<80xi32, #tpu.memory_space<hbm>>) dst(%dma_wait3A_304 : memref<80xi32, #tpu.memory_space<vmem>>)
    %dma_wait3A_307 = arith.constant 0 : i32
    %dma_wait3A_308 = arith.constant 0 : i32
    %dma_wait3A_309 = tpu.memref_slice %arg11[%dma_wait3A_307, %dma_wait3A_308] : memref<5x80xi32, #tpu.memory_space<vmem>> -> memref<1x80xi32, #tpu.memory_space<vmem>>
    %dma_wait3A_310 = tpu.memref_squeeze %dma_wait3A_309 : memref<1x80xi32, #tpu.memory_space<vmem>> -> memref<80xi32, #tpu.memory_space<vmem>>
    %dma_wait3A_311 = arith.constant 0 : i32
    %dma_wait3A_312 = tpu.memref_slice %arg3[%dma_wait3A_311] : memref<640000xi32, #tpu.memory_space<hbm>> -> memref<80xi32, #tpu.memory_space<hbm>>
    %dma_wait3A_313 = arith.constant 0 : i32
    %dma_wait3A_314 = tpu.memref_slice %arg11[%dma_wait3A_307, %dma_wait3A_313] : memref<5x80xi32, #tpu.memory_space<vmem>> -> memref<1x80xi32, #tpu.memory_space<vmem>>
    %dma_wait3A_315 = tpu.memref_squeeze %dma_wait3A_314 : memref<1x80xi32, #tpu.memory_space<vmem>> -> memref<80xi32, #tpu.memory_space<vmem>>
    %dma_wait3A_316 = arith.constant 0 : i32
    %dma_wait3A_317 = tpu.memref_slice %arg3[%dma_wait3A_316] : memref<640000xi32, #tpu.memory_space<hbm>> -> memref<80xi32, #tpu.memory_space<hbm>>
    tpu.wait_dma2 semaphore(%arg14 : memref<!tpu.dma_semaphore, #tpu.memory_space<semaphore_mem>>) src(%dma_wait3A_317 : memref<80xi32, #tpu.memory_space<hbm>>) dst(%dma_wait3A_315 : memref<80xi32, #tpu.memory_space<vmem>>)
    %dma_start3A_318 = arith.constant 0 : i32
    %dma_start3A_319 = arith.constant 0 : i32
    %dma_start3A_320 = arith.constant 0 : i32
    %dma_start3A_321 = arith.constant 0 : i32
    %dma_start3A_322 = tpu.memref_slice %arg12[%dma_start3A_319, %dma_start3A_320, %dma_start3A_321] : memref<4x80x128xf32, #tpu.memory_space<vmem>> -> memref<1x80x128xf32, #tpu.memory_space<vmem>>
    %dma_start3A_323 = tpu.memref_squeeze %dma_start3A_322 : memref<1x80x128xf32, #tpu.memory_space<vmem>> -> memref<80x128xf32, #tpu.memory_space<vmem>>
    %dma_start3A_324 = arith.constant 0 : i32
    %dma_start3A_325 = tpu.memref_slice %arg10[%dma_start3A_318, %dma_start3A_324] : memref<5x80xi32, #tpu.memory_space<vmem>> -> memref<1x80xi32, #tpu.memory_space<vmem>>
    %dma_start3A_326 = tpu.memref_squeeze %dma_start3A_325 : memref<1x80xi32, #tpu.memory_space<vmem>> -> memref<80xi32, #tpu.memory_space<vmem>>
    %dma_start3A_327 = arith.constant 0 : i32
    %dma_start3A_328 = arith.constant 0 : i32
    %dma_start3A_329 = tpu.memref_slice %arg2[%dma_start3A_327, %dma_start3A_328] : memref<10000x128xf32, #tpu.memory_space<hbm>> -> memref<10000x128xf32, #tpu.memory_space<hbm>>
    tpu.enqueue_indirect_dma source(%dma_start3A_329 : memref<10000x128xf32, #tpu.memory_space<hbm>>) target(%dma_start3A_323 : memref<80x128xf32, #tpu.memory_space<vmem>>) offsets(%dma_start3A_326 : memref<80xi32, #tpu.memory_space<vmem>>) semaphore(%arg15 : memref<!tpu.dma_semaphore, #tpu.memory_space<semaphore_mem>>)
    %dma_wait3A_330 = arith.constant 0 : i32
    %dma_wait3A_331 = arith.constant 0 : i32
    %dma_wait3A_332 = tpu.memref_slice %arg10[%dma_wait3A_330, %dma_wait3A_331] : memref<5x80xi32, #tpu.memory_space<vmem>> -> memref<1x80xi32, #tpu.memory_space<vmem>>
    %dma_wait3A_333 = tpu.memref_squeeze %dma_wait3A_332 : memref<1x80xi32, #tpu.memory_space<vmem>> -> memref<80xi32, #tpu.memory_space<vmem>>
    %dma_wait3A_334 = arith.constant 0 : i32
    %dma_wait3A_335 = tpu.memref_slice %arg3[%dma_wait3A_334] : memref<640000xi32, #tpu.memory_space<hbm>> -> memref<80xi32, #tpu.memory_space<hbm>>
    %dma_wait3A_336 = arith.constant 0 : i32
    %dma_wait3A_337 = tpu.memref_slice %arg10[%dma_wait3A_330, %dma_wait3A_336] : memref<5x80xi32, #tpu.memory_space<vmem>> -> memref<1x80xi32, #tpu.memory_space<vmem>>
    %dma_wait3A_338 = tpu.memref_squeeze %dma_wait3A_337 : memref<1x80xi32, #tpu.memory_space<vmem>> -> memref<80xi32, #tpu.memory_space<vmem>>
    %dma_wait3A_339 = arith.constant 0 : i32
    %dma_wait3A_340 = tpu.memref_slice %arg3[%dma_wait3A_339] : memref<640000xi32, #tpu.memory_space<hbm>> -> memref<80xi32, #tpu.memory_space<hbm>>
    tpu.wait_dma2 semaphore(%arg14 : memref<!tpu.dma_semaphore, #tpu.memory_space<semaphore_mem>>) src(%dma_wait3A_340 : memref<80xi32, #tpu.memory_space<hbm>>) dst(%dma_wait3A_338 : memref<80xi32, #tpu.memory_space<vmem>>)
    %dma_wait3A_341 = arith.constant 0 : i32
    %dma_wait3A_342 = arith.constant 0 : i32
    %dma_wait3A_343 = tpu.memref_slice %arg11[%dma_wait3A_341, %dma_wait3A_342] : memref<5x80xi32, #tpu.memory_space<vmem>> -> memref<1x80xi32, #tpu.memory_space<vmem>>
    %dma_wait3A_344 = tpu.memref_squeeze %dma_wait3A_343 : memref<1x80xi32, #tpu.memory_space<vmem>> -> memref<80xi32, #tpu.memory_space<vmem>>
    %dma_wait3A_345 = arith.constant 0 : i32
    %dma_wait3A_346 = tpu.memref_slice %arg3[%dma_wait3A_345] : memref<640000xi32, #tpu.memory_space<hbm>> -> memref<80xi32, #tpu.memory_space<hbm>>
    %dma_wait3A_347 = arith.constant 0 : i32
    %dma_wait3A_348 = tpu.memref_slice %arg11[%dma_wait3A_341, %dma_wait3A_347] : memref<5x80xi32, #tpu.memory_space<vmem>> -> memref<1x80xi32, #tpu.memory_space<vmem>>
    %dma_wait3A_349 = tpu.memref_squeeze %dma_wait3A_348 : memref<1x80xi32, #tpu.memory_space<vmem>> -> memref<80xi32, #tpu.memory_space<vmem>>
    %dma_wait3A_350 = arith.constant 0 : i32
    %dma_wait3A_351 = tpu.memref_slice %arg3[%dma_wait3A_350] : memref<640000xi32, #tpu.memory_space<hbm>> -> memref<80xi32, #tpu.memory_space<hbm>>
    tpu.wait_dma2 semaphore(%arg14 : memref<!tpu.dma_semaphore, #tpu.memory_space<semaphore_mem>>) src(%dma_wait3A_351 : memref<80xi32, #tpu.memory_space<hbm>>) dst(%dma_wait3A_349 : memref<80xi32, #tpu.memory_space<vmem>>)
    %dma_start3A_352 = arith.constant 1 : i32
    %dma_start3A_353 = arith.constant 1 : i32
    %dma_start3A_354 = arith.constant 0 : i32
    %dma_start3A_355 = arith.constant 0 : i32
    %dma_start3A_356 = tpu.memref_slice %arg12[%dma_start3A_353, %dma_start3A_354, %dma_start3A_355] : memref<4x80x128xf32, #tpu.memory_space<vmem>> -> memref<1x80x128xf32, #tpu.memory_space<vmem>>
    %dma_start3A_357 = tpu.memref_squeeze %dma_start3A_356 : memref<1x80x128xf32, #tpu.memory_space<vmem>> -> memref<80x128xf32, #tpu.memory_space<vmem>>
    %dma_start3A_358 = arith.constant 0 : i32
    %dma_start3A_359 = tpu.memref_slice %arg10[%dma_start3A_352, %dma_start3A_358] : memref<5x80xi32, #tpu.memory_space<vmem>> -> memref<1x80xi32, #tpu.memory_space<vmem>>
    %dma_start3A_360 = tpu.memref_squeeze %dma_start3A_359 : memref<1x80xi32, #tpu.memory_space<vmem>> -> memref<80xi32, #tpu.memory_space<vmem>>
    %dma_start3A_361 = arith.constant 0 : i32
    %dma_start3A_362 = arith.constant 0 : i32
    %dma_start3A_363 = tpu.memref_slice %arg2[%dma_start3A_361, %dma_start3A_362] : memref<10000x128xf32, #tpu.memory_space<hbm>> -> memref<10000x128xf32, #tpu.memory_space<hbm>>
    tpu.enqueue_indirect_dma source(%dma_start3A_363 : memref<10000x128xf32, #tpu.memory_space<hbm>>) target(%dma_start3A_357 : memref<80x128xf32, #tpu.memory_space<vmem>>) offsets(%dma_start3A_360 : memref<80xi32, #tpu.memory_space<vmem>>) semaphore(%arg15 : memref<!tpu.dma_semaphore, #tpu.memory_space<semaphore_mem>>)
    %scan3A_364 = arith.constant 0 : i32
    %scan3A_365 = arith.constant 0 : i32
    %scan3A_366 = arith.constant 125 : i32
    %scan3A_367 = arith.addi %scan3A_365, %scan3A_366 : i32
    %scan3A_368 = arith.constant 1 : i32
    %scan3A_369 = scf.for %scan3A_378 = %scan3A_365 to %scan3A_367 step %scan3A_368 iter_args(%scan3A_379 = %scan3A_364) -> (i32)  : i32 {
      %jit3A = arith.constant 5 : i32
      %eq3A_380 = arith.constant 0 : i32
      %eq3A_381 = arith.cmpi eq, %jit3A, %eq3A_380 : i32
      %jit3A_382 = arith.constant 1 : i32
      %select_n3A = arith.select %eq3A_381, %jit3A_382, %jit3A : i32
      %rem3A = arith.remsi %scan3A_378, %select_n3A : i32
      %ne3A = arith.constant 0 : i32
      %ne3A_383 = arith.cmpi ne, %rem3A, %ne3A : i32
      %lt3A_384 = arith.constant 0 : i32
      %lt3A_385 = arith.cmpi slt, %rem3A, %lt3A_384 : i32
      %lt3A_386 = arith.constant 0 : i32
      %lt3A_387 = arith.cmpi slt, %select_n3A, %lt3A_386 : i32
      %ne3A_388 = arith.xori %lt3A_385, %lt3A_387 : i1
      %and3A = arith.andi %ne3A_388, %ne3A_383 : i1
      %add3A_389 = arith.addi %rem3A, %select_n3A : i32
      %select_n3A_390 = arith.select %and3A, %add3A_389, %rem3A : i32
      %jit3A_391 = arith.constant 4 : i32
      %eq3A_392 = arith.constant 0 : i32
      %eq3A_393 = arith.cmpi eq, %jit3A_391, %eq3A_392 : i32
      %jit3A_394 = arith.constant 1 : i32
      %select_n3A_395 = arith.select %eq3A_393, %jit3A_394, %jit3A_391 : i32
      %rem3A_396 = arith.remsi %scan3A_378, %select_n3A_395 : i32
      %ne3A_397 = arith.constant 0 : i32
      %ne3A_398 = arith.cmpi ne, %rem3A_396, %ne3A_397 : i32
      %lt3A_399 = arith.constant 0 : i32
      %lt3A_400 = arith.cmpi slt, %rem3A_396, %lt3A_399 : i32
      %lt3A_401 = arith.constant 0 : i32
      %lt3A_402 = arith.cmpi slt, %select_n3A_395, %lt3A_401 : i32
      %ne3A_403 = arith.xori %lt3A_400, %lt3A_402 : i1
      %and3A_404 = arith.andi %ne3A_403, %ne3A_398 : i1
      %add3A_405 = arith.addi %rem3A_396, %select_n3A_395 : i32
      %select_n3A_406 = arith.select %and3A_404, %add3A_405, %rem3A_396 : i32
      %dma_wait3A_407 = arith.constant 0 : i32
      %dma_wait3A_408 = arith.constant 0 : i32
      %dma_wait3A_409 = tpu.memref_slice %arg12[%select_n3A_406, %dma_wait3A_407, %dma_wait3A_408] : memref<4x80x128xf32, #tpu.memory_space<vmem>> -> memref<1x80x128xf32, #tpu.memory_space<vmem>>
      %dma_wait3A_410 = tpu.memref_squeeze %dma_wait3A_409 : memref<1x80x128xf32, #tpu.memory_space<vmem>> -> memref<80x128xf32, #tpu.memory_space<vmem>>
      %dma_wait3A_411 = arith.constant 0 : i32
      %dma_wait3A_412 = tpu.memref_slice %arg10[%select_n3A_390, %dma_wait3A_411] : memref<5x80xi32, #tpu.memory_space<vmem>> -> memref<1x80xi32, #tpu.memory_space<vmem>>
      %dma_wait3A_413 = tpu.memref_squeeze %dma_wait3A_412 : memref<1x80xi32, #tpu.memory_space<vmem>> -> memref<80xi32, #tpu.memory_space<vmem>>
      %dma_wait3A_414 = arith.constant 0 : i32
      %dma_wait3A_415 = arith.constant 0 : i32
      %dma_wait3A_416 = tpu.memref_slice %arg2[%dma_wait3A_414, %dma_wait3A_415] : memref<10000x128xf32, #tpu.memory_space<hbm>> -> memref<10000x128xf32, #tpu.memory_space<hbm>>
      tpu.wait_indirect_dma semaphore(%arg15 : memref<!tpu.dma_semaphore, #tpu.memory_space<semaphore_mem>>) src(%dma_wait3A_416 : memref<10000x128xf32, #tpu.memory_space<hbm>>) dst(%dma_wait3A_410 : memref<80x128xf32, #tpu.memory_space<vmem>>)
      %add3A_417 = arith.constant 3 : i32
      %add3A_418 = arith.addi %scan3A_378, %add3A_417 : i32
      %lt3A_419 = arith.constant 125 : i32
      %lt3A_420 = arith.cmpi slt, %add3A_418, %lt3A_419 : i32
      %convert_element_type3A_421 = arith.extui %lt3A_420 : i1 to i32
      %cond3A_422 = arith.constant 0 : i32
      %cond3A_423 = arith.cmpi ne, %convert_element_type3A_421, %cond3A_422 : i32
      scf.if %cond3A_423 {
        %add3A_480 = arith.constant 3 : i32
        %add3A_481 = arith.addi %scan3A_378, %add3A_480 : i32
        %mul3A_482 = arith.constant 80 : i32
        %mul3A_483 = arith.muli %add3A_481, %mul3A_482 : i32
        %add3A_484 = arith.addi %mul3A_2, %mul3A_483 : i32
        %jit3A_485 = arith.constant 5 : i32
        %eq3A_486 = arith.constant 0 : i32
        %eq3A_487 = arith.cmpi eq, %jit3A_485, %eq3A_486 : i32
        %jit3A_488 = arith.constant 1 : i32
        %select_n3A_489 = arith.select %eq3A_487, %jit3A_488, %jit3A_485 : i32
        %rem3A_490 = arith.remsi %add3A_481, %select_n3A_489 : i32
        %ne3A_491 = arith.constant 0 : i32
        %ne3A_492 = arith.cmpi ne, %rem3A_490, %ne3A_491 : i32
        %lt3A_493 = arith.constant 0 : i32
        %lt3A_494 = arith.cmpi slt, %rem3A_490, %lt3A_493 : i32
        %lt3A_495 = arith.constant 0 : i32
        %lt3A_496 = arith.cmpi slt, %select_n3A_489, %lt3A_495 : i32
        %ne3A_497 = arith.xori %lt3A_494, %lt3A_496 : i1
        %and3A_498 = arith.andi %ne3A_497, %ne3A_492 : i1
        %add3A_499 = arith.addi %rem3A_490, %select_n3A_489 : i32
        %select_n3A_500 = arith.select %and3A_498, %add3A_499, %rem3A_490 : i32
        %dma_start3A_501 = arith.constant 0 : i32
        %dma_start3A_502 = tpu.memref_slice %arg10[%select_n3A_500, %dma_start3A_501] : memref<5x80xi32, #tpu.memory_space<vmem>> -> memref<1x80xi32, #tpu.memory_space<vmem>>
        %dma_start3A_503 = tpu.memref_squeeze %dma_start3A_502 : memref<1x80xi32, #tpu.memory_space<vmem>> -> memref<80xi32, #tpu.memory_space<vmem>>
        %dma_start3A_504 = tpu.memref_slice %arg3[%add3A_484] : memref<640000xi32, #tpu.memory_space<hbm>> -> memref<80xi32, #tpu.memory_space<hbm>>
        %dma_start3A_505 = arith.constant 0 : i32
        %dma_start3A_506 = tpu.memref_slice %arg10[%select_n3A_500, %dma_start3A_505] : memref<5x80xi32, #tpu.memory_space<vmem>> -> memref<1x80xi32, #tpu.memory_space<vmem>>
        %dma_start3A_507 = tpu.memref_squeeze %dma_start3A_506 : memref<1x80xi32, #tpu.memory_space<vmem>> -> memref<80xi32, #tpu.memory_space<vmem>>
        %dma_start3A_508 = tpu.memref_slice %arg3[%add3A_484] : memref<640000xi32, #tpu.memory_space<hbm>> -> memref<80xi32, #tpu.memory_space<hbm>>
        tpu.enqueue_dma source(%dma_start3A_508 : memref<80xi32, #tpu.memory_space<hbm>>) target(%dma_start3A_507 : memref<80xi32, #tpu.memory_space<vmem>>) target_semaphore(%arg14 : memref<!tpu.dma_semaphore, #tpu.memory_space<semaphore_mem>>)
        %add3A_509 = arith.constant 320000 : i32
        %add3A_510 = arith.addi %add3A_509, %add3A_484 : i32
        %dma_start3A_511 = arith.constant 0 : i32
        %dma_start3A_512 = tpu.memref_slice %arg11[%select_n3A_500, %dma_start3A_511] : memref<5x80xi32, #tpu.memory_space<vmem>> -> memref<1x80xi32, #tpu.memory_space<vmem>>
        %dma_start3A_513 = tpu.memref_squeeze %dma_start3A_512 : memref<1x80xi32, #tpu.memory_space<vmem>> -> memref<80xi32, #tpu.memory_space<vmem>>
        %dma_start3A_514 = tpu.memref_slice %arg3[%add3A_510] : memref<640000xi32, #tpu.memory_space<hbm>> -> memref<80xi32, #tpu.memory_space<hbm>>
        %dma_start3A_515 = arith.constant 0 : i32
        %dma_start3A_516 = tpu.memref_slice %arg11[%select_n3A_500, %dma_start3A_515] : memref<5x80xi32, #tpu.memory_space<vmem>> -> memref<1x80xi32, #tpu.memory_space<vmem>>
        %dma_start3A_517 = tpu.memref_squeeze %dma_start3A_516 : memref<1x80xi32, #tpu.memory_space<vmem>> -> memref<80xi32, #tpu.memory_space<vmem>>
        %dma_start3A_518 = tpu.memref_slice %arg3[%add3A_510] : memref<640000xi32, #tpu.memory_space<hbm>> -> memref<80xi32, #tpu.memory_space<hbm>>
        tpu.enqueue_dma source(%dma_start3A_518 : memref<80xi32, #tpu.memory_space<hbm>>) target(%dma_start3A_517 : memref<80xi32, #tpu.memory_space<vmem>>) target_semaphore(%arg14 : memref<!tpu.dma_semaphore, #tpu.memory_space<semaphore_mem>>)
      } else {
      }
      %add3A_424 = arith.constant 2 : i32
      %add3A_425 = arith.addi %scan3A_378, %add3A_424 : i32
      %lt3A_426 = arith.constant 125 : i32
      %lt3A_427 = arith.cmpi slt, %add3A_425, %lt3A_426 : i32
      %convert_element_type3A_428 = arith.extui %lt3A_427 : i1 to i32
      %cond3A_429 = arith.constant 0 : i32
      %cond3A_430 = arith.cmpi ne, %convert_element_type3A_428, %cond3A_429 : i32
      scf.if %cond3A_430 {
        %dma_wait3A_480 = arith.constant 0 : i32
        %dma_wait3A_481 = arith.constant 0 : i32
        %dma_wait3A_482 = tpu.memref_slice %arg10[%dma_wait3A_480, %dma_wait3A_481] : memref<5x80xi32, #tpu.memory_space<vmem>> -> memref<1x80xi32, #tpu.memory_space<vmem>>
        %dma_wait3A_483 = tpu.memref_squeeze %dma_wait3A_482 : memref<1x80xi32, #tpu.memory_space<vmem>> -> memref<80xi32, #tpu.memory_space<vmem>>
        %dma_wait3A_484 = arith.constant 0 : i32
        %dma_wait3A_485 = tpu.memref_slice %arg3[%dma_wait3A_484] : memref<640000xi32, #tpu.memory_space<hbm>> -> memref<80xi32, #tpu.memory_space<hbm>>
        %dma_wait3A_486 = arith.constant 0 : i32
        %dma_wait3A_487 = tpu.memref_slice %arg10[%dma_wait3A_480, %dma_wait3A_486] : memref<5x80xi32, #tpu.memory_space<vmem>> -> memref<1x80xi32, #tpu.memory_space<vmem>>
        %dma_wait3A_488 = tpu.memref_squeeze %dma_wait3A_487 : memref<1x80xi32, #tpu.memory_space<vmem>> -> memref<80xi32, #tpu.memory_space<vmem>>
        %dma_wait3A_489 = arith.constant 0 : i32
        %dma_wait3A_490 = tpu.memref_slice %arg3[%dma_wait3A_489] : memref<640000xi32, #tpu.memory_space<hbm>> -> memref<80xi32, #tpu.memory_space<hbm>>
        tpu.wait_dma2 semaphore(%arg14 : memref<!tpu.dma_semaphore, #tpu.memory_space<semaphore_mem>>) src(%dma_wait3A_490 : memref<80xi32, #tpu.memory_space<hbm>>) dst(%dma_wait3A_488 : memref<80xi32, #tpu.memory_space<vmem>>)
        %dma_wait3A_491 = arith.constant 0 : i32
        %dma_wait3A_492 = arith.constant 0 : i32
        %dma_wait3A_493 = tpu.memref_slice %arg11[%dma_wait3A_491, %dma_wait3A_492] : memref<5x80xi32, #tpu.memory_space<vmem>> -> memref<1x80xi32, #tpu.memory_space<vmem>>
        %dma_wait3A_494 = tpu.memref_squeeze %dma_wait3A_493 : memref<1x80xi32, #tpu.memory_space<vmem>> -> memref<80xi32, #tpu.memory_space<vmem>>
        %dma_wait3A_495 = arith.constant 0 : i32
        %dma_wait3A_496 = tpu.memref_slice %arg3[%dma_wait3A_495] : memref<640000xi32, #tpu.memory_space<hbm>> -> memref<80xi32, #tpu.memory_space<hbm>>
        %dma_wait3A_497 = arith.constant 0 : i32
        %dma_wait3A_498 = tpu.memref_slice %arg11[%dma_wait3A_491, %dma_wait3A_497] : memref<5x80xi32, #tpu.memory_space<vmem>> -> memref<1x80xi32, #tpu.memory_space<vmem>>
        %dma_wait3A_499 = tpu.memref_squeeze %dma_wait3A_498 : memref<1x80xi32, #tpu.memory_space<vmem>> -> memref<80xi32, #tpu.memory_space<vmem>>
        %dma_wait3A_500 = arith.constant 0 : i32
        %dma_wait3A_501 = tpu.memref_slice %arg3[%dma_wait3A_500] : memref<640000xi32, #tpu.memory_space<hbm>> -> memref<80xi32, #tpu.memory_space<hbm>>
        tpu.wait_dma2 semaphore(%arg14 : memref<!tpu.dma_semaphore, #tpu.memory_space<semaphore_mem>>) src(%dma_wait3A_501 : memref<80xi32, #tpu.memory_space<hbm>>) dst(%dma_wait3A_499 : memref<80xi32, #tpu.memory_space<vmem>>)
        %add3A_502 = arith.constant 2 : i32
        %add3A_503 = arith.addi %scan3A_378, %add3A_502 : i32
        %jit3A_504 = arith.constant 5 : i32
        %eq3A_505 = arith.constant 0 : i32
        %eq3A_506 = arith.cmpi eq, %jit3A_504, %eq3A_505 : i32
        %jit3A_507 = arith.constant 1 : i32
        %select_n3A_508 = arith.select %eq3A_506, %jit3A_507, %jit3A_504 : i32
        %rem3A_509 = arith.remsi %add3A_503, %select_n3A_508 : i32
        %ne3A_510 = arith.constant 0 : i32
        %ne3A_511 = arith.cmpi ne, %rem3A_509, %ne3A_510 : i32
        %lt3A_512 = arith.constant 0 : i32
        %lt3A_513 = arith.cmpi slt, %rem3A_509, %lt3A_512 : i32
        %lt3A_514 = arith.constant 0 : i32
        %lt3A_515 = arith.cmpi slt, %select_n3A_508, %lt3A_514 : i32
        %ne3A_516 = arith.xori %lt3A_513, %lt3A_515 : i1
        %and3A_517 = arith.andi %ne3A_516, %ne3A_511 : i1
        %add3A_518 = arith.addi %rem3A_509, %select_n3A_508 : i32
        %select_n3A_519 = arith.select %and3A_517, %add3A_518, %rem3A_509 : i32
        %jit3A_520 = arith.constant 4 : i32
        %eq3A_521 = arith.constant 0 : i32
        %eq3A_522 = arith.cmpi eq, %jit3A_520, %eq3A_521 : i32
        %jit3A_523 = arith.constant 1 : i32
        %select_n3A_524 = arith.select %eq3A_522, %jit3A_523, %jit3A_520 : i32
        %rem3A_525 = arith.remsi %add3A_503, %select_n3A_524 : i32
        %ne3A_526 = arith.constant 0 : i32
        %ne3A_527 = arith.cmpi ne, %rem3A_525, %ne3A_526 : i32
        %lt3A_528 = arith.constant 0 : i32
        %lt3A_529 = arith.cmpi slt, %rem3A_525, %lt3A_528 : i32
        %lt3A_530 = arith.constant 0 : i32
        %lt3A_531 = arith.cmpi slt, %select_n3A_524, %lt3A_530 : i32
        %ne3A_532 = arith.xori %lt3A_529, %lt3A_531 : i1
        %and3A_533 = arith.andi %ne3A_532, %ne3A_527 : i1
        %add3A_534 = arith.addi %rem3A_525, %select_n3A_524 : i32
        %select_n3A_535 = arith.select %and3A_533, %add3A_534, %rem3A_525 : i32
        %dma_start3A_536 = arith.constant 0 : i32
        %dma_start3A_537 = arith.constant 0 : i32
        %dma_start3A_538 = tpu.memref_slice %arg12[%select_n3A_535, %dma_start3A_536, %dma_start3A_537] : memref<4x80x128xf32, #tpu.memory_space<vmem>> -> memref<1x80x128xf32, #tpu.memory_space<vmem>>
        %dma_start3A_539 = tpu.memref_squeeze %dma_start3A_538 : memref<1x80x128xf32, #tpu.memory_space<vmem>> -> memref<80x128xf32, #tpu.memory_space<vmem>>
        %dma_start3A_540 = arith.constant 0 : i32
        %dma_start3A_541 = tpu.memref_slice %arg10[%select_n3A_519, %dma_start3A_540] : memref<5x80xi32, #tpu.memory_space<vmem>> -> memref<1x80xi32, #tpu.memory_space<vmem>>
        %dma_start3A_542 = tpu.memref_squeeze %dma_start3A_541 : memref<1x80xi32, #tpu.memory_space<vmem>> -> memref<80xi32, #tpu.memory_space<vmem>>
        %dma_start3A_543 = arith.constant 0 : i32
        %dma_start3A_544 = arith.constant 0 : i32
        %dma_start3A_545 = tpu.memref_slice %arg2[%dma_start3A_543, %dma_start3A_544] : memref<10000x128xf32, #tpu.memory_space<hbm>> -> memref<10000x128xf32, #tpu.memory_space<hbm>>
        tpu.enqueue_indirect_dma source(%dma_start3A_545 : memref<10000x128xf32, #tpu.memory_space<hbm>>) target(%dma_start3A_539 : memref<80x128xf32, #tpu.memory_space<vmem>>) offsets(%dma_start3A_542 : memref<80xi32, #tpu.memory_space<vmem>>) semaphore(%arg15 : memref<!tpu.dma_semaphore, #tpu.memory_space<semaphore_mem>>)
      } else {
      }
      %jit3A_431 = arith.constant 4 : i32
      %eq3A_432 = arith.constant 0 : i32
      %eq3A_433 = arith.cmpi eq, %jit3A_431, %eq3A_432 : i32
      %jit3A_434 = arith.constant 1 : i32
      %select_n3A_435 = arith.select %eq3A_433, %jit3A_434, %jit3A_431 : i32
      %rem3A_436 = arith.remsi %scan3A_378, %select_n3A_435 : i32
      %ne3A_437 = arith.constant 0 : i32
      %ne3A_438 = arith.cmpi ne, %rem3A_436, %ne3A_437 : i32
      %lt3A_439 = arith.constant 0 : i32
      %lt3A_440 = arith.cmpi slt, %rem3A_436, %lt3A_439 : i32
      %lt3A_441 = arith.constant 0 : i32
      %lt3A_442 = arith.cmpi slt, %select_n3A_435, %lt3A_441 : i32
      %ne3A_443 = arith.xori %lt3A_440, %lt3A_442 : i1
      %and3A_444 = arith.andi %ne3A_443, %ne3A_438 : i1
      %add3A_445 = arith.addi %rem3A_436, %select_n3A_435 : i32
      %select_n3A_446 = arith.select %and3A_444, %add3A_445, %rem3A_436 : i32
      %jit3A_447 = arith.constant 5 : i32
      %eq3A_448 = arith.constant 0 : i32
      %eq3A_449 = arith.cmpi eq, %jit3A_447, %eq3A_448 : i32
      %jit3A_450 = arith.constant 1 : i32
      %select_n3A_451 = arith.select %eq3A_449, %jit3A_450, %jit3A_447 : i32
      %rem3A_452 = arith.remsi %scan3A_378, %select_n3A_451 : i32
      %ne3A_453 = arith.constant 0 : i32
      %ne3A_454 = arith.cmpi ne, %rem3A_452, %ne3A_453 : i32
      %lt3A_455 = arith.constant 0 : i32
      %lt3A_456 = arith.cmpi slt, %rem3A_452, %lt3A_455 : i32
      %lt3A_457 = arith.constant 0 : i32
      %lt3A_458 = arith.cmpi slt, %select_n3A_451, %lt3A_457 : i32
      %ne3A_459 = arith.xori %lt3A_456, %lt3A_458 : i1
      %and3A_460 = arith.andi %ne3A_459, %ne3A_454 : i1
      %add3A_461 = arith.addi %rem3A_452, %select_n3A_451 : i32
      %select_n3A_462 = arith.select %and3A_460, %add3A_461, %rem3A_452 : i32
      "tpu.region"() ({
        %run_scoped3A = tpu.sem_alloc : memref<!tpu.dma_semaphore, #tpu.memory_space<semaphore_mem>>
        %dma_start3A_480 = arith.constant 0 : i32
        %dma_start3A_481 = arith.constant 0 : i32
        %dma_start3A_482 = tpu.memref_slice %arg12[%select_n3A_446, %dma_start3A_480, %dma_start3A_481] : memref<4x80x128xf32, #tpu.memory_space<vmem>> -> memref<1x80x128xf32, #tpu.memory_space<vmem>>
        %dma_start3A_483 = tpu.memref_squeeze %dma_start3A_482 : memref<1x80x128xf32, #tpu.memory_space<vmem>> -> memref<80x128xf32, #tpu.memory_space<vmem>>
        %dma_start3A_484 = arith.constant 0 : i32
        %dma_start3A_485 = tpu.memref_slice %arg11[%select_n3A_462, %dma_start3A_484] : memref<5x80xi32, #tpu.memory_space<vmem>> -> memref<1x80xi32, #tpu.memory_space<vmem>>
        %dma_start3A_486 = tpu.memref_squeeze %dma_start3A_485 : memref<1x80xi32, #tpu.memory_space<vmem>> -> memref<80xi32, #tpu.memory_space<vmem>>
        %dma_start3A_487 = arith.constant 0 : i32
        %dma_start3A_488 = arith.constant 0 : i32
        %dma_start3A_489 = tpu.memref_slice %arg6[%dma_start3A_487, %dma_start3A_488] : memref<10240x128xf32, #tpu.memory_space<vmem_shared>> -> memref<10240x128xf32, #tpu.memory_space<vmem_shared>>
        tpu.enqueue_indirect_dma source(%dma_start3A_483 : memref<80x128xf32, #tpu.memory_space<vmem>>) target(%dma_start3A_489 : memref<10240x128xf32, #tpu.memory_space<vmem_shared>>) offsets(%dma_start3A_486 : memref<80xi32, #tpu.memory_space<vmem>>) semaphore(%run_scoped3A : memref<!tpu.dma_semaphore, #tpu.memory_space<semaphore_mem>>) {add = true}
        %dma_wait3A_490 = arith.constant 0 : i32
        %dma_wait3A_491 = arith.constant 0 : i32
        %dma_wait3A_492 = tpu.memref_slice %arg12[%select_n3A_446, %dma_wait3A_490, %dma_wait3A_491] : memref<4x80x128xf32, #tpu.memory_space<vmem>> -> memref<1x80x128xf32, #tpu.memory_space<vmem>>
        %dma_wait3A_493 = tpu.memref_squeeze %dma_wait3A_492 : memref<1x80x128xf32, #tpu.memory_space<vmem>> -> memref<80x128xf32, #tpu.memory_space<vmem>>
        %dma_wait3A_494 = arith.constant 0 : i32
        %dma_wait3A_495 = tpu.memref_slice %arg11[%select_n3A_462, %dma_wait3A_494] : memref<5x80xi32, #tpu.memory_space<vmem>> -> memref<1x80xi32, #tpu.memory_space<vmem>>
        %dma_wait3A_496 = tpu.memref_squeeze %dma_wait3A_495 : memref<1x80xi32, #tpu.memory_space<vmem>> -> memref<80xi32, #tpu.memory_space<vmem>>
        %dma_wait3A_497 = arith.constant 0 : i32
        %dma_wait3A_498 = arith.constant 0 : i32
        %dma_wait3A_499 = tpu.memref_slice %arg6[%dma_wait3A_497, %dma_wait3A_498] : memref<10240x128xf32, #tpu.memory_space<vmem_shared>> -> memref<10240x128xf32, #tpu.memory_space<vmem_shared>>
        tpu.wait_indirect_dma semaphore(%run_scoped3A : memref<!tpu.dma_semaphore, #tpu.memory_space<semaphore_mem>>) src(%dma_wait3A_493 : memref<80x128xf32, #tpu.memory_space<vmem>>) dst(%dma_wait3A_499 : memref<10240x128xf32, #tpu.memory_space<vmem_shared>>)
        tpu.yield
      }) : () -> ()
      %jit3A_463 = arith.constant 5 : i32
      %eq3A_464 = arith.constant 0 : i32
      %eq3A_465 = arith.cmpi eq, %jit3A_463, %eq3A_464 : i32
      %jit3A_466 = arith.constant 1 : i32
      %select_n3A_467 = arith.select %eq3A_465, %jit3A_466, %jit3A_463 : i32
      %rem3A_468 = arith.remsi %scan3A_378, %select_n3A_467 : i32
      %ne3A_469 = arith.constant 0 : i32
      %ne3A_470 = arith.cmpi ne, %rem3A_468, %ne3A_469 : i32
      %lt3A_471 = arith.constant 0 : i32
      %lt3A_472 = arith.cmpi slt, %rem3A_468, %lt3A_471 : i32
      %lt3A_473 = arith.constant 0 : i32
      %lt3A_474 = arith.cmpi slt, %select_n3A_467, %lt3A_473 : i32
      %ne3A_475 = arith.xori %lt3A_472, %lt3A_474 : i1
      %and3A_476 = arith.andi %ne3A_475, %ne3A_470 : i1
      %add3A_477 = arith.addi %rem3A_468, %select_n3A_467 : i32
      %select_n3A_478 = arith.select %and3A_476, %add3A_477, %rem3A_468 : i32
      "tpu.region"() ({
        %run_scoped3A = tpu.sem_alloc : memref<!tpu.dma_semaphore, #tpu.memory_space<semaphore_mem>>
        %dma_start3A_480 = arith.constant 0 : i32
        %dma_start3A_481 = tpu.memref_slice %arg11[%select_n3A_478, %dma_start3A_480] : memref<5x80xi32, #tpu.memory_space<vmem>> -> memref<1x80xi32, #tpu.memory_space<vmem>>
        %dma_start3A_482 = tpu.memref_squeeze %dma_start3A_481 : memref<1x80xi32, #tpu.memory_space<vmem>> -> memref<80xi32, #tpu.memory_space<vmem>>
        %dma_start3A_483 = arith.constant 0 : i32
        %dma_start3A_484 = tpu.memref_slice %arg7[%dma_start3A_483] : memref<10240xf32, #tpu.memory_space<vmem_shared>> -> memref<10240xf32, #tpu.memory_space<vmem_shared>>
        tpu.enqueue_indirect_dma source(%arg13 : memref<80xf32, #tpu.memory_space<vmem>>) target(%dma_start3A_484 : memref<10240xf32, #tpu.memory_space<vmem_shared>>) offsets(%dma_start3A_482 : memref<80xi32, #tpu.memory_space<vmem>>) semaphore(%run_scoped3A : memref<!tpu.dma_semaphore, #tpu.memory_space<semaphore_mem>>) {add = true}
        %dma_wait3A_485 = arith.constant 0 : i32
        %dma_wait3A_486 = tpu.memref_slice %arg11[%select_n3A_478, %dma_wait3A_485] : memref<5x80xi32, #tpu.memory_space<vmem>> -> memref<1x80xi32, #tpu.memory_space<vmem>>
        %dma_wait3A_487 = tpu.memref_squeeze %dma_wait3A_486 : memref<1x80xi32, #tpu.memory_space<vmem>> -> memref<80xi32, #tpu.memory_space<vmem>>
        %dma_wait3A_488 = arith.constant 0 : i32
        %dma_wait3A_489 = tpu.memref_slice %arg7[%dma_wait3A_488] : memref<10240xf32, #tpu.memory_space<vmem_shared>> -> memref<10240xf32, #tpu.memory_space<vmem_shared>>
        tpu.wait_indirect_dma semaphore(%run_scoped3A : memref<!tpu.dma_semaphore, #tpu.memory_space<semaphore_mem>>) src(%arg13 : memref<80xf32, #tpu.memory_space<vmem>>) dst(%dma_wait3A_489 : memref<10240xf32, #tpu.memory_space<vmem_shared>>)
        tpu.yield
      }) : () -> ()
      %scan3A_479 = arith.constant 0 : i32
      scf.yield %scan3A_479 : i32
    }
    %scan3A_370 = arith.constant 125 : i32
    %barrier3A_371 = arith.constant 0 : index
    tpu.barrier barrier_id(%barrier3A_371)
    "tpu.region"() ({
      %run_scoped3A = tpu.sem_alloc : memref<!tpu.dma_semaphore, #tpu.memory_space<semaphore_mem>>
      %dma_start3A_378 = tpu.memref_slice %arg5[%arg0, %mul3A_212] : memref<2x10240xf32, #tpu.memory_space<hbm>> -> memref<1x640xf32, #tpu.memory_space<hbm>>
      %dma_start3A_379 = tpu.memref_squeeze %dma_start3A_378 : memref<1x640xf32, #tpu.memory_space<hbm>> -> memref<640xf32, #tpu.memory_space<hbm>>
      %dma_start3A_380 = tpu.memref_slice %arg7[%mul3A_212] : memref<10240xf32, #tpu.memory_space<vmem_shared>> -> memref<640xf32, #tpu.memory_space<vmem_shared>>
      tpu.enqueue_dma source(%dma_start3A_380 : memref<640xf32, #tpu.memory_space<vmem_shared>>) target(%dma_start3A_379 : memref<640xf32, #tpu.memory_space<hbm>>) target_semaphore(%run_scoped3A : memref<!tpu.dma_semaphore, #tpu.memory_space<semaphore_mem>>)
      %dma_wait3A_381 = tpu.memref_slice %arg5[%arg0, %mul3A_212] : memref<2x10240xf32, #tpu.memory_space<hbm>> -> memref<1x640xf32, #tpu.memory_space<hbm>>
      %dma_wait3A_382 = tpu.memref_squeeze %dma_wait3A_381 : memref<1x640xf32, #tpu.memory_space<hbm>> -> memref<640xf32, #tpu.memory_space<hbm>>
      %dma_wait3A_383 = tpu.memref_slice %arg7[%mul3A_212] : memref<10240xf32, #tpu.memory_space<vmem_shared>> -> memref<640xf32, #tpu.memory_space<vmem_shared>>
      tpu.wait_dma2 semaphore(%run_scoped3A : memref<!tpu.dma_semaphore, #tpu.memory_space<semaphore_mem>>) src(%dma_wait3A_383 : memref<640xf32, #tpu.memory_space<vmem_shared>>) dst(%dma_wait3A_382 : memref<640xf32, #tpu.memory_space<hbm>>)
      tpu.yield
    }) : () -> ()
    %lt3A = arith.constant 15 : i32
    %lt3A_372 = arith.cmpi slt, %arg1, %lt3A : i32
    %convert_element_type3A = arith.extui %lt3A_372 : i1 to i32
    %cond3A = arith.constant 0 : i32
    %cond3A_373 = arith.cmpi ne, %convert_element_type3A, %cond3A : i32
    scf.if %cond3A_373 {
      "tpu.region"() ({
        %run_scoped3A = tpu.sem_alloc : memref<!tpu.dma_semaphore, #tpu.memory_space<semaphore_mem>>
        %dma_start3A_378 = arith.constant 0 : i32
        %dma_start3A_379 = tpu.memref_slice %arg4[%arg0, %mul3A_90, %dma_start3A_378] : memref<2x10000x128xf32, #tpu.memory_space<hbm>> -> memref<1x640x128xf32, #tpu.memory_space<hbm>>
        %dma_start3A_380 = tpu.memref_squeeze %dma_start3A_379 : memref<1x640x128xf32, #tpu.memory_space<hbm>> -> memref<640x128xf32, #tpu.memory_space<hbm>>
        %dma_start3A_381 = arith.constant 0 : i32
        %dma_start3A_382 = tpu.memref_slice %arg6[%mul3A_90, %dma_start3A_381] : memref<10240x128xf32, #tpu.memory_space<vmem_shared>> -> memref<640x128xf32, #tpu.memory_space<vmem_shared>>
        tpu.enqueue_dma source(%dma_start3A_382 : memref<640x128xf32, #tpu.memory_space<vmem_shared>>) target(%dma_start3A_380 : memref<640x128xf32, #tpu.memory_space<hbm>>) target_semaphore(%run_scoped3A : memref<!tpu.dma_semaphore, #tpu.memory_space<semaphore_mem>>)
        %dma_wait3A_383 = arith.constant 0 : i32
        %dma_wait3A_384 = tpu.memref_slice %arg4[%arg0, %mul3A_90, %dma_wait3A_383] : memref<2x10000x128xf32, #tpu.memory_space<hbm>> -> memref<1x640x128xf32, #tpu.memory_space<hbm>>
        %dma_wait3A_385 = tpu.memref_squeeze %dma_wait3A_384 : memref<1x640x128xf32, #tpu.memory_space<hbm>> -> memref<640x128xf32, #tpu.memory_space<hbm>>
        %dma_wait3A_386 = arith.constant 0 : i32
        %dma_wait3A_387 = tpu.memref_slice %arg6[%mul3A_90, %dma_wait3A_386] : memref<10240x128xf32, #tpu.memory_space<vmem_shared>> -> memref<640x128xf32, #tpu.memory_space<vmem_shared>>
        tpu.wait_dma2 semaphore(%run_scoped3A : memref<!tpu.dma_semaphore, #tpu.memory_space<semaphore_mem>>) src(%dma_wait3A_387 : memref<640x128xf32, #tpu.memory_space<vmem_shared>>) dst(%dma_wait3A_385 : memref<640x128xf32, #tpu.memory_space<hbm>>)
        tpu.yield
      }) : () -> ()
    } else {
    }
    %eq3A = arith.constant 15 : i32
    %eq3A_374 = arith.cmpi eq, %arg1, %eq3A : i32
    %convert_element_type3A_375 = arith.extui %eq3A_374 : i1 to i32
    %cond3A_376 = arith.constant 0 : i32
    %cond3A_377 = arith.cmpi ne, %convert_element_type3A_375, %cond3A_376 : i32
    scf.if %cond3A_377 {
      "tpu.region"() ({
        %run_scoped3A = tpu.sem_alloc : memref<!tpu.dma_semaphore, #tpu.memory_space<semaphore_mem>>
        %dma_start3A_378 = arith.constant 9600 : i32
        %dma_start3A_379 = arith.constant 0 : i32
        %dma_start3A_380 = tpu.memref_slice %arg4[%arg0, %dma_start3A_378, %dma_start3A_379] : memref<2x10000x128xf32, #tpu.memory_space<hbm>> -> memref<1x400x128xf32, #tpu.memory_space<hbm>>
        %dma_start3A_381 = tpu.memref_squeeze %dma_start3A_380 : memref<1x400x128xf32, #tpu.memory_space<hbm>> -> memref<400x128xf32, #tpu.memory_space<hbm>>
        %dma_start3A_382 = arith.constant 9600 : i32
        %dma_start3A_383 = arith.constant 0 : i32
        %dma_start3A_384 = tpu.memref_slice %arg6[%dma_start3A_382, %dma_start3A_383] : memref<10240x128xf32, #tpu.memory_space<vmem_shared>> -> memref<400x128xf32, #tpu.memory_space<vmem_shared>>
        tpu.enqueue_dma source(%dma_start3A_384 : memref<400x128xf32, #tpu.memory_space<vmem_shared>>) target(%dma_start3A_381 : memref<400x128xf32, #tpu.memory_space<hbm>>) target_semaphore(%run_scoped3A : memref<!tpu.dma_semaphore, #tpu.memory_space<semaphore_mem>>)
        %dma_wait3A_385 = arith.constant 9600 : i32
        %dma_wait3A_386 = arith.constant 0 : i32
        %dma_wait3A_387 = tpu.memref_slice %arg4[%arg0, %dma_wait3A_385, %dma_wait3A_386] : memref<2x10000x128xf32, #tpu.memory_space<hbm>> -> memref<1x400x128xf32, #tpu.memory_space<hbm>>
        %dma_wait3A_388 = tpu.memref_squeeze %dma_wait3A_387 : memref<1x400x128xf32, #tpu.memory_space<hbm>> -> memref<400x128xf32, #tpu.memory_space<hbm>>
        %dma_wait3A_389 = arith.constant 9600 : i32
        %dma_wait3A_390 = arith.constant 0 : i32
        %dma_wait3A_391 = tpu.memref_slice %arg6[%dma_wait3A_389, %dma_wait3A_390] : memref<10240x128xf32, #tpu.memory_space<vmem_shared>> -> memref<400x128xf32, #tpu.memory_space<vmem_shared>>
        tpu.wait_dma2 semaphore(%run_scoped3A : memref<!tpu.dma_semaphore, #tpu.memory_space<semaphore_mem>>) src(%dma_wait3A_391 : memref<400x128xf32, #tpu.memory_space<vmem_shared>>) dst(%dma_wait3A_388 : memref<400x128xf32, #tpu.memory_space<hbm>>)
        tpu.yield
      }) : () -> ()
    } else {
    }
    return
  }
}

module attributes {stable_mosaic.version = 14 : i64} {
  func.func @mm_body(%arg0: i32, %arg1: memref<1x1000x128xf32, #tpu.memory_space<vmem>>, %arg2: memref<1x1000x128xf32, #tpu.memory_space<vmem>>, %arg3: memref<1000x128xf32, #tpu.memory_space<vmem>>, %arg4: memref<1x1000x1xf32, #tpu.memory_space<vmem>>, %arg5: memref<1x1000x1xf32, #tpu.memory_space<vmem>>, %arg6: memref<128x128xf32, #tpu.memory_space<vmem>>, %arg7: memref<128x128xf32, #tpu.memory_space<vmem>>, %arg8: memref<1x128xf32, #tpu.memory_space<vmem>>, %arg9: memref<1000x128xf32, #tpu.memory_space<vmem>>) attributes {dimension_semantics = [#tpu.dimension_semantics<arbitrary>], iteration_bounds = array<i64: 10>, scalar_prefetch = 0 : i64, scratch_operands = 0 : i64, tpu.core_type = #tpu.core_type<tc>, window_params = [{transform_indices = @transform_0, window_bounds = array<i64: 1, 1000, 128>}, {transform_indices = @transform_1, window_bounds = array<i64: 1, 1000, 128>}, {transform_indices = @transform_2, window_bounds = array<i64: 1000, 128>}, {transform_indices = @transform_3, window_bounds = array<i64: 1, 1000, 1>}, {transform_indices = @transform_4, window_bounds = array<i64: 1, 1000, 1>}, {pipeline_mode = #tpu.pipeline_mode<synchronous>, transform_indices = @transform_5, window_bounds = array<i64: 128, 128>}, {pipeline_mode = #tpu.pipeline_mode<synchronous>, transform_indices = @transform_6, window_bounds = array<i64: 128, 128>}, {pipeline_mode = #tpu.pipeline_mode<synchronous>, transform_indices = @transform_7, window_bounds = array<i64: 1, 128>}, {transform_indices = @transform_8, window_bounds = array<i64: 1000, 128>}]} {
    %get3A = arith.constant 0 : index
    %get3A_0 = arith.constant 0 : index
    %get3A_1 = arith.constant 0 : index
    %get3A_2 = vector.load %arg4[%get3A, %get3A_0, %get3A_1] : memref<1x1000x1xf32, #tpu.memory_space<vmem>>, vector<1x1000x1xf32>
    %get3A_3 = vector.shape_cast %get3A_2 : vector<1x1000x1xf32> to vector<1000x1xf32>
    %get3A_4 = arith.constant 0 : index
    %get3A_5 = arith.constant 0 : index
    %get3A_6 = arith.constant 0 : index
    %get3A_7 = vector.load %arg5[%get3A_4, %get3A_5, %get3A_6] : memref<1x1000x1xf32, #tpu.memory_space<vmem>>, vector<1x1000x1xf32>
    %get3A_8 = vector.shape_cast %get3A_7 : vector<1x1000x1xf32> to vector<1000x1xf32>
    %add3A = arith.addf %get3A_3, %get3A_8 : vector<1000x1xf32>
    %max3A = arith.constant 1.000000e+00 : f32
    %max3A_9 = vector.broadcast %max3A : f32 to vector<1000x1xf32>
    %max3A_10 = arith.maximumf %add3A, %max3A_9 : vector<1000x1xf32>
    %div3A = arith.constant 1.000000e+00 : f32
    %div3A_11 = vector.broadcast %div3A : f32 to vector<1000x1xf32>
    %div3A_12 = arith.divf %div3A_11, %max3A_10 : vector<1000x1xf32>
    %get3A_13 = arith.constant 0 : index
    %get3A_14 = arith.constant 0 : index
    %get3A_15 = arith.constant 0 : index
    %get3A_16 = vector.load %arg1[%get3A_13, %get3A_14, %get3A_15] : memref<1x1000x128xf32, #tpu.memory_space<vmem>>, vector<1x1000x128xf32>
    %get3A_17 = vector.shape_cast %get3A_16 : vector<1x1000x128xf32> to vector<1000x128xf32>
    %get3A_18 = arith.constant 0 : index
    %get3A_19 = arith.constant 0 : index
    %get3A_20 = arith.constant 0 : index
    %get3A_21 = vector.load %arg2[%get3A_18, %get3A_19, %get3A_20] : memref<1x1000x128xf32, #tpu.memory_space<vmem>>, vector<1x1000x128xf32>
    %get3A_22 = vector.shape_cast %get3A_21 : vector<1x1000x128xf32> to vector<1000x128xf32>
    %add3A_23 = arith.addf %get3A_17, %get3A_22 : vector<1000x128xf32>
    %mul3A = vector.broadcast %div3A_12 : vector<1000x1xf32> to vector<1000x128xf32>
    %mul3A_24 = arith.mulf %add3A_23, %mul3A : vector<1000x128xf32>
    %get3A_25 = arith.constant 0 : index
    %get3A_26 = arith.constant 0 : index
    %get3A_27 = vector.load %arg6[%get3A_25, %get3A_26] : memref<128x128xf32, #tpu.memory_space<vmem>>, vector<128x128xf32>
    %dot_general3A = arith.constant dense<0.000000e+00> : vector<1000x128xf32>
    %dot_general3A_28 = tpu.matmul %mul3A_24, %get3A_27, %dot_general3A {dimension_numbers = #tpu.dot_dimension_numbers<[1], [0], [0], [1], [0, 0, 1, 1], [], []>, transpose_lhs_hint = false} : vector<1000x128xf32>, vector<128x128xf32>, vector<1000x128xf32> -> vector<1000x128xf32>
    %get3A_29 = arith.constant 0 : index
    %get3A_30 = arith.constant 0 : index
    %get3A_31 = vector.load %arg3[%get3A_29, %get3A_30] : memref<1000x128xf32, #tpu.memory_space<vmem>>, vector<1000x128xf32>
    %get3A_32 = arith.constant 0 : index
    %get3A_33 = arith.constant 0 : index
    %get3A_34 = vector.load %arg7[%get3A_32, %get3A_33] : memref<128x128xf32, #tpu.memory_space<vmem>>, vector<128x128xf32>
    %dot_general3A_35 = arith.constant dense<0.000000e+00> : vector<1000x128xf32>
    %dot_general3A_36 = tpu.matmul %get3A_31, %get3A_34, %dot_general3A_35 {dimension_numbers = #tpu.dot_dimension_numbers<[1], [0], [0], [1], [0, 0, 1, 1], [], []>, transpose_lhs_hint = false} : vector<1000x128xf32>, vector<128x128xf32>, vector<1000x128xf32> -> vector<1000x128xf32>
    %add3A_37 = arith.addf %dot_general3A_28, %dot_general3A_36 : vector<1000x128xf32>
    %get3A_38 = arith.constant 0 : index
    %get3A_39 = arith.constant 0 : index
    %get3A_40 = vector.load %arg8[%get3A_38, %get3A_39] : memref<1x128xf32, #tpu.memory_space<vmem>>, vector<1x128xf32>
    %add3A_41 = vector.broadcast %get3A_40 : vector<1x128xf32> to vector<1000x128xf32>
    %add3A_42 = arith.addf %add3A_37, %add3A_41 : vector<1000x128xf32>
    %max3A_43 = arith.constant 0.000000e+00 : f32
    %max3A_44 = vector.broadcast %max3A_43 : f32 to vector<1000x128xf32>
    %max3A_45 = arith.maximumf %add3A_42, %max3A_44 : vector<1000x128xf32>
    %swap3A = arith.constant 0 : index
    %swap3A_46 = arith.constant 0 : index
    %swap3A_47 = vector.load %arg9[%swap3A, %swap3A_46] : memref<1000x128xf32, #tpu.memory_space<vmem>>, vector<1000x128xf32>
    tpu.vector_store %arg9[%swap3A, %swap3A_46], %max3A_45 {strides = array<i32>} : memref<1000x128xf32, #tpu.memory_space<vmem>>, vector<1000x128xf32>,
    return
  }
  func.func @transform_0(%arg0: i32) -> (i32, i32, i32) {
    %c0_i32 = arith.constant 0 : i32
    %c0_i32_0 = arith.constant 0 : i32
    %c0_i32_1 = arith.constant 0 : i32
    return %c0_i32, %arg0, %c0_i32_0 : i32, i32, i32
  }
  func.func @transform_1(%arg0: i32) -> (i32, i32, i32) {
    %c1_i32 = arith.constant 1 : i32
    %c0_i32 = arith.constant 0 : i32
    %c0_i32_0 = arith.constant 0 : i32
    return %c1_i32, %arg0, %c0_i32 : i32, i32, i32
  }
  func.func @transform_2(%arg0: i32) -> (i32, i32) {
    %c0_i32 = arith.constant 0 : i32
    %c0_i32_0 = arith.constant 0 : i32
    return %arg0, %c0_i32 : i32, i32
  }
  func.func @transform_3(%arg0: i32) -> (i32, i32, i32) {
    %c0_i32 = arith.constant 0 : i32
    %c0_i32_0 = arith.constant 0 : i32
    %c0_i32_1 = arith.constant 0 : i32
    return %c0_i32, %arg0, %c0_i32_0 : i32, i32, i32
  }
  func.func @transform_4(%arg0: i32) -> (i32, i32, i32) {
    %c1_i32 = arith.constant 1 : i32
    %c0_i32 = arith.constant 0 : i32
    %c0_i32_0 = arith.constant 0 : i32
    return %c1_i32, %arg0, %c0_i32 : i32, i32, i32
  }
  func.func @transform_5(%arg0: i32) -> (i32, i32) {
    %c0_i32 = arith.constant 0 : i32
    %c0_i32_0 = arith.constant 0 : i32
    %c0_i32_1 = arith.constant 0 : i32
    return %c0_i32, %c0_i32_0 : i32, i32
  }
  func.func @transform_6(%arg0: i32) -> (i32, i32) {
    %c0_i32 = arith.constant 0 : i32
    %c0_i32_0 = arith.constant 0 : i32
    %c0_i32_1 = arith.constant 0 : i32
    return %c0_i32, %c0_i32_0 : i32, i32
  }
  func.func @transform_7(%arg0: i32) -> (i32, i32) {
    %c0_i32 = arith.constant 0 : i32
    %c0_i32_0 = arith.constant 0 : i32
    %c0_i32_1 = arith.constant 0 : i32
    return %c0_i32, %c0_i32_0 : i32, i32
  }
  func.func @transform_8(%arg0: i32) -> (i32, i32) {
    %c0_i32 = arith.constant 0 : i32
    %c0_i32_0 = arith.constant 0 : i32
    return %arg0, %c0_i32 : i32, i32
  }
}

module attributes {stable_mosaic.version = 14 : i64} {
  func.func @mm_body(%arg0: i32, %arg1: memref<1x1000x128xf32, #tpu.memory_space<vmem>>, %arg2: memref<1x1000x128xf32, #tpu.memory_space<vmem>>, %arg3: memref<1000x128xf32, #tpu.memory_space<vmem>>, %arg4: memref<1x1000x1xf32, #tpu.memory_space<vmem>>, %arg5: memref<1x1000x1xf32, #tpu.memory_space<vmem>>, %arg6: memref<128x128xf32, #tpu.memory_space<vmem>>, %arg7: memref<128x128xf32, #tpu.memory_space<vmem>>, %arg8: memref<1x128xf32, #tpu.memory_space<vmem>>, %arg9: memref<1000x128xf32, #tpu.memory_space<vmem>>) attributes {dimension_semantics = [#tpu.dimension_semantics<arbitrary>], iteration_bounds = array<i64: 10>, scalar_prefetch = 0 : i64, scratch_operands = 0 : i64, tpu.core_type = #tpu.core_type<tc>, window_params = [{transform_indices = @transform_0, window_bounds = array<i64: 1, 1000, 128>}, {transform_indices = @transform_1, window_bounds = array<i64: 1, 1000, 128>}, {transform_indices = @transform_2, window_bounds = array<i64: 1000, 128>}, {transform_indices = @transform_3, window_bounds = array<i64: 1, 1000, 1>}, {transform_indices = @transform_4, window_bounds = array<i64: 1, 1000, 1>}, {pipeline_mode = #tpu.pipeline_mode<synchronous>, transform_indices = @transform_5, window_bounds = array<i64: 128, 128>}, {pipeline_mode = #tpu.pipeline_mode<synchronous>, transform_indices = @transform_6, window_bounds = array<i64: 128, 128>}, {pipeline_mode = #tpu.pipeline_mode<synchronous>, transform_indices = @transform_7, window_bounds = array<i64: 1, 128>}, {transform_indices = @transform_8, window_bounds = array<i64: 1000, 128>}]} {
    %get3A = arith.constant 0 : index
    %get3A_0 = arith.constant 0 : index
    %get3A_1 = arith.constant 0 : index
    %get3A_2 = vector.load %arg4[%get3A, %get3A_0, %get3A_1] : memref<1x1000x1xf32, #tpu.memory_space<vmem>>, vector<1x1000x1xf32>
    %get3A_3 = vector.shape_cast %get3A_2 : vector<1x1000x1xf32> to vector<1000x1xf32>
    %get3A_4 = arith.constant 0 : index
    %get3A_5 = arith.constant 0 : index
    %get3A_6 = arith.constant 0 : index
    %get3A_7 = vector.load %arg5[%get3A_4, %get3A_5, %get3A_6] : memref<1x1000x1xf32, #tpu.memory_space<vmem>>, vector<1x1000x1xf32>
    %get3A_8 = vector.shape_cast %get3A_7 : vector<1x1000x1xf32> to vector<1000x1xf32>
    %add3A = arith.addf %get3A_3, %get3A_8 : vector<1000x1xf32>
    %max3A = arith.constant 1.000000e+00 : f32
    %max3A_9 = vector.broadcast %max3A : f32 to vector<1000x1xf32>
    %max3A_10 = arith.maximumf %add3A, %max3A_9 : vector<1000x1xf32>
    %div3A = arith.constant 1.000000e+00 : f32
    %div3A_11 = vector.broadcast %div3A : f32 to vector<1000x1xf32>
    %div3A_12 = arith.divf %div3A_11, %max3A_10 : vector<1000x1xf32>
    %get3A_13 = arith.constant 0 : index
    %get3A_14 = arith.constant 0 : index
    %get3A_15 = arith.constant 0 : index
    %get3A_16 = vector.load %arg1[%get3A_13, %get3A_14, %get3A_15] : memref<1x1000x128xf32, #tpu.memory_space<vmem>>, vector<1x1000x128xf32>
    %get3A_17 = vector.shape_cast %get3A_16 : vector<1x1000x128xf32> to vector<1000x128xf32>
    %get3A_18 = arith.constant 0 : index
    %get3A_19 = arith.constant 0 : index
    %get3A_20 = arith.constant 0 : index
    %get3A_21 = vector.load %arg2[%get3A_18, %get3A_19, %get3A_20] : memref<1x1000x128xf32, #tpu.memory_space<vmem>>, vector<1x1000x128xf32>
    %get3A_22 = vector.shape_cast %get3A_21 : vector<1x1000x128xf32> to vector<1000x128xf32>
    %add3A_23 = arith.addf %get3A_17, %get3A_22 : vector<1000x128xf32>
    %mul3A = vector.broadcast %div3A_12 : vector<1000x1xf32> to vector<1000x128xf32>
    %mul3A_24 = arith.mulf %add3A_23, %mul3A : vector<1000x128xf32>
    %get3A_25 = arith.constant 0 : index
    %get3A_26 = arith.constant 0 : index
    %get3A_27 = vector.load %arg6[%get3A_25, %get3A_26] : memref<128x128xf32, #tpu.memory_space<vmem>>, vector<128x128xf32>
    %dot_general3A = arith.constant dense<0.000000e+00> : vector<1000x128xf32>
    %dot_general3A_28 = tpu.matmul %mul3A_24, %get3A_27, %dot_general3A {dimension_numbers = #tpu.dot_dimension_numbers<[1], [0], [0], [1], [0, 0, 1, 1], [], []>, transpose_lhs_hint = false} : vector<1000x128xf32>, vector<128x128xf32>, vector<1000x128xf32> -> vector<1000x128xf32>
    %get3A_29 = arith.constant 0 : index
    %get3A_30 = arith.constant 0 : index
    %get3A_31 = vector.load %arg3[%get3A_29, %get3A_30] : memref<1000x128xf32, #tpu.memory_space<vmem>>, vector<1000x128xf32>
    %get3A_32 = arith.constant 0 : index
    %get3A_33 = arith.constant 0 : index
    %get3A_34 = vector.load %arg7[%get3A_32, %get3A_33] : memref<128x128xf32, #tpu.memory_space<vmem>>, vector<128x128xf32>
    %dot_general3A_35 = arith.constant dense<0.000000e+00> : vector<1000x128xf32>
    %dot_general3A_36 = tpu.matmul %get3A_31, %get3A_34, %dot_general3A_35 {dimension_numbers = #tpu.dot_dimension_numbers<[1], [0], [0], [1], [0, 0, 1, 1], [], []>, transpose_lhs_hint = false} : vector<1000x128xf32>, vector<128x128xf32>, vector<1000x128xf32> -> vector<1000x128xf32>
    %add3A_37 = arith.addf %dot_general3A_28, %dot_general3A_36 : vector<1000x128xf32>
    %get3A_38 = arith.constant 0 : index
    %get3A_39 = arith.constant 0 : index
    %get3A_40 = vector.load %arg8[%get3A_38, %get3A_39] : memref<1x128xf32, #tpu.memory_space<vmem>>, vector<1x128xf32>
    %add3A_41 = vector.broadcast %get3A_40 : vector<1x128xf32> to vector<1000x128xf32>
    %add3A_42 = arith.addf %add3A_37, %add3A_41 : vector<1000x128xf32>
    %swap3A = arith.constant 0 : index
    %swap3A_43 = arith.constant 0 : index
    %swap3A_44 = vector.load %arg9[%swap3A, %swap3A_43] : memref<1000x128xf32, #tpu.memory_space<vmem>>, vector<1000x128xf32>
    tpu.vector_store %arg9[%swap3A, %swap3A_43], %add3A_42 {strides = array<i32>} : memref<1000x128xf32, #tpu.memory_space<vmem>>, vector<1000x128xf32>,
    return
  }
  func.func @transform_0(%arg0: i32) -> (i32, i32, i32) {
    %c0_i32 = arith.constant 0 : i32
    %c0_i32_0 = arith.constant 0 : i32
    %c0_i32_1 = arith.constant 0 : i32
    return %c0_i32, %arg0, %c0_i32_0 : i32, i32, i32
  }
  func.func @transform_1(%arg0: i32) -> (i32, i32, i32) {
    %c1_i32 = arith.constant 1 : i32
    %c0_i32 = arith.constant 0 : i32
    %c0_i32_0 = arith.constant 0 : i32
    return %c1_i32, %arg0, %c0_i32 : i32, i32, i32
  }
  func.func @transform_2(%arg0: i32) -> (i32, i32) {
    %c0_i32 = arith.constant 0 : i32
    %c0_i32_0 = arith.constant 0 : i32
    return %arg0, %c0_i32 : i32, i32
  }
  func.func @transform_3(%arg0: i32) -> (i32, i32, i32) {
    %c0_i32 = arith.constant 0 : i32
    %c0_i32_0 = arith.constant 0 : i32
    %c0_i32_1 = arith.constant 0 : i32
    return %c0_i32, %arg0, %c0_i32_0 : i32, i32, i32
  }
  func.func @transform_4(%arg0: i32) -> (i32, i32, i32) {
    %c1_i32 = arith.constant 1 : i32
    %c0_i32 = arith.constant 0 : i32
    %c0_i32_0 = arith.constant 0 : i32
    return %c1_i32, %arg0, %c0_i32 : i32, i32, i32
  }
  func.func @transform_5(%arg0: i32) -> (i32, i32) {
    %c0_i32 = arith.constant 0 : i32
    %c0_i32_0 = arith.constant 0 : i32
    %c0_i32_1 = arith.constant 0 : i32
    return %c0_i32, %c0_i32_0 : i32, i32
  }
  func.func @transform_6(%arg0: i32) -> (i32, i32) {
    %c0_i32 = arith.constant 0 : i32
    %c0_i32_0 = arith.constant 0 : i32
    %c0_i32_1 = arith.constant 0 : i32
    return %c0_i32, %c0_i32_0 : i32, i32
  }
  func.func @transform_7(%arg0: i32) -> (i32, i32) {
    %c0_i32 = arith.constant 0 : i32
    %c0_i32_0 = arith.constant 0 : i32
    %c0_i32_1 = arith.constant 0 : i32
    return %c0_i32, %c0_i32_0 : i32, i32
  }
  func.func @transform_8(%arg0: i32) -> (i32, i32) {
    %c0_i32 = arith.constant 0 : i32
    %c0_i32_0 = arith.constant 0 : i32
    return %arg0, %c0_i32 : i32, i32
  }
}

</mosaic_0001>

<sc_bundles>
// kernel: kernel.6.cloned.1.call-start
scs
__scs_entry_jumppad:
0x0: {  	(pc) =	sbr.rel $0x88, $3  }
0x1: {  	(tag) =	ssettag $0x0;
	lr =	simm.s32 $0x1  }
0x2: {  	[smem:$0x3F99] =	sst lr;
	_ =	strace $0xD0000000  }
0x3: {  	_ = 	snop  }
0x4: {  	_ = 	snop  }
0x5: {  	_ = 	snop  }
0x6: {  	_ = 	snop  }
0x7: {  	_ = 	snop  }
__scs_overlays_trampoline_lowered:
0x8: {  	[smem:$0x3FA8] =	sst s0  }
0x9: {  	[smem:$0x3FA9] =	sst s1  }
0xa: {  	[smem:$0x3FAA] =	sst s2  }
0xb: {  	[smem:$0x3FAB] =	sst s3  }
0xc: {  	[smem:$0x3FAC] =	sst s4  }
0xd: {  	[smem:$0x3FAD] =	sst s5  }
0xe: {  	[smem:$0x3FAE] =	sst s6  }
0xf: {  	[smem:$0x3FAF] =	sst s7  }
0x10: {  	[smem:$0x3FB0] =	sst s8  }
0x11: {  	[smem:$0x3FB1] =	sst s9;
	s0 =	simm.s32 @!p0 $0x0  }
0x12: {  	s1 =	sld [smem:$0x3F97];
	s0 =	simm.s32 @p0 $0x1  }
0x13: {  	[smem:$0x3FB2] =	sst s0;
	s0 =	simm.s32 @!p1 $0x0  }
0x14: {  	s2 =	sld [smem:$0x3F96];
	s0 =	simm.s32 @p1 $0x1  }
0x15: {  	[smem:$0x3FB3] =	sst s0;
	s0 =	simm.s32 @!p2 $0x0  }
0x16: {  	s3 =	sld [smem:$0x3FDB];
	s0 =	simm.s32 @p2 $0x1  }
0x17: {  	s4 =	simm.s32 $0x1BF5;
	[smem:$0x3FB5] =	sst s0  }
0x18: {  	s0 =	sld [smem:$0x3F98];
	_ =	swait.ge [sflag:s4], $0x0  }
0x19: {  	s7 =	sld [smem:$0x3F99]  }
0x1a: {  	s8 =	sadd.s32 $0xFFFFE003, lr  }
0x1b: {  	s9 =	sadd.s32 $0xFFFFFEF7, lr;
	s5 =	simm.s32 $0xFFFFFFFF;
	p2 =	slt.u32 s8, $0xFFFFF086  }
0x1c: {  	p1 =	slt.u32 s9, $0xF7A;
	s5 =	simm.s32 @!p2 $0x0  }
0x1d: {  	s5 =	simm.s32 @p1 $0x1;
	p0 =	seq.s32 s7, s2  }
0x1e: {  	s7 =	smul.u32 @!p0 $0xF7A, s2;
	p2 =	seq.s32 @!p0 s5, $0x0  }
0x1f: {  	s9 =	smul.u32 $0xF7A, s1;
	s8 =	simm.s32 @!p0 $0x1BF5;
	p2 =	por !p2, p0  }
0x20: {  	[sflag:s8] =	ssyncset.s32 @!p0 $0xFFFFF086;
	s6 =	sadd.s32 @!p0 s3, s7;
	s7 =	simm.s32 @!p0 $0x108  }
0x21: {  	s3 =	sadd.s32 s3, s9;
	s6 =	sadd.s32 @!p0 $0x88, s6;
	s7 =	simm.s32 @p2 $0x1082  }
0x22: {  	[simem:s7], [sflag:s8] =	dma.local @!p0 [hbm:s6], $0xF7A  }
0x23: {  	s9 =	sor.u32 $0xD0000000, s2;
	s6 =	simm.s32 $0x108;
	_ =	swait.ge @!p0 [sflag:s8], $0x0  }
0x24: {  	s3 =	sadd.s32 $0x88, s3;
	s6 =	simm.s32 @!p1 $0x1082;
	[sflag:s4] =	ssyncset.s32 $0xFFFFF086  }
0x25: {  	[simem:s6], [sflag:s4] =	dma.local [hbm:s3], $0xF7A  }
0x26: {  	[smem:$0x3F99] =	sst s1;
	(tag) =	ssettag s2;
	_ =	strace s9  }
0x27: {  	s1 =	sld [smem:$0x3FA9]  }
0x28: {  	s2 =	sld [smem:$0x3FAA]  }
0x29: {  	s4 =	sld [smem:$0x3FAC]  }
0x2a: {  	p0 =	seq.s32 s5, $0x0;
	s5 =	sld [smem:$0x3FAD]  }
0x2b: {  	s6 =	sld [smem:$0x3FAE]  }
0x2c: {  	s7 =	sld [smem:$0x3FAF]  }
0x2d: {  	s3 =	simm.s32 $0x108;
	s8 =	sld [smem:$0x3FB0]  }
0x2e: {  	s3 =	simm.s32 @!p0 $0x1082;
	s9 =	sld [smem:$0x3FB1]  }
0x2f: {  	lr =	sadd.s32 s0, s3;
	s0 =	sld [smem:$0x3FA8]  }
0x30: {  	s3 =	sld [smem:$0x3FAB]  }
0x31: {  	[smem:$0x3FB4] =	sst s10  }
0x32: {  	s10 =	sld [smem:$0x3FB2];
	_ =	sdelay $0x3  }
0x33: {  	p0 =	seq.s32 s10, $0x1;
	s10 =	sld [smem:$0x3FB4];
	_ =	sdelay $0x3  }
0x34: {  	[smem:$0x3FB4] =	sst s10  }
0x35: {  	s10 =	sld [smem:$0x3FB3];
	_ =	sdelay $0x3  }
0x36: {  	p1 =	seq.s32 s10, $0x1;
	s10 =	sld [smem:$0x3FB4];
	_ =	sdelay $0x3  }
0x37: {  	[smem:$0x3FB4] =	sst s10  }
0x38: {  	s10 =	sld [smem:$0x3FB5]  }
0x39: {  	_ = 	snop;
	(pc) =	sbr.ind lr, $3  }
0x3a: {  	_ = 	snop  }
0x3b: {  	_ = 	snop  }
0x3c: {  	p2 =	seq.s32 s10, $0x1;
	s10 =	sld [smem:$0x3FB4]  }
0x3d: {  	_ =	shalt  }
0x3e: {  	_ =	shalt  }
0x3f: {  	_ =	shalt  }
0x40: {  	_ =	shalt  }
0x41: {  	_ =	shalt  }
0x42: {  	_ =	shalt  }
0x43: {  	_ =	shalt  }
0x44: {  	_ =	shalt  }
0x45: {  	_ =	shalt  }
0x46: {  	_ =	shalt  }
0x47: {  	_ =	shalt  }
0x48: {  	_ =	shalt  }
0x49: {  	_ =	shalt  }
0x4a: {  	_ =	shalt  }
0x4b: {  	_ =	shalt  }
0x4c: {  	_ =	shalt  }
0x4d: {  	_ =	shalt  }
0x4e: {  	_ =	shalt  }
0x4f: {  	_ =	shalt  }
0x50: {  	_ =	shalt  }
0x51: {  	_ =	shalt  }
0x52: {  	_ =	shalt  }
0x53: {  	_ =	shalt  }
0x54: {  	_ =	shalt  }
0x55: {  	_ =	shalt  }
0x56: {  	_ =	shalt  }
0x57: {  	_ =	shalt  }
0x58: {  	_ =	shalt  }
0x59: {  	_ =	shalt  }
0x5a: {  	_ =	shalt  }
0x5b: {  	_ =	shalt  }
0x5c: {  	_ =	shalt  }
0x5d: {  	_ =	shalt  }
0x5e: {  	_ =	shalt  }
0x5f: {  	_ =	shalt  }
0x60: {  	_ =	shalt  }
0x61: {  	_ =	shalt  }
0x62: {  	_ =	shalt  }
0x63: {  	_ =	shalt  }
0x64: {  	_ =	shalt  }
0x65: {  	_ =	shalt  }
0x66: {  	_ =	shalt  }
0x67: {  	_ =	shalt  }
0x68: {  	_ =	shalt  }
0x69: {  	_ =	shalt  }
0x6a: {  	_ =	shalt  }
0x6b: {  	_ =	shalt  }
0x6c: {  	_ =	shalt  }
0x6d: {  	_ =	shalt  }
0x6e: {  	_ =	shalt  }
0x6f: {  	_ =	shalt  }
0x70: {  	_ =	shalt  }
0x71: {  	_ =	shalt  }
0x72: {  	_ =	shalt  }
0x73: {  	_ =	shalt  }
0x74: {  	_ =	shalt  }
0x75: {  	_ =	shalt  }
0x76: {  	_ =	shalt  }
0x77: {  	_ =	shalt  }
0x78: {  	_ =	shalt  }
0x79: {  	_ =	shalt  }
0x7a: {  	_ =	shalt  }
0x7b: {  	_ =	shalt  }
0x7c: {  	_ =	shalt  }
0x7d: {  	_ =	shalt  }
0x7e: {  	_ =	shalt  }
0x7f: {  	_ =	shalt  }
0x80: {  	_ =	shalt  }
0x81: {  	_ =	shalt  }
0x82: {  	_ =	shalt  }
0x83: {  	_ =	shalt  }
0x84: {  	_ =	shalt  }
0x85: {  	_ =	shalt  }
0x86: {  	_ =	shalt  }
0x87: {  	_ =	shalt  }
.Lfunc_end0:
.L_simem_size_0:
called_computation_lowered:
.L_overlay_start_0:
0x88: {  	s2 =	sld [smem:$0x3FD9]  }
0x89: {  	s3 =	sld [smem:$0x3FFE];
	_ =	sdelay $0x1  }
0x8a: {  	s1 =	srdreg.scid  }
0x8b: {  	s0 =	sand.u32 $0x1, s1  }
0x8c: {  	s17 =	sshll.u32 s0, $0xA;
	s2 =	sadd.s32 s3, s2  }
0x8d: {  	s2 =	sadd.s32 s2, s17  }
0x8e: {  	[smem:$0x3FC0] =	sst s2  }
0x8f: {  	_ = 	snop  }
0x90: {  	s2 =	sld [smem:$0x3FC9]  }
0x91: {  	s18 =	sld [smem:$0x3FD0];
	(tm) =	ssettm $0x1  }
0x92: {  	s4 =	sld [smem:$0x3FFB];
	_ =	sdelay $0x3  }
0x93: {  	_ =	strace s4  }
0x94: {  	s4 =	sld [smem:$0x3FFC];
	_ =	sdelay $0x3  }
0x95: {  	_ =	strace s4  }
0x96: {  	s4 =	sld [smem:$0x3FFD];
	_ =	sdelay $0x3  }
0x97: {  	_ =	strace s4  }
0x98: {  	_ =	strace $0x8FFFFFFF  }
0x99: {  	s19 =	sld [smem:$0x3FDB];
	_ =	sdelay $0x1  }
0x9a: {  	s5 =	simm.s32 $_scs_section_size  }
0x9b: {  	s6 =	simm.s32 $_size__tile_overlayer_lowered;
	s7 =	simm.s32 $_tile_overlayer_lowered  }
0x9c: {  	s22 =	simm.s32 $0x1BFF;
	s21 =	sshll.u32 s7, $0x1;
	s4 =	sadd.s32 s5, s19  }
0x9d: {  	s8 =	simm.s32 $0x0;
	s20 =	sshll.u32 s6, $0x1;
	s6 =	sadd.s32 s21, s4  }
0x9e: {  	[timem:s8], [sflag:s22] =	dma.local [hbm:s6], s20  }
0x9f: {  	_ =	swait.ge [sflag:s22], s20  }
0xa0: {  	s5 =	ssub.s32 $0x0, s20;
	[sflag:s22] =	ssyncset.done $0x0  }
0xa1: {  	[sflag:s22] =	ssyncadd.s32 s5;
	_ =	sdelay $0x1  }
0xa2: {  	s23 =	simm.s32 $0x1B8B  }
0xa3: {  	_ =	swait.ge [sflag:s23], $0x1  }
0xa4: {  	[sflag:s23] =	ssyncset.done $0x0  }
0xa5: {  	s25 =	simm.s32 $0x1B8E;
	s24 =	sld [smem:$0x3FFE];
	[sflag:s23] =	ssyncadd.s32 $0xFFFFFFFF  }
0xa6: {  	s26 =	simm.s32 $execute0_lowered;
	[smem:$0x3FD2] =	sst s25  }
0xa7: {  	s6 =	sshll.u32 s26, $0x1;
	_ =	strace $0x80000046;
	[dreg:$0x1] =	wrdreg $0xFFFFFFFF  }
0xa8: {  	s28 =	simm.s32 $_size_execute0_lowered;
	s4 =	sadd.s32 s4, s6;
	[dreg:$0x0] =	wrdreg $0x0  }
0xa9: {  	s6 =	sshll.u32 s28, $0x1;
	[dreg:$0x2] =	wrdreg s4  }
0xaa: {  	[dreg:$0x3] =	wrdreg s6  }
0xab: {  	[dreg:$0x4] =	wrdreg $0xC0  }
0xac: {  	_ =	task [dreg:s8], $0x5FFFF  }
0xad: {  	[dreg:$0x1] =	wrdreg $0xFFFFFFFF  }
0xae: {  	[dreg:$0x0] =	wrdreg $0x60  }
0xaf: {  	[dreg:$0x2] =	wrdreg s2  }
0xb0: {  	[dreg:$0x3] =	wrdreg s24  }
0xb1: {  	[dreg:$0x4] =	wrdreg s18  }
0xb2: {  	[dreg:$0x5] =	wrdreg $0x0  }
0xb3: {  	[dreg:$0x6] =	wrdreg $0x140000  }
0xb4: {  	[dreg:$0x7] =	wrdreg $0x9  }
0xb5: {  	_ =	task.clear_ibuf [dreg:s8], $0x8FFFF;
	_ =	strace $0x90000046  }
0xb6: {  	s29 =	simm.s32 $0x9;
	_ =	strace $0x80000048  }
0xb7: {  	_ =	swait.ge [sflag:s29], $0x1  }
0xb8: {  	[sflag:s29] =	ssyncadd.s32 $0xFFFFFFFF  }
0xb9: {  	_ =	strace $0x90000048  }
0xba: {  	_ =	sfence  }
0xbb: {  	s30 =	sld [smem:$0x0];
	_ =	sdelay $0x2  }
0xbc: {  	s31 =	sshll.u32 s1, $0xD;
	s1 =	sshrl.u32 s1, $0x2  }
0xbd: {  	s3 =	sand.u32 $0x4000, s31;
	s1 =	sadd.s32 s1, s30  }
0xbe: {  	s0 =	sor.u32 s3, s0;
	s1 =	sshll.u32 s1, $0x11  }
0xbf: {  	s0 =	sor.u32 s1, s0  }
0xc0: {  	s0 =	sadd.s32 $0x8F2B, s0  }
0xc1: {  	[sflag:s0] =	ssyncadd.remote.s32 $0x1  }
0xc2: {  	_ =	sfence.sel $0xFFFF  }
0xc3: {  	[dreg:$0x0] =	wrdreg $0xFFFFFFFF;
	(pc) =	sbr.abs _section_cstart, $3  }
0xc4: {  	[dreg:$0x1] =	wrdreg $0xFFFFFFFF  }
0xc5: {  	_ =	task.clear_ibuf [dreg:s8], $0x2FFFF;
	_ =	strace $0x9FFFFFFF  }
0xc6: {  	(tm) =	ssettm $0x7FFFFFFF  }
0xc7: {  	_ =	shalt  }
tec
execute0_lowered:
.L_overlay_start_1:
0x0: {  	(tag) =	ssettag $0x1  }
0x1: {  	s0 =	rddreg [dreg:$0x0]  }
0x2: {  	s1 =	rddreg [dreg:$0x1]  }
0x3: {  	s2 =	rddreg [dreg:$0x2]  }
0x4: {  	s3 =	rddreg [dreg:$0x3];
	s15 =	stileid.u32  }
0x5: {  	s5 =	srdreg.scid;
	s24 =	smul.u32 $0x50000, s15  }
0x6: {  	s4 =	rddreg [dreg:$0x4];
	s26 =	smul.u32 $0x500, s15  }
0x7: {  	s7 =	sand.u32 $0x1, s5;
	s6 =	sshll.u32 s15, $0x1;
	s14 =	smul.u32 $0x14000, s15  }
0x8: {  	s5 =	simm.s32 $0x0;
	s9 =	sadd.s32 $0x2800, s1;
	s29 =	smul.u32 $0x4E20, s15  }
0x9: {  	s1 =	sadd.s32 $0x16200, s1;
	s20 =	smul.u32 $0xA00, s15;
	s6 =	sor.u32 s7, s6  }
0xa: {  	p0 =	seq.s32 s15, $0xF;
	s8 =	ssub.s32 $0x2, s7;
	s6 =	smul.u32 $0x2710, s6  }
0xb: {  	s15 =	simm.s32 $0x15500;
	[smem:$0x7FF] =	sst s5;
	s10 =	sshrl.u32 s8, $0x1  }
0xc: {  	s13 =	smul.u32 $0x138800, s7;
	s8 =	ssub.s32 s8, s10;
	s6 =	sshrl.u32 s6, $0x3  }
0xd: {  	s10 =	sshrl.u32 s24, $0x2;
	s24 =	smax.u32 s8, $0x1;
	s6 =	sadd.s32 s9, s6  }
0xe: {  	_ =	strace $0x80000047;
	[dreg:$0x15] =	wrdreg s24;
	s22 =	sadd.s32 $0x9C40, s6  }
0xf: {  	s28 =	sshll.u32 s7, $0x7;
	s23 =	sadd.s32 $0xA, s6;
	[dreg:$0x6] =	wrdreg s22  }
0x10: {  	s7 =	smul.u32 $0x2710, s7;
	s11 =	sadd.s32 $0x9C4A, s6;
	[dreg:$0x7] =	wrdreg s23  }
0x11: {  	s19 =	sadd.s32 s14, s13;
	s25 =	sadd.s32 $0x14, s6;
	[dreg:$0x8] =	wrdreg s11  }
0x12: {  	s7 =	sadd.s32 s7, s29;
	s12 =	sadd.s32 $0x9C54, s6;
	[dreg:$0x9] =	wrdreg s25  }
0x13: {  	s21 =	sshrl.u32 s13, $0x3;
	s24 =	simm.s32 $0x1FD00;
	[dreg:$0xa] =	wrdreg s12  }
0x14: {  	s12 =	sadd.s32 s10, s3;
	s10 =	sor.u32 s28, s26;
	s22 =	sadd.s32 $0xF0, s7  }
0x15: {  	s7 =	sadd.s32 $0x4E2F0, s7;
	s16 =	sadd.s32 $0x1000, s12;
	s30 =	sadd.s32 $0x2000, s12  }
0x16: {  	s10 =	sshrl.u32 s10, $0x3;
	s31 =	sadd.s32 $0x3000, s12;
	[dreg:$0xb] =	wrdreg s16  }
0x17: {  	s17 =	sadd.s32 $0x4000, s12;
	s18 =	sadd.s32 $0x5000, s12;
	[dreg:$0xc] =	wrdreg s30  }
0x18: {  	s23 =	sshrl.u32 s7, $0x3;
	s25 =	sadd.s32 $0x6000, s12;
	[dreg:$0xd] =	wrdreg s31  }
0x19: {  	s26 =	sadd.s32 $0x7000, s12;
	s28 =	sadd.s32 $0x8000, s12;
	[dreg:$0xe] =	wrdreg s17  }
0x1a: {  	s29 =	sadd.s32 $0x9000, s12;
	s7 =	sadd.s32 $0xD000, s12;
	[dreg:$0x10] =	wrdreg s18  }
0x1b: {  	s8 =	sadd.s32 $0xE000, s12;
	s11 =	sadd.s32 $0x11000, s12;
	[dreg:$0x17] =	wrdreg s25  }
0x1c: {  	s13 =	sadd.s32 $0x12000, s12;
	s14 =	sadd.s32 $0x13000, s12;
	[dreg:$0x18] =	wrdreg s26  }
0x1d: {  	s2 =	sadd.s32 s2, s10;
	s10 =	sshrl.u32 s20, $0x2;
	[dreg:$0x19] =	wrdreg s28  }
0x1e: {  	[dreg:$0x1a] =	wrdreg s29;
	s30 =	sadd.s32 $0xA000, s12;
	s31 =	sadd.s32 $0xB000, s12  }
0x1f: {  	s16 =	simm.s32 $0x15580;
	s17 =	simm.s32 $0x14280;
	[dreg:$0xf] =	wrdreg s2  }
0x20: {  	s18 =	simm.s32 $0x3;
	s25 =	simm.s32 $0x0;
	[dreg:$0x1b] =	wrdreg s30  }
0x21: {  	s2 =	sshrl.u32 s19, $0x3;
	s20 =	sadd.s32 s10, s4;
	[dreg:$0x1c] =	wrdreg s31  }
0x22: {  	s10 =	sadd.s32 $0x10000, s12;
	s19 =	simm.s32 $0x1;
	s2 =	sadd.s32 s1, s2  }
0x23: {  	s1 =	sadd.s32 s1, s21;
	[dreg:$0x11] =	wrdreg s2;
	s2 =	sshrl.u32 s22, $0x3  }
.Ltmp0:
0x24: {  	s21 =	simm.s32 $0x50;
	s2 =	sadd.s32 s2, s9;
	(pc) =	sbr.rel .LBB2_1-.Ltmp0, $4  }
0x25: {  	s1 =	sadd.s32 $0x25800, s1;
	[dreg:$0x12] =	wrdreg s2;
	s2 =	sadd.s32 s23, s9  }
0x26: {  	s22 =	simm.s32 $0x4;
	[dreg:$0x13] =	wrdreg s2;
	s2 =	sadd.s32 $0x12C000, s3  }
0x27: {  	[dreg:$0x14] =	wrdreg s1;
	s9 =	sadd.s32 $0xF000, s12;
	s1 =	sshrl.u32 @p0 s2, $0x3  }
0x28: {  	v0 =	vimm.f32 $0.0e+00;
	v1 =	vimm.f32 $1.000000000e+00;
	s23 =	simm.s32 $0x2;
	[dreg:$0x16] =	wrdreg s1;
	s1 =	sadd.s32 $0xC000, s12  }
.LBB2_9:
0x29: {  	s2 =	stileid.u32;
	[bflag:$0x0] =	sbarrier.arrive $0xFFFF  }
0x2a: {  	s26 =	sshrl.u32 s20, $0x3;
	s29 =	simm.s32 $0x20;
	s2 =	sshll.u32 s2, $0x6  }
0x2b: {  	s30 =	simm.s32 $0x10;
	s28 =	rddreg [dreg:$0xf];
	s2 =	sor.u32 $0x1C04, s2  }
0x2c: {  	[hbm:s28@s29], [sflag:s2] =	dma.strided [spmem:s26@s30], $0x50, s19, $0x10   }
0x2d: {  	_ =	swait.ge [sflag:s22], $0x50  }
0x2e: {  	[sflag:s22] =	ssyncset.done $0x0;
	s26 =	rddreg [dreg:$0x14]  }
0x2f: {  	s28 =	rddreg [dreg:$0x16];
	[sflag:s22] =	ssyncadd.s32 $0xFFFFFFB0  }
0x30: {  	[hbm:s26], [sflag:s2] =	dma.local @p0 [spmem:s28], $0x1900  }
0x31: {  	s26 =	simm.s32 @p0 $0x4  }
0x32: {  	_ =	swait.ge @p0 [sflag:s26], $0x1900  }
0x33: {  	[sflag:s26] =	ssyncset.done @p0 $0x0  }
0x34: {  	s28 =	rddreg [dreg:$0x11];
	[sflag:s26] =	ssyncadd.s32 @p0 $0xFFFFE700;
	s26 =	sshrl.u32 @!p0 s12, $0x3  }
0x35: {  	[hbm:s28], [sflag:s2] =	dma.local @!p0 [spmem:s26], $0x2800  }
0x36: {  	s2 =	simm.s32 @!p0 $0x4  }
0x37: {  	_ =	swait.ge @!p0 [sflag:s2], $0x2800  }
0x38: {  	s25 =	sadd.s32 $0x1, s25;
	s31 =	rddreg [dreg:$0x15]  }
0x39: {  	p1 =	sne.s32 s25, s31  }
.Ltmp1:
0x3a: {  	_ = 	snop;
	(pc) =	sbr.rel @!p1 .LBB2_10-.Ltmp1, $3  }
0x3b: {  	_ =	sdelay $0x1  }
0x3c: {  	[sflag:s2] =	ssyncset.done @!p0 $0x0  }
0x3d: {  	[sflag:s2] =	ssyncadd.s32 @!p0 $0xFFFFD800  }
.LBB2_1:
0x3e: {  	[tilespmem:s15], [sflag:$0x1] =	stream.linear.gather [hbm4b:s6+s5], $0x50, $0x38;
	[tilespmem:$0x1FD80] =	vst v63  }
0x3f: {  	s2 =	rddreg [dreg:$0x6];
	s26 =	simm.s32 $0x15900  }
0x40: {  	[tilespmem:s26], [sflag:$0x1] =	stream.linear.gather [hbm4b:s2+s5], $0x50, $0x38;
	[tilespmem:$0x1FD80] =	vst v63  }
0x41: {  	s26 =	rddreg [dreg:$0x7]  }
0x42: {  	[tilespmem:s16], [sflag:$0x1] =	stream.linear.gather [hbm4b:s26+s5], $0x50, $0x38;
	[tilespmem:$0x1FD80] =	vst v63  }
0x43: {  	s30 =	rddreg [dreg:$0x8];
	s31 =	simm.s32 $0x15980  }
0x44: {  	[tilespmem:s31], [sflag:$0x1] =	stream.linear.gather [hbm4b:s30+s5], $0x50, $0x38;
	[tilespmem:$0x1FD80] =	vst v63  }
0x45: {  	s30 =	rddreg [dreg:$0x9];
	s31 =	simm.s32 $0x15600  }
0x46: {  	[tilespmem:s31], [sflag:$0x1] =	stream.linear.gather [hbm4b:s30+s5], $0x50, $0x38;
	[tilespmem:$0x1FD80] =	vst v63  }
0x47: {  	s28 =	sand.u32 $0x70, s5;
	s31 =	sand.u32 $0x3E00, s5  }
0x48: {  	s26 =	rddreg [dreg:$0xa];
	s30 =	simm.s32 $0x15A00;
	s29 =	sshrl.u32 s31, $0x2  }
0x49: {  	[tilespmem:s30], [sflag:$0x1] =	stream.linear.gather [hbm4b:s26+s5], $0x50, $0x38;
	[tilespmem:$0x1FD80] =	vst v63  }
0x4a: {  	s26 =	simm.s32 $0x40;
	s29 =	sor.u32 s28, s29;
	s28 =	simm.s32 $0x0  }
.LBB2_2:
0x4b: {  	p1 =	sne.s32 s26, $0x3FC0  }
0x4c: {  	[tilespmem:s29+$0x14280] =	vst v0;
	s28 =	sadd.s32 $0x10, s28;
	s29 =	smov.u32 s26;
	s26 =	sadd.s32 $0x40, s26  }
.Ltmp2:
0x4d: {  	(pc) =	sbr.rel @p1 .LBB2_2-.Ltmp2, $4  }
0x4e: {  	_ = 	snop  }
0x4f: {  	s29 =	sand.u32 $0x3E00, s29  }
0x50: {  	s30 =	sand.u32 $0x70, s28;
	s29 =	sshrl.u32 s29, $0x2  }
0x51: {  	s29 =	sor.u32 s30, s29  }
0x52: {  	[tilespmem:s29+$0x14280] =	vst v0  }
0x53: {  	[tilespmem:$0x15280] =	vst v0  }
0x54: {  	[tilespmem:$0x15290] =	vst v0  }
0x55: {  	[tilespmem:$0x152A0] =	vst v0  }
0x56: {  	[tilespmem:$0x152B0] =	vst v0  }
0x57: {  	[tilespmem:$0x152C0] =	vst v0  }
0x58: {  	[tilespmem:$0x152D0] =	vst v0  }
0x59: {  	[tilespmem:$0x152E0] =	vst v0  }
0x5a: {  	[tilespmem:$0x152F0] =	vst v0  }
0x5b: {  	[tilespmem:$0x15300] =	vst v0  }
0x5c: {  	[tilespmem:$0x15310] =	vst v0  }
0x5d: {  	[tilespmem:$0x15320] =	vst v0  }
0x5e: {  	[tilespmem:$0x15330] =	vst v0  }
0x5f: {  	[tilespmem:$0x15340] =	vst v0  }
0x60: {  	[tilespmem:$0x15350] =	vst v0  }
0x61: {  	[tilespmem:$0x15360] =	vst v0  }
0x62: {  	[tilespmem:$0x15370] =	vst v0  }
0x63: {  	[tilespmem:$0x15380] =	vst v0  }
0x64: {  	[tilespmem:$0x15390] =	vst v0  }
0x65: {  	[tilespmem:$0x153A0] =	vst v0  }
0x66: {  	[tilespmem:$0x153B0] =	vst v0  }
0x67: {  	[tilespmem:$0x153C0] =	vst v0  }
0x68: {  	[tilespmem:$0x153D0] =	vst v0  }
0x69: {  	[tilespmem:$0x153E0] =	vst v0  }
0x6a: {  	[tilespmem:$0x153F0] =	vst v0  }
0x6b: {  	[tilespmem:$0x15400] =	vst v0  }
0x6c: {  	[tilespmem:$0x15410] =	vst v0  }
0x6d: {  	[tilespmem:$0x15420] =	vst v0  }
0x6e: {  	[tilespmem:$0x15430] =	vst v0  }
0x6f: {  	[tilespmem:$0x15440] =	vst v0  }
0x70: {  	[tilespmem:$0x15450] =	vst v0  }
0x71: {  	[tilespmem:$0x15460] =	vst v0  }
0x72: {  	[tilespmem:$0x15470] =	vst v0  }
0x73: {  	[tilespmem:$0x15480] =	vst v0  }
0x74: {  	[tilespmem:$0x15490] =	vst v0  }
0x75: {  	[tilespmem:$0x154A0] =	vst v0  }
0x76: {  	[tilespmem:$0x154B0] =	vst v0  }
0x77: {  	[tilespmem:$0x154C0] =	vst v0  }
0x78: {  	[tilespmem:$0x154D0] =	vst v0  }
0x79: {  	[tilespmem:$0x154E0] =	vst v0  }
0x7a: {  	[tilespmem:$0x154F0] =	vst v0  }
0x7b: {  	[tilespmem:$0x1FD00] =	vst v1  }
0x7c: {  	[tilespmem:$0x1FD10] =	vst v1  }
0x7d: {  	[tilespmem:$0x1FD20] =	vst v1  }
0x7e: {  	[tilespmem:$0x1FD30] =	vst v1  }
0x7f: {  	[tilespmem:$0x1FD40] =	vst v1  }
0x80: {  	[spmem:s12] =	stream.linear.scatter [tilespmem:s17], [sflag:$0x3], $0x1000, $0x38;
	[tilespmem:$0x1FD80] =	vst v63  }
0x81: {  	s2 =	rddreg [dreg:$0xb]  }
0x82: {  	[spmem:s2] =	stream.linear.scatter [tilespmem:s17], [sflag:$0x3], $0x1000, $0x38;
	[tilespmem:$0x1FD80] =	vst v63  }
0x83: {  	s31 =	rddreg [dreg:$0xc]  }
0x84: {  	[spmem:s31] =	stream.linear.scatter [tilespmem:s17], [sflag:$0x3], $0x1000, $0x38;
	[tilespmem:$0x1FD80] =	vst v63  }
0x85: {  	s26 =	rddreg [dreg:$0xd]  }
0x86: {  	[spmem:s26] =	stream.linear.scatter [tilespmem:s17], [sflag:$0x3], $0x1000, $0x38;
	[tilespmem:$0x1FD80] =	vst v63  }
0x87: {  	s30 =	rddreg [dreg:$0xe]  }
0x88: {  	[spmem:s30] =	stream.linear.scatter [tilespmem:s17], [sflag:$0x3], $0x1000, $0x38;
	[tilespmem:$0x1FD80] =	vst v63  }
0x89: {  	s31 =	rddreg [dreg:$0x10]  }
0x8a: {  	[spmem:s31] =	stream.linear.scatter [tilespmem:s17], [sflag:$0x3], $0x1000, $0x38;
	[tilespmem:$0x1FD80] =	vst v63  }
0x8b: {  	s26 =	rddreg [dreg:$0x17]  }
0x8c: {  	[spmem:s26] =	stream.linear.scatter [tilespmem:s17], [sflag:$0x3], $0x1000, $0x38;
	[tilespmem:$0x1FD80] =	vst v63  }
0x8d: {  	s30 =	rddreg [dreg:$0x18]  }
0x8e: {  	[spmem:s30] =	stream.linear.scatter [tilespmem:s17], [sflag:$0x3], $0x1000, $0x38;
	[tilespmem:$0x1FD80] =	vst v63  }
0x8f: {  	s31 =	rddreg [dreg:$0x19]  }
0x90: {  	[spmem:s31] =	stream.linear.scatter [tilespmem:s17], [sflag:$0x3], $0x1000, $0x38;
	[tilespmem:$0x1FD80] =	vst v63  }
0x91: {  	s26 =	rddreg [dreg:$0x1a]  }
0x92: {  	[spmem:s26] =	stream.linear.scatter [tilespmem:s17], [sflag:$0x3], $0x1000, $0x38;
	[tilespmem:$0x1FD80] =	vst v63  }
0x93: {  	s30 =	rddreg [dreg:$0x1b]  }
0x94: {  	[spmem:s30] =	stream.linear.scatter [tilespmem:s17], [sflag:$0x3], $0x1000, $0x38;
	[tilespmem:$0x1FD80] =	vst v63  }
0x95: {  	s31 =	rddreg [dreg:$0x1c]  }
0x96: {  	[spmem:s31] =	stream.linear.scatter [tilespmem:s17], [sflag:$0x3], $0x1000, $0x38;
	[tilespmem:$0x1FD80] =	vst v63  }
0x97: {  	_ = 	snop  }
0x98: {  	[spmem:s1] =	stream.linear.scatter [tilespmem:s17], [sflag:$0x3], $0x1000, $0x38;
	[tilespmem:$0x1FD80] =	vst v63  }
0x99: {  	_ = 	snop  }
0x9a: {  	[spmem:s7] =	stream.linear.scatter [tilespmem:s17], [sflag:$0x3], $0x1000, $0x38;
	[tilespmem:$0x1FD80] =	vst v63  }
0x9b: {  	_ = 	snop  }
0x9c: {  	[spmem:s8] =	stream.linear.scatter [tilespmem:s17], [sflag:$0x3], $0x1000, $0x38;
	[tilespmem:$0x1FD80] =	vst v63  }
0x9d: {  	_ = 	snop  }
0x9e: {  	[spmem:s9] =	stream.linear.scatter [tilespmem:s17], [sflag:$0x3], $0x1000, $0x38;
	[tilespmem:$0x1FD80] =	vst v63  }
0x9f: {  	_ = 	snop  }
0xa0: {  	[spmem:s10] =	stream.linear.scatter [tilespmem:s17], [sflag:$0x3], $0x1000, $0x38;
	[tilespmem:$0x1FD80] =	vst v63  }
0xa1: {  	_ = 	snop  }
0xa2: {  	[spmem:s11] =	stream.linear.scatter [tilespmem:s17], [sflag:$0x3], $0x1000, $0x38;
	[tilespmem:$0x1FD80] =	vst v63  }
0xa3: {  	_ = 	snop  }
0xa4: {  	[spmem:s13] =	stream.linear.scatter [tilespmem:s17], [sflag:$0x3], $0x1000, $0x38;
	[tilespmem:$0x1FD80] =	vst v63  }
0xa5: {  	_ = 	snop  }
0xa6: {  	[spmem:s14] =	stream.linear.scatter [tilespmem:s17], [sflag:$0x3], $0x1000, $0x38;
	[tilespmem:$0x1FD80] =	vst v63  }
0xa7: {  	s26 =	simm.s32 $0x15280  }
0xa8: {  	[spmem:s20] =	stream.linear.scatter [tilespmem:s26], [sflag:$0x3], $0x280, $0x38;
	[tilespmem:$0x1FD80] =	vst v63  }
0xa9: {  	_ =	swait.ge [sflag:s18], $0x1000  }
0xaa: {  	[sflag:s18] =	ssyncset.done $0x0  }
0xab: {  	[sflag:s18] =	ssyncadd.s32 $0xFFFFF000  }
0xac: {  	_ =	swait.ge [sflag:s18], $0x1000  }
0xad: {  	[sflag:s18] =	ssyncset.done $0x0  }
0xae: {  	[sflag:s18] =	ssyncadd.s32 $0xFFFFF000  }
0xaf: {  	_ =	swait.ge [sflag:s18], $0x1000  }
0xb0: {  	[sflag:s18] =	ssyncset.done $0x0  }
0xb1: {  	[sflag:s18] =	ssyncadd.s32 $0xFFFFF000  }
0xb2: {  	_ =	swait.ge [sflag:s18], $0x1000  }
0xb3: {  	[sflag:s18] =	ssyncset.done $0x0  }
0xb4: {  	[sflag:s18] =	ssyncadd.s32 $0xFFFFF000  }
0xb5: {  	_ =	swait.ge [sflag:s18], $0x1000  }
0xb6: {  	[sflag:s18] =	ssyncset.done $0x0  }
0xb7: {  	[sflag:s18] =	ssyncadd.s32 $0xFFFFF000  }
0xb8: {  	_ =	swait.ge [sflag:s18], $0x1000  }
0xb9: {  	[sflag:s18] =	ssyncset.done $0x0  }
0xba: {  	[sflag:s18] =	ssyncadd.s32 $0xFFFFF000  }
0xbb: {  	_ =	swait.ge [sflag:s18], $0x1000  }
0xbc: {  	[sflag:s18] =	ssyncset.done $0x0  }
0xbd: {  	[sflag:s18] =	ssyncadd.s32 $0xFFFFF000  }
0xbe: {  	_ =	swait.ge [sflag:s18], $0x1000  }
0xbf: {  	[sflag:s18] =	ssyncset.done $0x0  }
0xc0: {  	[sflag:s18] =	ssyncadd.s32 $0xFFFFF000  }
0xc1: {  	_ =	swait.ge [sflag:s18], $0x1000  }
0xc2: {  	[sflag:s18] =	ssyncset.done $0x0  }
0xc3: {  	[sflag:s18] =	ssyncadd.s32 $0xFFFFF000  }
0xc4: {  	_ =	swait.ge [sflag:s18], $0x1000  }
0xc5: {  	[sflag:s18] =	ssyncset.done $0x0  }
0xc6: {  	[sflag:s18] =	ssyncadd.s32 $0xFFFFF000  }
0xc7: {  	_ =	swait.ge [sflag:s18], $0x1000  }
0xc8: {  	[sflag:s18] =	ssyncset.done $0x0  }
0xc9: {  	[sflag:s18] =	ssyncadd.s32 $0xFFFFF000  }
0xca: {  	_ =	swait.ge [sflag:s18], $0x1000  }
0xcb: {  	[sflag:s18] =	ssyncset.done $0x0  }
0xcc: {  	[sflag:s18] =	ssyncadd.s32 $0xFFFFF000  }
0xcd: {  	_ =	swait.ge [sflag:s18], $0x1000  }
0xce: {  	[sflag:s18] =	ssyncset.done $0x0  }
0xcf: {  	[sflag:s18] =	ssyncadd.s32 $0xFFFFF000  }
0xd0: {  	_ =	swait.ge [sflag:s18], $0x1000  }
0xd1: {  	[sflag:s18] =	ssyncset.done $0x0  }
0xd2: {  	[sflag:s18] =	ssyncadd.s32 $0xFFFFF000  }
0xd3: {  	_ =	swait.ge [sflag:s18], $0x1000  }
0xd4: {  	[sflag:s18] =	ssyncset.done $0x0  }
0xd5: {  	[sflag:s18] =	ssyncadd.s32 $0xFFFFF000  }
0xd6: {  	_ =	swait.ge [sflag:s18], $0x1000  }
0xd7: {  	[sflag:s18] =	ssyncset.done $0x0  }
0xd8: {  	[sflag:s18] =	ssyncadd.s32 $0xFFFFF000  }
0xd9: {  	_ =	swait.ge [sflag:s18], $0x1000  }
0xda: {  	[sflag:s18] =	ssyncset.done $0x0  }
0xdb: {  	[sflag:s18] =	ssyncadd.s32 $0xFFFFF000  }
0xdc: {  	_ =	swait.ge [sflag:s18], $0x1000  }
0xdd: {  	[sflag:s18] =	ssyncset.done $0x0  }
0xde: {  	[sflag:s18] =	ssyncadd.s32 $0xFFFFF000  }
0xdf: {  	_ =	swait.ge [sflag:s18], $0x1000  }
0xe0: {  	[sflag:s18] =	ssyncset.done $0x0  }
0xe1: {  	[sflag:s18] =	ssyncadd.s32 $0xFFFFF000  }
0xe2: {  	_ =	swait.ge [sflag:s18], $0x1000  }
0xe3: {  	[sflag:s18] =	ssyncset.done $0x0  }
0xe4: {  	[sflag:s18] =	ssyncadd.s32 $0xFFFFF000  }
0xe5: {  	_ =	swait.ge [sflag:s18], $0x280  }
0xe6: {  	[sflag:s18] =	ssyncset.done $0x0  }
0xe7: {  	[sflag:s18] =	ssyncadd.s32 $0xFFFFFD80  }
0xe8: {  	[bflag:$0x0] =	sbarrier.arrive $0xFFFF  }
0xe9: {  	_ =	swait.ge [sflag:s19], $0x50  }
0xea: {  	[sflag:s19] =	ssyncset.done $0x0  }
0xeb: {  	[sflag:s19] =	ssyncadd.s32 $0xFFFFFFB0  }
0xec: {  	_ =	swait.ge [sflag:s19], $0x50  }
0xed: {  	[sflag:s19] =	ssyncset.done $0x0  }
0xee: {  	s30 =	simm.s32 $0x15D00;
	[sflag:s19] =	ssyncadd.s32 $0xFFFFFFB0  }
0xef: {  	[tilespmem:s30], [sflag:$0x2] =	stream.indirect.gather [hbm4b:s0+s21], $0x80, s15, s21, $0xb8;
	[tilespmem:$0x1FD80] =	vst v63  }
0xf0: {  	_ =	swait.ge [sflag:s19], $0x50  }
0xf1: {  	[sflag:s19] =	ssyncset.done $0x0  }
.Ltmp3:
0xf2: {  	[sflag:s19] =	ssyncadd.s32 $0xFFFFFFB0;
	(pc) =	sbr.rel .LBB2_4-.Ltmp3, $4  }
0xf3: {  	_ =	swait.ge [sflag:s19], $0x50  }
0xf4: {  	s31 =	simm.s32 $0x18500;
	[sflag:s19] =	ssyncset.done $0x0;
	s28 =	rddreg [dreg:$0x13]  }
0xf5: {  	s26 =	simm.s32 $0x0;
	s29 =	rddreg [dreg:$0x12];
	[sflag:s19] =	ssyncadd.s32 $0xFFFFFFB0  }
0xf6: {  	[tilespmem:s31], [sflag:$0x2] =	stream.indirect.gather [hbm4b:s0+s21], $0x80, s16, s21, $0xb8;
	[tilespmem:$0x1FD80] =	vst v63  }
.LBB2_5:
0xf7: {  	s30 =	sadd.s32 $0x3, s26  }
0xf8: {  	s31 =	smul.u32 $0xCD, s30;
	_ =	sdelay $0x1  }
0xf9: {  	s31 =	sshrl.u32 s31, $0xA  }
0xfa: {  	s31 =	sand.u32 $0x3F, s31  }
0xfb: {  	s31 =	smul.u32 $0x5, s31;
	_ =	sdelay $0x1  }
0xfc: {  	s30 =	ssub.s32 s30, s31  }
0xfd: {  	s30 =	sand.u32 $0xFF, s30  }
0xfe: {  	s30 =	sshll.u32 s30, $0x7  }
0xff: {  	s2 =	sadd.s32 $0x15500, s30  }
0x100: {  	[tilespmem:s2], [sflag:$0x1] =	stream.linear.gather [hbm4b:s29+s5], $0x50, $0x38;
	[tilespmem:$0x1FD80] =	vst v63  }
0x101: {  	s30 =	sadd.s32 $0x15900, s30  }
0x102: {  	[tilespmem:s30], [sflag:$0x1] =	stream.linear.gather [hbm4b:s28+s5], $0x50, $0x38;
	[tilespmem:$0x1FD80] =	vst v63  }
.LBB2_7:
0x103: {  	s30 =	sadd.s32 $0x2, s26  }
0x104: {  	s31 =	smul.u32 $0xCD, s30;
	_ =	sdelay $0x1  }
0x105: {  	s31 =	sshrl.u32 s31, $0xA  }
0x106: {  	s31 =	sand.u32 $0x3F, s31  }
0x107: {  	_ =	swait.ge [sflag:s19], $0x50;
	s31 =	smul.u32 $0x5, s31  }
0x108: {  	[sflag:s19] =	ssyncset.done $0x0;
	s2 =	sand.u32 $0x3, s30  }
0x109: {  	[sflag:s19] =	ssyncadd.s32 $0xFFFFFFB0;
	s2 =	smul.u32 $0xA000, s2;
	s30 =	ssub.s32 s30, s31  }
0x10a: {  	_ =	swait.ge [sflag:s19], $0x50;
	s30 =	sand.u32 $0xFF, s30  }
0x10b: {  	[sflag:s19] =	ssyncset.done $0x0;
	s2 =	sshrl.u32 s2, $0x2;
	s30 =	sshll.u32 s30, $0x7  }
0x10c: {  	[sflag:s19] =	ssyncadd.s32 $0xFFFFFFB0;
	s2 =	sadd.s32 $0x15D00, s2;
	s30 =	sadd.s32 $0x15500, s30  }
0x10d: {  	[tilespmem:s2], [sflag:$0x2] =	stream.indirect.gather [hbm4b:s0+s21], $0x80, s30, s21, $0xb8;
	[tilespmem:$0x1FD80] =	vst v63  }
.LBB2_8:
0x10e: {  	s2 =	smul.u32 $0xCD, s26;
	_ =	sdelay $0x1  }
0x10f: {  	s2 =	sshrl.u32 s2, $0xA  }
0x110: {  	s2 =	sand.u32 $0x3F, s2  }
0x111: {  	s2 =	smul.u32 $0x5, s2  }
0x112: {  	s30 =	sand.u32 $0x3, s26  }
0x113: {  	s30 =	smul.u32 $0xA000, s30;
	s2 =	ssub.s32 s26, s2  }
0x114: {  	s2 =	sand.u32 $0xFF, s2  }
0x115: {  	s30 =	sshrl.u32 s30, $0x2;
	s2 =	sshll.u32 s2, $0x7  }
0x116: {  	s30 =	sadd.s32 $0x15D00, s30;
	s2 =	sadd.s32 $0x15900, s2  }
0x117: {  	[spmem:s3] =	stream.indirect.scatter.add.f32 [tilespmem:s30], [sflag:$0x4], $0x80, s2, s21, $0xb8;
	[tilespmem:$0x1FD80] =	vst v63  }
0x118: {  	s26 =	sadd.s32 $0x1, s26;
	_ =	swait.ge [sflag:s22], $0x2800  }
0x119: {  	p1 =	sne.s32 s26, $0x7D;
	[sflag:s22] =	ssyncset.done $0x0  }
.Ltmp4:
0x11a: {  	[sflag:s22] =	ssyncadd.s32 $0xFFFFD800;
	(pc) =	sbr.rel @!p1 .LBB2_9-.Ltmp4, $4  }
0x11b: {  	[spmem:s4] =	stream.indirect.scatter.add.f32 [tilespmem:s24], [sflag:$0x4], $0x1, s2, s21, $0xb8;
	[tilespmem:$0x1FD80] =	vst v63  }
0x11c: {  	_ =	swait.ge [sflag:s22], $0x50  }
0x11d: {  	[sflag:s22] =	ssyncset.done $0x0  }
0x11e: {  	s29 =	sadd.s32 $0xA, s29;
	s28 =	sadd.s32 $0xA, s28;
	[sflag:s22] =	ssyncadd.s32 $0xFFFFFFB0  }
.LBB2_4:
0x11f: {  	p1 =	sgt.u32 s26, $0x79  }
.Ltmp5:
0x120: {  	_ = 	snop;
	(pc) =	sbr.rel @!p1 .LBB2_5-.Ltmp5, $4  }
0x121: {  	_ = 	snop  }
0x122: {  	_ =	swait.ge [sflag:s23], $0x2800  }
0x123: {  	[sflag:s23] =	ssyncset.done $0x0  }
0x124: {  	[sflag:s23] =	ssyncadd.s32 $0xFFFFD800  }
0x125: {  	p1 =	sne.s32 s26, $0x7A  }
.Ltmp6:
0x126: {  	_ = 	snop;
	(pc) =	sbr.rel @p1 .LBB2_8-.Ltmp6, $4  }
.Ltmp7:
0x127: {  	_ = 	snop;
	(pc) =	sbr.rel @!p1 .LBB2_7-.Ltmp7, $4  }
0x128: {  	_ = 	snop  }
0x129: {  	_ = 	snop  }
0x12a: {  	_ = 	snop  }
0x12b: {  	_ = 	snop  }
.LBB2_10:
0x12c: {  	_ =	sfence.sel $0x180000  }
0x12d: {  	[bflag:$0x0] =	sbarrier.arrive $0xFFFF  }
0x12e: {  	_ =	strace $0x90000047  }
0x12f: {  	s0 =	stileid.u32;
	[bflag:$0x2] =	sbarrier.arrive $0xFFFF  }
0x130: {  	p0 =	sne.s32 s0, $0x0;
	s0 =	rddreg [dreg:$0x5]  }
0x131: {  	s0 =	sadd.s32 @!p0 $0x100000, s0  }
0x132: {  	[sflag:s0] =	ssyncadd.tile.s32 @!p0 $0x1;
	_ =	shalt  }
.Lfunc_end2:
_tile_overlayer_lowered:
.L_overlay_start_2:
0x133: {  	(tag) =	ssettag $0x2  }
0x134: {  	s0 =	rddreg [dreg:$0x0];
	s2 =	stileid.u32  }
0x135: {  	s1 =	rddreg [dreg:$0x1];
	p0 =	sne.s32 s2, $0x0  }
0x136: {  	s3 =	rddreg [dreg:$0x2];
	[bflag:$0x3] =	sbarrier.arrive $0xFFFF;
	s2 =	simm.s32 @!p0 $0x1C04  }
0x137: {  	[timem:s3], [sflag:s2] =	dma.local @!p0 [hbm:s0], s1  }
0x138: {  	s0 =	simm.s32 @!p0 $0x4  }
0x139: {  	_ =	swait.ge @!p0 [sflag:s0], s1  }
0x13a: {  	s1 =	ssub.s32 @!p0 $0x0, s1;
	[sflag:s0] =	ssyncset.done @!p0 $0x0  }
0x13b: {  	[sflag:s0] =	ssyncadd.s32 @!p0 s1  }
0x13c: {  	[bflag:$0x3] =	sbarrier.arrive $0xFFFF  }
0x13d: {  	_ =	shalt  }

// kernel: kernel.9.cloned.1.call-start
scs
__scs_entry_jumppad:
0x0: {  	(pc) =	sbr.rel $0x88, $3  }
0x1: {  	(tag) =	ssettag $0x0;
	lr =	simm.s32 $0x1  }
0x2: {  	[smem:$0x3F99] =	sst lr;
	_ =	strace $0xD0000000  }
0x3: {  	_ = 	snop  }
0x4: {  	_ = 	snop  }
0x5: {  	_ = 	snop  }
0x6: {  	_ = 	snop  }
0x7: {  	_ = 	snop  }
__scs_overlays_trampoline_lowered:
0x8: {  	[smem:$0x3FA8] =	sst s0  }
0x9: {  	[smem:$0x3FA9] =	sst s1  }
0xa: {  	[smem:$0x3FAA] =	sst s2  }
0xb: {  	[smem:$0x3FAB] =	sst s3  }
0xc: {  	[smem:$0x3FAC] =	sst s4  }
0xd: {  	[smem:$0x3FAD] =	sst s5  }
0xe: {  	[smem:$0x3FAE] =	sst s6  }
0xf: {  	[smem:$0x3FAF] =	sst s7  }
0x10: {  	[smem:$0x3FB0] =	sst s8  }
0x11: {  	[smem:$0x3FB1] =	sst s9;
	s0 =	simm.s32 @!p0 $0x0  }
0x12: {  	s1 =	sld [smem:$0x3F97];
	s0 =	simm.s32 @p0 $0x1  }
0x13: {  	[smem:$0x3FB2] =	sst s0;
	s0 =	simm.s32 @!p1 $0x0  }
0x14: {  	s2 =	sld [smem:$0x3F96];
	s0 =	simm.s32 @p1 $0x1  }
0x15: {  	[smem:$0x3FB3] =	sst s0;
	s0 =	simm.s32 @!p2 $0x0  }
0x16: {  	s3 =	sld [smem:$0x3FDB];
	s0 =	simm.s32 @p2 $0x1  }
0x17: {  	s4 =	simm.s32 $0x1BF5;
	[smem:$0x3FB5] =	sst s0  }
0x18: {  	s0 =	sld [smem:$0x3F98];
	_ =	swait.ge [sflag:s4], $0x0  }
0x19: {  	s7 =	sld [smem:$0x3F99]  }
0x1a: {  	s8 =	sadd.s32 $0xFFFFE003, lr  }
0x1b: {  	s9 =	sadd.s32 $0xFFFFFEF7, lr;
	s5 =	simm.s32 $0xFFFFFFFF;
	p2 =	slt.u32 s8, $0xFFFFF086  }
0x1c: {  	p1 =	slt.u32 s9, $0xF7A;
	s5 =	simm.s32 @!p2 $0x0  }
0x1d: {  	s5 =	simm.s32 @p1 $0x1;
	p0 =	seq.s32 s7, s2  }
0x1e: {  	s7 =	smul.u32 @!p0 $0xF7A, s2;
	p2 =	seq.s32 @!p0 s5, $0x0  }
0x1f: {  	s9 =	smul.u32 $0xF7A, s1;
	s8 =	simm.s32 @!p0 $0x1BF5;
	p2 =	por !p2, p0  }
0x20: {  	[sflag:s8] =	ssyncset.s32 @!p0 $0xFFFFF086;
	s6 =	sadd.s32 @!p0 s3, s7;
	s7 =	simm.s32 @!p0 $0x108  }
0x21: {  	s3 =	sadd.s32 s3, s9;
	s6 =	sadd.s32 @!p0 $0x88, s6;
	s7 =	simm.s32 @p2 $0x1082  }
0x22: {  	[simem:s7], [sflag:s8] =	dma.local @!p0 [hbm:s6], $0xF7A  }
0x23: {  	s9 =	sor.u32 $0xD0000000, s2;
	s6 =	simm.s32 $0x108;
	_ =	swait.ge @!p0 [sflag:s8], $0x0  }
0x24: {  	s3 =	sadd.s32 $0x88, s3;
	s6 =	simm.s32 @!p1 $0x1082;
	[sflag:s4] =	ssyncset.s32 $0xFFFFF086  }
0x25: {  	[simem:s6], [sflag:s4] =	dma.local [hbm:s3], $0xF7A  }
0x26: {  	[smem:$0x3F99] =	sst s1;
	(tag) =	ssettag s2;
	_ =	strace s9  }
0x27: {  	s1 =	sld [smem:$0x3FA9]  }
0x28: {  	s2 =	sld [smem:$0x3FAA]  }
0x29: {  	s4 =	sld [smem:$0x3FAC]  }
0x2a: {  	p0 =	seq.s32 s5, $0x0;
	s5 =	sld [smem:$0x3FAD]  }
0x2b: {  	s6 =	sld [smem:$0x3FAE]  }
0x2c: {  	s7 =	sld [smem:$0x3FAF]  }
0x2d: {  	s3 =	simm.s32 $0x108;
	s8 =	sld [smem:$0x3FB0]  }
0x2e: {  	s3 =	simm.s32 @!p0 $0x1082;
	s9 =	sld [smem:$0x3FB1]  }
0x2f: {  	lr =	sadd.s32 s0, s3;
	s0 =	sld [smem:$0x3FA8]  }
0x30: {  	s3 =	sld [smem:$0x3FAB]  }
0x31: {  	[smem:$0x3FB4] =	sst s10  }
0x32: {  	s10 =	sld [smem:$0x3FB2];
	_ =	sdelay $0x3  }
0x33: {  	p0 =	seq.s32 s10, $0x1;
	s10 =	sld [smem:$0x3FB4];
	_ =	sdelay $0x3  }
0x34: {  	[smem:$0x3FB4] =	sst s10  }
0x35: {  	s10 =	sld [smem:$0x3FB3];
	_ =	sdelay $0x3  }
0x36: {  	p1 =	seq.s32 s10, $0x1;
	s10 =	sld [smem:$0x3FB4];
	_ =	sdelay $0x3  }
0x37: {  	[smem:$0x3FB4] =	sst s10  }
0x38: {  	s10 =	sld [smem:$0x3FB5]  }
0x39: {  	_ = 	snop;
	(pc) =	sbr.ind lr, $3  }
0x3a: {  	_ = 	snop  }
0x3b: {  	_ = 	snop  }
0x3c: {  	p2 =	seq.s32 s10, $0x1;
	s10 =	sld [smem:$0x3FB4]  }
0x3d: {  	_ =	shalt  }
0x3e: {  	_ =	shalt  }
0x3f: {  	_ =	shalt  }
0x40: {  	_ =	shalt  }
0x41: {  	_ =	shalt  }
0x42: {  	_ =	shalt  }
0x43: {  	_ =	shalt  }
0x44: {  	_ =	shalt  }
0x45: {  	_ =	shalt  }
0x46: {  	_ =	shalt  }
0x47: {  	_ =	shalt  }
0x48: {  	_ =	shalt  }
0x49: {  	_ =	shalt  }
0x4a: {  	_ =	shalt  }
0x4b: {  	_ =	shalt  }
0x4c: {  	_ =	shalt  }
0x4d: {  	_ =	shalt  }
0x4e: {  	_ =	shalt  }
0x4f: {  	_ =	shalt  }
0x50: {  	_ =	shalt  }
0x51: {  	_ =	shalt  }
0x52: {  	_ =	shalt  }
0x53: {  	_ =	shalt  }
0x54: {  	_ =	shalt  }
0x55: {  	_ =	shalt  }
0x56: {  	_ =	shalt  }
0x57: {  	_ =	shalt  }
0x58: {  	_ =	shalt  }
0x59: {  	_ =	shalt  }
0x5a: {  	_ =	shalt  }
0x5b: {  	_ =	shalt  }
0x5c: {  	_ =	shalt  }
0x5d: {  	_ =	shalt  }
0x5e: {  	_ =	shalt  }
0x5f: {  	_ =	shalt  }
0x60: {  	_ =	shalt  }
0x61: {  	_ =	shalt  }
0x62: {  	_ =	shalt  }
0x63: {  	_ =	shalt  }
0x64: {  	_ =	shalt  }
0x65: {  	_ =	shalt  }
0x66: {  	_ =	shalt  }
0x67: {  	_ =	shalt  }
0x68: {  	_ =	shalt  }
0x69: {  	_ =	shalt  }
0x6a: {  	_ =	shalt  }
0x6b: {  	_ =	shalt  }
0x6c: {  	_ =	shalt  }
0x6d: {  	_ =	shalt  }
0x6e: {  	_ =	shalt  }
0x6f: {  	_ =	shalt  }
0x70: {  	_ =	shalt  }
0x71: {  	_ =	shalt  }
0x72: {  	_ =	shalt  }
0x73: {  	_ =	shalt  }
0x74: {  	_ =	shalt  }
0x75: {  	_ =	shalt  }
0x76: {  	_ =	shalt  }
0x77: {  	_ =	shalt  }
0x78: {  	_ =	shalt  }
0x79: {  	_ =	shalt  }
0x7a: {  	_ =	shalt  }
0x7b: {  	_ =	shalt  }
0x7c: {  	_ =	shalt  }
0x7d: {  	_ =	shalt  }
0x7e: {  	_ =	shalt  }
0x7f: {  	_ =	shalt  }
0x80: {  	_ =	shalt  }
0x81: {  	_ =	shalt  }
0x82: {  	_ =	shalt  }
0x83: {  	_ =	shalt  }
0x84: {  	_ =	shalt  }
0x85: {  	_ =	shalt  }
0x86: {  	_ =	shalt  }
0x87: {  	_ =	shalt  }
.Lfunc_end0:
.L_simem_size_0:
called_computation.1_lowered:
.L_overlay_start_0:
0x88: {  	s2 =	sld [smem:$0x3FD9]  }
0x89: {  	s3 =	sld [smem:$0x3FFE];
	_ =	sdelay $0x1  }
0x8a: {  	s1 =	srdreg.scid  }
0x8b: {  	s0 =	sand.u32 $0x1, s1  }
0x8c: {  	s17 =	sshll.u32 s0, $0xA;
	s2 =	sadd.s32 s3, s2  }
0x8d: {  	s2 =	sadd.s32 s2, s17  }
0x8e: {  	[smem:$0x3FC0] =	sst s2  }
0x8f: {  	_ = 	snop  }
0x90: {  	s2 =	sld [smem:$0x3FD0];
	(tm) =	ssettm $0x1  }
0x91: {  	s18 =	sld [smem:$0x3FFB];
	_ =	sdelay $0x3  }
0x92: {  	_ =	strace s18  }
0x93: {  	s3 =	sld [smem:$0x3FFC];
	_ =	sdelay $0x3  }
0x94: {  	_ =	strace s3  }
0x95: {  	s3 =	sld [smem:$0x3FFD];
	_ =	sdelay $0x3  }
0x96: {  	_ =	strace s3  }
0x97: {  	_ =	strace $0x8FFFFFFF  }
0x98: {  	s19 =	sld [smem:$0x3FDB];
	_ =	sdelay $0x1  }
0x99: {  	s4 =	simm.s32 $_scs_section_size  }
0x9a: {  	s5 =	simm.s32 $_size__tile_overlayer_lowered;
	s6 =	simm.s32 $_tile_overlayer_lowered  }
0x9b: {  	s22 =	simm.s32 $0x1BFF;
	s21 =	sshll.u32 s6, $0x1;
	s3 =	sadd.s32 s4, s19  }
0x9c: {  	s7 =	simm.s32 $0x0;
	s20 =	sshll.u32 s5, $0x1;
	s5 =	sadd.s32 s21, s3  }
0x9d: {  	[timem:s7], [sflag:s22] =	dma.local [hbm:s5], s20  }
0x9e: {  	_ =	swait.ge [sflag:s22], s20  }
0x9f: {  	s4 =	ssub.s32 $0x0, s20;
	[sflag:s22] =	ssyncset.done $0x0  }
0xa0: {  	[sflag:s22] =	ssyncadd.s32 s4;
	_ =	sdelay $0x1  }
0xa1: {  	s23 =	simm.s32 $0x1B8B  }
0xa2: {  	_ =	swait.ge [sflag:s23], $0x1  }
0xa3: {  	[sflag:s23] =	ssyncset.done $0x0  }
0xa4: {  	s25 =	simm.s32 $0x1B8E;
	s24 =	sld [smem:$0x3FFE];
	[sflag:s23] =	ssyncadd.s32 $0xFFFFFFFF  }
0xa5: {  	s26 =	simm.s32 $execute0_lowered;
	[smem:$0x3FD2] =	sst s25  }
0xa6: {  	s5 =	sshll.u32 s26, $0x1;
	_ =	strace $0x80000049;
	[dreg:$0x1] =	wrdreg $0xFFFFFFFF  }
0xa7: {  	s28 =	simm.s32 $_size_execute0_lowered;
	s3 =	sadd.s32 s3, s5;
	[dreg:$0x0] =	wrdreg $0x0  }
0xa8: {  	s5 =	sshll.u32 s28, $0x1;
	[dreg:$0x2] =	wrdreg s3  }
0xa9: {  	[dreg:$0x3] =	wrdreg s5  }
0xaa: {  	[dreg:$0x4] =	wrdreg $0xC0  }
0xab: {  	_ =	task [dreg:s7], $0x5FFFF  }
0xac: {  	[dreg:$0x1] =	wrdreg $0xFFFFFFFF  }
0xad: {  	[dreg:$0x0] =	wrdreg $0x60  }
0xae: {  	[dreg:$0x2] =	wrdreg s2  }
0xaf: {  	[dreg:$0x3] =	wrdreg s24  }
0xb0: {  	[dreg:$0x4] =	wrdreg $0x0  }
0xb1: {  	[dreg:$0x5] =	wrdreg $0x9  }
0xb2: {  	_ =	task.clear_ibuf [dreg:s7], $0x6FFFF;
	_ =	strace $0x90000049  }
0xb3: {  	s29 =	simm.s32 $0x9;
	_ =	strace $0x8000004B  }
0xb4: {  	_ =	swait.ge [sflag:s29], $0x1  }
0xb5: {  	[sflag:s29] =	ssyncadd.s32 $0xFFFFFFFF  }
0xb6: {  	_ =	strace $0x9000004B  }
0xb7: {  	_ =	sfence  }
0xb8: {  	s30 =	sld [smem:$0x0];
	_ =	sdelay $0x2  }
0xb9: {  	s31 =	sshll.u32 s1, $0xD;
	s1 =	sshrl.u32 s1, $0x2  }
0xba: {  	s3 =	sand.u32 $0x4000, s31;
	s1 =	sadd.s32 s1, s30  }
0xbb: {  	s0 =	sor.u32 s3, s0;
	s1 =	sshll.u32 s1, $0x11  }
0xbc: {  	s0 =	sor.u32 s1, s0  }
0xbd: {  	s0 =	sadd.s32 $0x8F2B, s0  }
0xbe: {  	[sflag:s0] =	ssyncadd.remote.s32 $0x1  }
0xbf: {  	_ =	sfence.sel $0xFFFF  }
0xc0: {  	[dreg:$0x0] =	wrdreg $0xFFFFFFFF;
	(pc) =	sbr.abs _section_cstart, $3  }
0xc1: {  	[dreg:$0x1] =	wrdreg $0xFFFFFFFF  }
0xc2: {  	_ =	task.clear_ibuf [dreg:s7], $0x2FFFF;
	_ =	strace $0x9FFFFFFF  }
0xc3: {  	(tm) =	ssettm $0x7FFFFFFF  }
tec
execute0_lowered:
.L_overlay_start_1:
0x0: {  	(tag) =	ssettag $0x1  }
0x1: {  	s1 =	rddreg [dreg:$0x0]  }
0x2: {  	s0 =	rddreg [dreg:$0x1];
	s2 =	srdreg.scid  }
0x3: {  	s12 =	stileid.u32;
	s3 =	rddreg [dreg:$0x2];
	s4 =	simm.s32 $0x0  }
0x4: {  	s2 =	sand.u32 $0x1, s2;
	s5 =	sshll.u32 s12, $0x1;
	s9 =	smul.u32 $0x50000, s12  }
0x5: {  	[smem:$0x7FF] =	sst s4;
	s6 =	sadd.s32 $0x2800, s0;
	s17 =	smul.u32 $0x14000, s12  }
0x6: {  	s0 =	sadd.s32 $0x16200, s0;
	s19 =	smul.u32 $0x4E20, s12;
	p0 =	seq.s32 s12, $0xF  }
0x7: {  	s12 =	simm.s32 $0x15080;
	s5 =	sor.u32 s2, s5;
	s14 =	smul.u32 $0x138800, s2  }
0x8: {  	_ =	strace $0x8000004A;
	s7 =	ssub.s32 $0x2, s2;
	s2 =	smul.u32 $0x2710, s2  }
0x9: {  	s5 =	smul.u32 $0x2710, s5;
	s8 =	sshrl.u32 s7, $0x1;
	s11 =	sshrl.u32 s9, $0x2  }
0xa: {  	s7 =	ssub.s32 s7, s8;
	s11 =	sadd.s32 s11, s3;
	s9 =	sadd.s32 s17, s14  }
0xb: {  	s8 =	sshrl.u32 s14, $0x3;
	s2 =	sadd.s32 s2, s19;
	s14 =	simm.s32 $0x3  }
0xc: {  	s17 =	simm.s32 $0x2;
	s19 =	simm.s32 $0x0;
	s5 =	sshrl.u32 s5, $0x3  }
0xd: {  	s15 =	sadd.s32 $0x1000, s11;
	s16 =	sadd.s32 $0x2000, s11;
	s18 =	sadd.s32 $0x4000, s11  }
0xe: {  	s20 =	sadd.s32 $0x6000, s11;
	s21 =	sadd.s32 $0x7000, s11;
	[dreg:$0x9] =	wrdreg s15  }
0xf: {  	s9 =	sshrl.u32 s9, $0x3;
	s22 =	sadd.s32 $0xF0, s2;
	[dreg:$0xa] =	wrdreg s16  }
0x10: {  	s2 =	sadd.s32 $0x4E2F0, s2;
	s23 =	sadd.s32 $0x8000, s11;
	[dreg:$0xc] =	wrdreg s18  }
0x11: {  	s28 =	sadd.s32 $0xA000, s11;
	s29 =	sadd.s32 $0xB000, s11;
	[dreg:$0xe] =	wrdreg s20  }
0x12: {  	s30 =	sadd.s32 $0xC000, s11;
	s31 =	sadd.s32 $0xD000, s11;
	[dreg:$0xf] =	wrdreg s21  }
0x13: {  	s5 =	sadd.s32 s6, s5;
	s9 =	sadd.s32 s0, s9;
	[dreg:$0x11] =	wrdreg s23  }
0x14: {  	s0 =	sadd.s32 s0, s8;
	s24 =	sadd.s32 $0x9C40, s5;
	[dreg:$0x10] =	wrdreg s9  }
0x15: {  	s8 =	sshrl.u32 s22, $0x3;
	s25 =	sadd.s32 $0xA, s5;
	[dreg:$0x4] =	wrdreg s24  }
0x16: {  	s2 =	sshrl.u32 s2, $0x3;
	s26 =	sadd.s32 $0x9C4A, s5;
	[dreg:$0x5] =	wrdreg s25  }
0x17: {  	s15 =	simm.s32 $0x1;
	s10 =	sadd.s32 $0x14, s5;
	[dreg:$0x6] =	wrdreg s26  }
0x18: {  	s16 =	simm.s32 $0x50;
	s13 =	sadd.s32 $0x9C54, s5;
	[dreg:$0x7] =	wrdreg s10  }
0x19: {  	s18 =	simm.s32 $0x4;
	s0 =	sadd.s32 $0x25800, s0;
	[dreg:$0x8] =	wrdreg s13  }
0x1a: {  	s9 =	sadd.s32 $0x13000, s11;
	s10 =	sadd.s32 $0x3000, s11;
	[dreg:$0x12] =	wrdreg s0  }
0x1b: {  	s13 =	sadd.s32 $0x5000, s11;
	s24 =	sadd.s32 s8, s6;
	[dreg:$0xb] =	wrdreg s10  }
0x1c: {  	s25 =	sadd.s32 s2, s6;
	s0 =	sadd.s32 $0x12C000, s3;
	[dreg:$0xd] =	wrdreg s13  }
.Ltmp0:
0x1d: {  	s26 =	smax.u32 s7, $0x1;
	[dreg:$0x13] =	wrdreg s24;
	(pc) =	sbr.rel .LBB2_1-.Ltmp0, $4  }
0x1e: {  	s2 =	sadd.s32 $0xE000, s11;
	s6 =	sadd.s32 $0x10000, s11;
	[dreg:$0x14] =	wrdreg s25  }
0x1f: {  	s7 =	sadd.s32 $0x11000, s11;
	s8 =	sadd.s32 $0x12000, s11;
	[dreg:$0x15] =	wrdreg s26  }
0x20: {  	s0 =	sshrl.u32 @p0 s0, $0x3;
	s26 =	sadd.s32 $0x9000, s11;
	s10 =	simm.s32 $0x15000  }
0x21: {  	v0 =	vimm.f32 $0.0e+00;
	s13 =	simm.s32 $0x14000;
	[dreg:$0x16] =	wrdreg s0;
	s0 =	sadd.s32 $0xF000, s11  }
.LBB2_9:
0x22: {  	[bflag:$0x0] =	sbarrier.arrive $0xFFFF  }
0x23: {  	s21 =	rddreg [dreg:$0x12]  }
0x24: {  	s20 =	simm.s32 @p0 $0x1FC4;
	s22 =	rddreg [dreg:$0x16]  }
0x25: {  	[hbm:s21], [sflag:s20] =	dma.local @p0 [spmem:s22], $0x1900  }
0x26: {  	s20 =	simm.s32 @p0 $0x4  }
0x27: {  	s21 =	stileid.u32;
	_ =	swait.ge @p0 [sflag:s20], $0x1900  }
0x28: {  	s21 =	sshll.u32 @!p0 s21, $0x6;
	[sflag:s20] =	ssyncset.done @p0 $0x0;
	s22 =	rddreg [dreg:$0x10]  }
0x29: {  	[sflag:s20] =	ssyncadd.s32 @p0 $0xFFFFE700;
	s20 =	sor.u32 @!p0 $0x1C04, s21;
	s21 =	sshrl.u32 @!p0 s11, $0x3  }
0x2a: {  	[hbm:s22], [sflag:s20] =	dma.local @!p0 [spmem:s21], $0x2800  }
0x2b: {  	s20 =	simm.s32 @!p0 $0x4  }
0x2c: {  	_ =	swait.ge @!p0 [sflag:s20], $0x2800  }
0x2d: {  	s19 =	sadd.s32 $0x1, s19;
	s25 =	rddreg [dreg:$0x15]  }
0x2e: {  	p1 =	sne.s32 s19, s25  }
.Ltmp1:
0x2f: {  	_ = 	snop;
	(pc) =	sbr.rel @!p1 .LBB2_10-.Ltmp1, $3  }
0x30: {  	_ =	sdelay $0x1  }
0x31: {  	[sflag:s20] =	ssyncset.done @!p0 $0x0  }
0x32: {  	[sflag:s20] =	ssyncadd.s32 @!p0 $0xFFFFD800  }
.LBB2_1:
0x33: {  	[tilespmem:s10], [sflag:$0x1] =	stream.linear.gather [hbm4b:s5+s4], $0x50, $0x38;
	[tilespmem:$0x1F800] =	vst v63  }
0x34: {  	s20 =	rddreg [dreg:$0x4];
	s21 =	simm.s32 $0x15400  }
0x35: {  	[tilespmem:s21], [sflag:$0x1] =	stream.linear.gather [hbm4b:s20+s4], $0x50, $0x38;
	[tilespmem:$0x1F800] =	vst v63  }
0x36: {  	s23 =	rddreg [dreg:$0x5]  }
0x37: {  	[tilespmem:s12], [sflag:$0x1] =	stream.linear.gather [hbm4b:s23+s4], $0x50, $0x38;
	[tilespmem:$0x1F800] =	vst v63  }
0x38: {  	s24 =	rddreg [dreg:$0x6];
	s25 =	simm.s32 $0x15480  }
0x39: {  	[tilespmem:s25], [sflag:$0x1] =	stream.linear.gather [hbm4b:s24+s4], $0x50, $0x38;
	[tilespmem:$0x1F800] =	vst v63  }
0x3a: {  	s22 =	simm.s32 $0x15100;
	s21 =	rddreg [dreg:$0x7]  }
0x3b: {  	[tilespmem:s22], [sflag:$0x1] =	stream.linear.gather [hbm4b:s21+s4], $0x50, $0x38;
	[tilespmem:$0x1F800] =	vst v63  }
0x3c: {  	s23 =	rddreg [dreg:$0x8];
	s24 =	simm.s32 $0x15500;
	s25 =	sand.u32 $0x3E00, s4  }
0x3d: {  	[tilespmem:s24], [sflag:$0x1] =	stream.linear.gather [hbm4b:s23+s4], $0x50, $0x38;
	[tilespmem:$0x1F800] =	vst v63  }
0x3e: {  	s22 =	sand.u32 $0x70, s4;
	s23 =	sshrl.u32 s25, $0x2  }
0x3f: {  	s20 =	simm.s32 $0x40;
	s23 =	sor.u32 s22, s23;
	s22 =	simm.s32 $0x0  }
.LBB2_2:
0x40: {  	p1 =	sne.s32 s20, $0x3FC0  }
0x41: {  	[tilespmem:s23+$0x14000] =	vst v0;
	s22 =	sadd.s32 $0x10, s22;
	s23 =	smov.u32 s20;
	s20 =	sadd.s32 $0x40, s20  }
.Ltmp2:
0x42: {  	(pc) =	sbr.rel @p1 .LBB2_2-.Ltmp2, $4  }
0x43: {  	_ = 	snop  }
0x44: {  	s23 =	sand.u32 $0x3E00, s23  }
0x45: {  	s24 =	sand.u32 $0x70, s22;
	s23 =	sshrl.u32 s23, $0x2  }
0x46: {  	s23 =	sor.u32 s24, s23  }
0x47: {  	[tilespmem:s23+$0x14000] =	vst v0  }
0x48: {  	[spmem:s11] =	stream.linear.scatter [tilespmem:s13], [sflag:$0x3], $0x1000, $0x38;
	[tilespmem:$0x1F800] =	vst v63  }
0x49: {  	s20 =	rddreg [dreg:$0x9]  }
0x4a: {  	[spmem:s20] =	stream.linear.scatter [tilespmem:s13], [sflag:$0x3], $0x1000, $0x38;
	[tilespmem:$0x1F800] =	vst v63  }
0x4b: {  	s22 =	rddreg [dreg:$0xa]  }
0x4c: {  	[spmem:s22] =	stream.linear.scatter [tilespmem:s13], [sflag:$0x3], $0x1000, $0x38;
	[tilespmem:$0x1F800] =	vst v63  }
0x4d: {  	s23 =	rddreg [dreg:$0xb]  }
0x4e: {  	[spmem:s23] =	stream.linear.scatter [tilespmem:s13], [sflag:$0x3], $0x1000, $0x38;
	[tilespmem:$0x1F800] =	vst v63  }
0x4f: {  	s24 =	rddreg [dreg:$0xc]  }
0x50: {  	[spmem:s24] =	stream.linear.scatter [tilespmem:s13], [sflag:$0x3], $0x1000, $0x38;
	[tilespmem:$0x1F800] =	vst v63  }
0x51: {  	s25 =	rddreg [dreg:$0xd]  }
0x52: {  	[spmem:s25] =	stream.linear.scatter [tilespmem:s13], [sflag:$0x3], $0x1000, $0x38;
	[tilespmem:$0x1F800] =	vst v63  }
0x53: {  	s21 =	rddreg [dreg:$0xe]  }
0x54: {  	[spmem:s21] =	stream.linear.scatter [tilespmem:s13], [sflag:$0x3], $0x1000, $0x38;
	[tilespmem:$0x1F800] =	vst v63  }
0x55: {  	s22 =	rddreg [dreg:$0xf]  }
0x56: {  	[spmem:s22] =	stream.linear.scatter [tilespmem:s13], [sflag:$0x3], $0x1000, $0x38;
	[tilespmem:$0x1F800] =	vst v63  }
0x57: {  	s23 =	rddreg [dreg:$0x11]  }
0x58: {  	[spmem:s23] =	stream.linear.scatter [tilespmem:s13], [sflag:$0x3], $0x1000, $0x38;
	[tilespmem:$0x1F800] =	vst v63  }
0x59: {  	_ = 	snop  }
0x5a: {  	[spmem:s26] =	stream.linear.scatter [tilespmem:s13], [sflag:$0x3], $0x1000, $0x38;
	[tilespmem:$0x1F800] =	vst v63  }
0x5b: {  	_ = 	snop  }
0x5c: {  	[spmem:s28] =	stream.linear.scatter [tilespmem:s13], [sflag:$0x3], $0x1000, $0x38;
	[tilespmem:$0x1F800] =	vst v63  }
0x5d: {  	_ = 	snop  }
0x5e: {  	[spmem:s29] =	stream.linear.scatter [tilespmem:s13], [sflag:$0x3], $0x1000, $0x38;
	[tilespmem:$0x1F800] =	vst v63  }
0x5f: {  	_ = 	snop  }
0x60: {  	[spmem:s30] =	stream.linear.scatter [tilespmem:s13], [sflag:$0x3], $0x1000, $0x38;
	[tilespmem:$0x1F800] =	vst v63  }
0x61: {  	_ = 	snop  }
0x62: {  	[spmem:s31] =	stream.linear.scatter [tilespmem:s13], [sflag:$0x3], $0x1000, $0x38;
	[tilespmem:$0x1F800] =	vst v63  }
0x63: {  	_ = 	snop  }
0x64: {  	[spmem:s2] =	stream.linear.scatter [tilespmem:s13], [sflag:$0x3], $0x1000, $0x38;
	[tilespmem:$0x1F800] =	vst v63  }
0x65: {  	_ = 	snop  }
0x66: {  	[spmem:s0] =	stream.linear.scatter [tilespmem:s13], [sflag:$0x3], $0x1000, $0x38;
	[tilespmem:$0x1F800] =	vst v63  }
0x67: {  	_ = 	snop  }
0x68: {  	[spmem:s6] =	stream.linear.scatter [tilespmem:s13], [sflag:$0x3], $0x1000, $0x38;
	[tilespmem:$0x1F800] =	vst v63  }
0x69: {  	_ = 	snop  }
0x6a: {  	[spmem:s7] =	stream.linear.scatter [tilespmem:s13], [sflag:$0x3], $0x1000, $0x38;
	[tilespmem:$0x1F800] =	vst v63  }
0x6b: {  	_ = 	snop  }
0x6c: {  	[spmem:s8] =	stream.linear.scatter [tilespmem:s13], [sflag:$0x3], $0x1000, $0x38;
	[tilespmem:$0x1F800] =	vst v63  }
0x6d: {  	_ = 	snop  }
0x6e: {  	[spmem:s9] =	stream.linear.scatter [tilespmem:s13], [sflag:$0x3], $0x1000, $0x38;
	[tilespmem:$0x1F800] =	vst v63  }
0x6f: {  	_ =	swait.ge [sflag:s14], $0x1000  }
0x70: {  	[sflag:s14] =	ssyncset.done $0x0  }
0x71: {  	[sflag:s14] =	ssyncadd.s32 $0xFFFFF000  }
0x72: {  	_ =	swait.ge [sflag:s14], $0x1000  }
0x73: {  	[sflag:s14] =	ssyncset.done $0x0  }
0x74: {  	[sflag:s14] =	ssyncadd.s32 $0xFFFFF000  }
0x75: {  	_ =	swait.ge [sflag:s14], $0x1000  }
0x76: {  	[sflag:s14] =	ssyncset.done $0x0  }
0x77: {  	[sflag:s14] =	ssyncadd.s32 $0xFFFFF000  }
0x78: {  	_ =	swait.ge [sflag:s14], $0x1000  }
0x79: {  	[sflag:s14] =	ssyncset.done $0x0  }
0x7a: {  	[sflag:s14] =	ssyncadd.s32 $0xFFFFF000  }
0x7b: {  	_ =	swait.ge [sflag:s14], $0x1000  }
0x7c: {  	[sflag:s14] =	ssyncset.done $0x0  }
0x7d: {  	[sflag:s14] =	ssyncadd.s32 $0xFFFFF000  }
0x7e: {  	_ =	swait.ge [sflag:s14], $0x1000  }
0x7f: {  	[sflag:s14] =	ssyncset.done $0x0  }
0x80: {  	[sflag:s14] =	ssyncadd.s32 $0xFFFFF000  }
0x81: {  	_ =	swait.ge [sflag:s14], $0x1000  }
0x82: {  	[sflag:s14] =	ssyncset.done $0x0  }
0x83: {  	[sflag:s14] =	ssyncadd.s32 $0xFFFFF000  }
0x84: {  	_ =	swait.ge [sflag:s14], $0x1000  }
0x85: {  	[sflag:s14] =	ssyncset.done $0x0  }
0x86: {  	[sflag:s14] =	ssyncadd.s32 $0xFFFFF000  }
0x87: {  	_ =	swait.ge [sflag:s14], $0x1000  }
0x88: {  	[sflag:s14] =	ssyncset.done $0x0  }
0x89: {  	[sflag:s14] =	ssyncadd.s32 $0xFFFFF000  }
0x8a: {  	_ =	swait.ge [sflag:s14], $0x1000  }
0x8b: {  	[sflag:s14] =	ssyncset.done $0x0  }
0x8c: {  	[sflag:s14] =	ssyncadd.s32 $0xFFFFF000  }
0x8d: {  	_ =	swait.ge [sflag:s14], $0x1000  }
0x8e: {  	[sflag:s14] =	ssyncset.done $0x0  }
0x8f: {  	[sflag:s14] =	ssyncadd.s32 $0xFFFFF000  }
0x90: {  	_ =	swait.ge [sflag:s14], $0x1000  }
0x91: {  	[sflag:s14] =	ssyncset.done $0x0  }
0x92: {  	[sflag:s14] =	ssyncadd.s32 $0xFFFFF000  }
0x93: {  	_ =	swait.ge [sflag:s14], $0x1000  }
0x94: {  	[sflag:s14] =	ssyncset.done $0x0  }
0x95: {  	[sflag:s14] =	ssyncadd.s32 $0xFFFFF000  }
0x96: {  	_ =	swait.ge [sflag:s14], $0x1000  }
0x97: {  	[sflag:s14] =	ssyncset.done $0x0  }
0x98: {  	[sflag:s14] =	ssyncadd.s32 $0xFFFFF000  }
0x99: {  	_ =	swait.ge [sflag:s14], $0x1000  }
0x9a: {  	[sflag:s14] =	ssyncset.done $0x0  }
0x9b: {  	[sflag:s14] =	ssyncadd.s32 $0xFFFFF000  }
0x9c: {  	_ =	swait.ge [sflag:s14], $0x1000  }
0x9d: {  	[sflag:s14] =	ssyncset.done $0x0  }
0x9e: {  	[sflag:s14] =	ssyncadd.s32 $0xFFFFF000  }
0x9f: {  	_ =	swait.ge [sflag:s14], $0x1000  }
0xa0: {  	[sflag:s14] =	ssyncset.done $0x0  }
0xa1: {  	[sflag:s14] =	ssyncadd.s32 $0xFFFFF000  }
0xa2: {  	_ =	swait.ge [sflag:s14], $0x1000  }
0xa3: {  	[sflag:s14] =	ssyncset.done $0x0  }
0xa4: {  	[sflag:s14] =	ssyncadd.s32 $0xFFFFF000  }
0xa5: {  	_ =	swait.ge [sflag:s14], $0x1000  }
0xa6: {  	[sflag:s14] =	ssyncset.done $0x0  }
0xa7: {  	[sflag:s14] =	ssyncadd.s32 $0xFFFFF000  }
0xa8: {  	_ =	swait.ge [sflag:s14], $0x1000  }
0xa9: {  	[sflag:s14] =	ssyncset.done $0x0  }
0xaa: {  	[sflag:s14] =	ssyncadd.s32 $0xFFFFF000  }
0xab: {  	[bflag:$0x0] =	sbarrier.arrive $0xFFFF  }
0xac: {  	_ =	swait.ge [sflag:s15], $0x50  }
0xad: {  	[sflag:s15] =	ssyncset.done $0x0  }
0xae: {  	[sflag:s15] =	ssyncadd.s32 $0xFFFFFFB0  }
0xaf: {  	_ =	swait.ge [sflag:s15], $0x50  }
0xb0: {  	[sflag:s15] =	ssyncset.done $0x0  }
0xb1: {  	s24 =	simm.s32 $0x15800;
	[sflag:s15] =	ssyncadd.s32 $0xFFFFFFB0  }
0xb2: {  	[tilespmem:s24], [sflag:$0x2] =	stream.indirect.gather [hbm4b:s1+s16], $0x80, s10, s16, $0xb8;
	[tilespmem:$0x1F800] =	vst v63  }
0xb3: {  	_ =	swait.ge [sflag:s15], $0x50  }
0xb4: {  	[sflag:s15] =	ssyncset.done $0x0  }
.Ltmp3:
0xb5: {  	[sflag:s15] =	ssyncadd.s32 $0xFFFFFFB0;
	(pc) =	sbr.rel .LBB2_4-.Ltmp3, $4  }
0xb6: {  	_ =	swait.ge [sflag:s15], $0x50  }
0xb7: {  	s20 =	simm.s32 $0x0;
	[sflag:s15] =	ssyncset.done $0x0;
	s23 =	rddreg [dreg:$0x14]  }
0xb8: {  	s25 =	simm.s32 $0x18000;
	s22 =	rddreg [dreg:$0x13];
	[sflag:s15] =	ssyncadd.s32 $0xFFFFFFB0  }
0xb9: {  	[tilespmem:s25], [sflag:$0x2] =	stream.indirect.gather [hbm4b:s1+s16], $0x80, s12, s16, $0xb8;
	[tilespmem:$0x1F800] =	vst v63  }
.LBB2_5:
0xba: {  	s24 =	sadd.s32 $0x3, s20  }
0xbb: {  	s21 =	smul.u32 $0xCD, s24;
	_ =	sdelay $0x1  }
0xbc: {  	s21 =	sshrl.u32 s21, $0xA  }
0xbd: {  	s21 =	sand.u32 $0x3F, s21  }
0xbe: {  	s21 =	smul.u32 $0x5, s21;
	_ =	sdelay $0x1  }
0xbf: {  	s21 =	ssub.s32 s24, s21  }
0xc0: {  	s21 =	sand.u32 $0xFF, s21  }
0xc1: {  	s21 =	sshll.u32 s21, $0x7  }
0xc2: {  	s25 =	sor.u32 $0x15000, s21  }
0xc3: {  	[tilespmem:s25], [sflag:$0x1] =	stream.linear.gather [hbm4b:s22+s4], $0x50, $0x38;
	[tilespmem:$0x1F800] =	vst v63  }
0xc4: {  	s21 =	sor.u32 $0x15400, s21  }
0xc5: {  	[tilespmem:s21], [sflag:$0x1] =	stream.linear.gather [hbm4b:s23+s4], $0x50, $0x38;
	[tilespmem:$0x1F800] =	vst v63  }
.LBB2_7:
0xc6: {  	s21 =	sadd.s32 $0x2, s20  }
0xc7: {  	s24 =	smul.u32 $0xCD, s21;
	_ =	sdelay $0x1  }
0xc8: {  	s24 =	sshrl.u32 s24, $0xA  }
0xc9: {  	s24 =	sand.u32 $0x3F, s24  }
0xca: {  	_ =	swait.ge [sflag:s15], $0x50;
	s24 =	smul.u32 $0x5, s24  }
0xcb: {  	[sflag:s15] =	ssyncset.done $0x0;
	s25 =	sand.u32 $0x3, s21  }
0xcc: {  	[sflag:s15] =	ssyncadd.s32 $0xFFFFFFB0;
	s25 =	smul.u32 $0xA000, s25;
	s21 =	ssub.s32 s21, s24  }
0xcd: {  	_ =	swait.ge [sflag:s15], $0x50;
	s21 =	sand.u32 $0x5F, s21  }
0xce: {  	[sflag:s15] =	ssyncset.done $0x0;
	s24 =	sshrl.u32 s25, $0x2;
	s21 =	sshll.u32 s21, $0x7  }
0xcf: {  	[sflag:s15] =	ssyncadd.s32 $0xFFFFFFB0;
	s24 =	sadd.s32 $0x15800, s24;
	s21 =	sor.u32 $0x15000, s21  }
0xd0: {  	[tilespmem:s24], [sflag:$0x2] =	stream.indirect.gather [hbm4b:s1+s16], $0x80, s21, s16, $0xb8;
	[tilespmem:$0x1F800] =	vst v63  }
.LBB2_8:
0xd1: {  	s21 =	smul.u32 $0xCD, s20;
	_ =	sdelay $0x1  }
0xd2: {  	s21 =	sshrl.u32 s21, $0xA  }
0xd3: {  	s21 =	sand.u32 $0x3F, s21  }
0xd4: {  	s21 =	smul.u32 $0x5, s21  }
0xd5: {  	s24 =	sand.u32 $0x3, s20  }
0xd6: {  	s24 =	smul.u32 $0xA000, s24;
	s21 =	ssub.s32 s20, s21  }
0xd7: {  	s20 =	sadd.s32 $0x1, s20;
	s21 =	sand.u32 $0x57, s21  }
0xd8: {  	s24 =	sshrl.u32 s24, $0x2;
	p1 =	sne.s32 s20, $0x7D;
	s21 =	sshll.u32 s21, $0x7  }
.Ltmp4:
0xd9: {  	s24 =	sadd.s32 $0x15800, s24;
	s21 =	sor.u32 $0x15400, s21;
	(pc) =	sbr.rel @!p1 .LBB2_9-.Ltmp4, $4  }
0xda: {  	[spmem:s3] =	stream.indirect.scatter.add.f32 [tilespmem:s24], [sflag:$0x4], $0x80, s21, s16, $0xb8;
	[tilespmem:$0x1F800] =	vst v63  }
0xdb: {  	_ =	swait.ge [sflag:s18], $0x2800  }
0xdc: {  	[sflag:s18] =	ssyncset.done $0x0  }
0xdd: {  	s22 =	sadd.s32 $0xA, s22;
	s23 =	sadd.s32 $0xA, s23;
	[sflag:s18] =	ssyncadd.s32 $0xFFFFD800  }
.LBB2_4:
0xde: {  	p1 =	sgt.u32 s20, $0x79  }
.Ltmp5:
0xdf: {  	_ = 	snop;
	(pc) =	sbr.rel @!p1 .LBB2_5-.Ltmp5, $4  }
0xe0: {  	_ = 	snop  }
0xe1: {  	_ =	swait.ge [sflag:s17], $0x2800  }
0xe2: {  	[sflag:s17] =	ssyncset.done $0x0  }
0xe3: {  	[sflag:s17] =	ssyncadd.s32 $0xFFFFD800  }
0xe4: {  	p1 =	sne.s32 s20, $0x7A  }
.Ltmp6:
0xe5: {  	_ = 	snop;
	(pc) =	sbr.rel @p1 .LBB2_8-.Ltmp6, $4  }
.Ltmp7:
0xe6: {  	_ = 	snop;
	(pc) =	sbr.rel @!p1 .LBB2_7-.Ltmp7, $4  }
0xe7: {  	_ = 	snop  }
0xe8: {  	_ = 	snop  }
0xe9: {  	_ = 	snop  }
0xea: {  	_ = 	snop  }
.LBB2_10:
0xeb: {  	_ =	sfence.sel $0x180000  }
0xec: {  	[bflag:$0x0] =	sbarrier.arrive $0xFFFF  }
0xed: {  	_ =	strace $0x9000004A  }
0xee: {  	s0 =	stileid.u32;
	[bflag:$0x2] =	sbarrier.arrive $0xFFFF  }
0xef: {  	p0 =	sne.s32 s0, $0x0;
	s0 =	rddreg [dreg:$0x3]  }
0xf0: {  	s0 =	sadd.s32 @!p0 $0x100000, s0  }
0xf1: {  	[sflag:s0] =	ssyncadd.tile.s32 @!p0 $0x1;
	_ =	shalt  }
.Lfunc_end2:
_tile_overlayer_lowered:
.L_overlay_start_2:
0xf2: {  	(tag) =	ssettag $0x2  }
0xf3: {  	s0 =	rddreg [dreg:$0x0];
	s2 =	stileid.u32  }
0xf4: {  	s1 =	rddreg [dreg:$0x1];
	p0 =	sne.s32 s2, $0x0  }
0xf5: {  	s3 =	rddreg [dreg:$0x2];
	[bflag:$0x3] =	sbarrier.arrive $0xFFFF;
	s2 =	simm.s32 @!p0 $0x1C04  }
0xf6: {  	[timem:s3], [sflag:s2] =	dma.local @!p0 [hbm:s0], s1  }
0xf7: {  	s0 =	simm.s32 @!p0 $0x4  }
0xf8: {  	_ =	swait.ge @!p0 [sflag:s0], s1  }
0xf9: {  	s1 =	ssub.s32 @!p0 $0x0, s1;
	[sflag:s0] =	ssyncset.done @!p0 $0x0  }
0xfa: {  	[sflag:s0] =	ssyncadd.s32 @!p0 s1  }
0xfb: {  	[bflag:$0x3] =	sbarrier.arrive $0xFFFF  }
0xfc: {  	_ =	shalt  }

</sc_bundles>
